<compile_context>
chip_gen: v7x
topology: tpu7x:2x2x1
jax: 0.10.2.dev20260603
libtpu: 0.0.44.dev20260713+nightly
codegen_flags: <defaults>
</compile_context>

<pallas_src>
import functools

import jax
import jax.numpy as jnp
from jax import lax
from jax.experimental import pallas as pl
from jax.experimental.pallas import tpu as pltpu
from jax.experimental.pallas import tpu_sc as plsc

VOCAB = 1000000
EMBED = 64
BATCH = 4096
NUM_NEG = 64
LANES = 128
NBUF = 8

_NC = 2
_NS = 16
_NW = _NC * _NS
_BPW = BATCH // _NW
_NPW = NUM_NEG // 8


def _sc_gather(headT, tailT, biasT, head_idx, tail_idx, neg_idx):
  mesh = plsc.VectorSubcoreMesh(core_axis_name="c", subcore_axis_name="s")

  @functools.partial(
      pl.kernel,
      mesh=mesh,
      compiler_params=pltpu.CompilerParams(needs_layout_passes=False),
      out_type=[
          jax.ShapeDtypeStruct((BATCH, EMBED), jnp.float32),
          jax.ShapeDtypeStruct((BATCH, EMBED), jnp.float32),
          jax.ShapeDtypeStruct((BATCH, 16), jnp.float32),
          jax.ShapeDtypeStruct((NUM_NEG, EMBED), jnp.float32),
      ],
      scratch_types=[
          pltpu.VMEM((_BPW + 16,), jnp.int32),
          pltpu.VMEM((_BPW, EMBED), jnp.float32),
          pltpu.VMEM((_BPW, 16), jnp.float32),
          [pltpu.VMEM((EMBED, LANES), jnp.float32) for _ in range(NBUF)],
          [pltpu.VMEM((1, LANES), jnp.float32) for _ in range(NBUF)],
          pltpu.SemaphoreType.DMA,
          pltpu.SemaphoreType.DMA,
      ],
  )
  def k(headT_hbm, tailT_hbm, biasT_hbm, hidx_hbm, tidx_hbm, nidx_hbm,
        head_out, tail_out, bias_out, neg_out,
        idx_v, rows_v, brows_v, chunks, bchunks, sem, bsem):
    wid = lax.axis_index("s") * _NC + lax.axis_index("c")
    base = wid * _BPW

    def gather_table(tabT_hbm, idx_hbm, idx_base, n, out_ref, out_base,
                     with_bias):
      pltpu.sync_copy(idx_hbm.at[pl.ds(idx_base, n)], idx_v.at[pl.ds(0, n)])

      def group(g, _):
        gbase = g * NBUF
        vec = idx_v[pl.ds(gbase, 16)]
        copies, bcopies = [], []
        for b in range(NBUF):
          off = pl.multiple_of((vec[b] >> 7) * LANES, LANES)
          copies.append(pltpu.async_copy(
              tabT_hbm.at[:, pl.ds(off, LANES)], chunks[b], sem))
          if with_bias:
            bcopies.append(pltpu.async_copy(
                biasT_hbm.at[:, pl.ds(off, LANES)], bchunks[b], bsem))
        for b in range(NBUF):
          copies[b].wait()
          lane_idx = jnp.full((16,), vec[b] & (LANES - 1), dtype=jnp.int32)
          for j in range(EMBED // 16):
            row_idx = lax.iota(jnp.int32, 16) + (16 * j)
            vals = plsc.load_gather(chunks[b], [row_idx, lane_idx])
            rows_v[gbase + b, pl.ds(16 * j, 16)] = vals
          if with_bias:
            bcopies[b].wait()
            zero_idx = jnp.zeros((16,), dtype=jnp.int32)
            bvals = plsc.load_gather(bchunks[b], [zero_idx, lane_idx])
            brows_v[gbase + b, pl.ds(0, 16)] = bvals
        return 0

      lax.fori_loop(0, n // NBUF, group, 0, unroll=False)
      pltpu.sync_copy(rows_v.at[pl.ds(0, n)], out_ref.at[pl.ds(out_base, n)])
      if with_bias:
        pltpu.sync_copy(brows_v.at[pl.ds(0, n)],
                        bias_out.at[pl.ds(out_base, n)])

    gather_table(headT_hbm, hidx_hbm, base, _BPW, head_out, base, False)
    gather_table(tailT_hbm, tidx_hbm, base, _BPW, tail_out, base, True)

    @pl.when(wid < 8)
    def _():
      gather_table(tailT_hbm, nidx_hbm, wid * _NPW, _NPW, neg_out,
                   wid * _NPW, False)

  return k(headT, tailT, biasT, head_idx, tail_idx, neg_idx)


_LN2 = 0.6931471805599453


def _tc_body(head_ref, tail_ref, bias_ref, neg_ref, rel_ref, out_ref):
  bias = bias_ref[:, 0:1]
  ex = head_ref[...] + rel_ref[...]
  pos = jnp.sum(tail_ref[...] * ex, axis=1, keepdims=True) + bias
  pos_loss_c = jnp.log(0.5 * (1.0 + jnp.exp(-pos)))
  neg = lax.dot_general(ex, neg_ref[...],
                        dimension_numbers=(((1,), (1,)), ((), ())),
                        preferred_element_type=jnp.float32)
  neg = neg + bias
  neg_loss_c = jnp.sum(jnp.log(0.5 * (1.0 + jnp.exp(neg))), axis=1, keepdims=True)
  out_ref[0, 0] = (jnp.sum(pos_loss_c + neg_loss_c) * (1.0 / BATCH)
                   + (NUM_NEG + 1) * _LN2)


def _tc_loss(head_vec, tail_vec, bias16, neg_vec, relation_vec):
  return pl.pallas_call(
      _tc_body,
      out_shape=jax.ShapeDtypeStruct((1, 1), jnp.float32),
      in_specs=[pl.BlockSpec(memory_space=pltpu.MemorySpace.VMEM)] * 5,
      out_specs=pl.BlockSpec(memory_space=pltpu.MemorySpace.SMEM),
  )(head_vec, tail_vec, bias16, neg_vec, relation_vec)


def kernel(head_table, tail_table, relation_vec, bias_table, batch_idxs, neg_idx):
  head_idx = batch_idxs[:, 0]
  tail_idx = batch_idxs[:, 1]
  head_vec, tail_vec, bias16, neg_vec = _sc_gather(
      head_table.T, tail_table.T, bias_table.T, head_idx, tail_idx, neg_idx)
  loss = _tc_loss(head_vec, tail_vec, bias16, neg_vec, relation_vec)
  return loss[0, 0]

# --- scband reference (transcript-rebuilt; emitter-appended) ---
"""Pipeline reference for scband-knowledge-embedding-82394652606540 (READ-ONLY COPY).

The authoritative reference and input builder live on the scoring server;
editing this copy changes nothing except your own understanding.
"""

import jax, jax.numpy as jnp
import numpy as np

VOCAB = 1000000
EMBED = 64
BATCH = 4096
NUM_NEG = 64


def setup_inputs(seed: int = 0) -> dict:
    key = jax.random.key(seed)
    k1, k2, k3, k4, k5, k6 = jax.random.split(key, 6)
    initrange = 0.5 / EMBED
    # entity embedding tables of size [vocab_size+1, embed_size] (last row is padding)
    head_table = jax.random.uniform(k1, (VOCAB + 1, EMBED), minval=-initrange, maxval=initrange, dtype=jnp.float32)
    tail_table = jax.random.uniform(k2, (VOCAB + 1, EMBED), minval=-initrange, maxval=initrange, dtype=jnp.float32)
    # relation vector [1, embed_size]
    relation_vec = jax.random.uniform(k3, (1, EMBED), minval=-initrange, maxval=initrange, dtype=jnp.float32)
    # relation bias table [vocab_size+1, 1] initialized to zeros (as in the torch module)
    bias_table = jnp.zeros((VOCAB + 1, 1), dtype=jnp.float32)
    # batch of (head_idx, tail_idx) pairs
    batch_idxs = jax.random.randint(k4, (BATCH, 2), 0, VOCAB, dtype=jnp.int64 if jax.config.jax_enable_x64 else jnp.int32).astype(jnp.int32)
    # negative sampling distribution: power 0.75 normalized (mimics _make_distrib)
    distrib_raw = jax.random.uniform(k5, (VOCAB,), minval=0.1, maxval=1.0)
    distrib = distrib_raw ** 0.75
    distrib = distrib / distrib.sum()
    # torch.multinomial(distrib, num_samples, replacement=True) -> categorical sampling
    neg_idx = jax.random.categorical(k6, jnp.log(distrib), shape=(NUM_NEG,)).astype(jnp.int32)
    return {
        "head_table": head_table,
        "tail_table": tail_table,
        "relation_vec": relation_vec,
        "bias_table": bias_table,
        "batch_idxs": batch_idxs,
        "neg_idx": neg_idx,
    }


def reference(head_table, tail_table, relation_vec, bias_table, batch_idxs, neg_idx):
    # Faithful translation of kg_neg_loss for one (head, relation, tail) triple type.
    head_idxs = batch_idxs[:, 0]
    tail_idxs = batch_idxs[:, 1]
    # entity_head_vec = entity_head_embed(entity_head_idxs)
    head_vec = jnp.take(head_table, head_idxs, axis=0)            # [B, d]
    # example_vec = entity_head_vec + relation_vec
    example_vec = head_vec + relation_vec                         # [B, d]
    # entity_tail_vec = entity_tail_embed(entity_tail_idxs)
    tail_vec = jnp.take(tail_table, tail_idxs, axis=0)            # [B, d]
    # relation_bias = relation_bias_embed(entity_tail_idxs).squeeze(1)
    rel_bias = jnp.take(bias_table, tail_idxs, axis=0)[:, 0]      # [B]
    # pos_logits = bmm(pos_vec, example_vec).squeeze() + relation_bias
    pos_logits = jnp.sum(tail_vec * example_vec, axis=-1) + rel_bias  # [B]
    pos_loss = -jnp.log(jax.nn.sigmoid(pos_logits))               # [B]
    # neg_vec = entity_tail_embed(neg_sample_idx)
    neg_vec = jnp.take(tail_table, neg_idx, axis=0)               # [K, d]
    # neg_logits = mm(example_vec, neg_vec.T) + relation_bias[:, None]
    neg_logits = example_vec @ neg_vec.T + rel_bias[:, None]      # [B, K]
    # neg_loss = -neg_logits.neg().sigmoid().log().sum(1)
    neg_loss = -jnp.log(jax.nn.sigmoid(-neg_logits)).sum(axis=1)  # [B]
    loss = jnp.mean(pos_loss + neg_loss)
    return loss

if __name__ == "__main__":
    import jax
    _d = setup_inputs()
    print(jax.jit(kernel)(*tuple(_d.values())))

</pallas_src>

<mosaic_0001>
#map = affine_map<(d0, d1) -> (0, 0)>
#map1 = affine_map<(d0, d1) -> (0)>
module attributes {stable_mosaic.version = 14 : i64} {
  func.func @k(%arg0: i32, %arg1: i32, %arg2: memref<64x1000001xf32, #tpu.memory_space<hbm>>, %arg3: memref<64x1000001xf32, #tpu.memory_space<hbm>>, %arg4: memref<1x1000001xf32, #tpu.memory_space<hbm>>, %arg5: memref<4096xi32, #tpu.memory_space<hbm>>, %arg6: memref<4096xi32, #tpu.memory_space<hbm>>, %arg7: memref<64xi32, #tpu.memory_space<hbm>>, %arg8: memref<4096x64xf32, #tpu.memory_space<hbm>>, %arg9: memref<4096x64xf32, #tpu.memory_space<hbm>>, %arg10: memref<4096x16xf32, #tpu.memory_space<hbm>>, %arg11: memref<64x64xf32, #tpu.memory_space<hbm>>, %arg12: memref<144xi32, #tpu.memory_space<vmem>>, %arg13: memref<128x64xf32, #tpu.memory_space<vmem>>, %arg14: memref<128x16xf32, #tpu.memory_space<vmem>>, %arg15: memref<64x128xf32, #tpu.memory_space<vmem>>, %arg16: memref<64x128xf32, #tpu.memory_space<vmem>>, %arg17: memref<64x128xf32, #tpu.memory_space<vmem>>, %arg18: memref<64x128xf32, #tpu.memory_space<vmem>>, %arg19: memref<64x128xf32, #tpu.memory_space<vmem>>, %arg20: memref<64x128xf32, #tpu.memory_space<vmem>>, %arg21: memref<64x128xf32, #tpu.memory_space<vmem>>, %arg22: memref<64x128xf32, #tpu.memory_space<vmem>>, %arg23: memref<1x128xf32, #tpu.memory_space<vmem>>, %arg24: memref<1x128xf32, #tpu.memory_space<vmem>>, %arg25: memref<1x128xf32, #tpu.memory_space<vmem>>, %arg26: memref<1x128xf32, #tpu.memory_space<vmem>>, %arg27: memref<1x128xf32, #tpu.memory_space<vmem>>, %arg28: memref<1x128xf32, #tpu.memory_space<vmem>>, %arg29: memref<1x128xf32, #tpu.memory_space<vmem>>, %arg30: memref<1x128xf32, #tpu.memory_space<vmem>>, %arg31: memref<!tpu.dma_semaphore, #tpu.memory_space<semaphore_mem>>, %arg32: memref<!tpu.dma_semaphore, #tpu.memory_space<semaphore_mem>>) attributes {dimension_semantics = [#tpu.dimension_semantics<core_parallel>, #tpu.dimension_semantics<subcore_parallel>], iteration_bounds = array<i64: 2, 16>, scalar_prefetch = 0 : i64, scratch_operands = 21 : i64, tpu.core_type = #tpu.core_type<sc_vector_subcore>, window_params = [{transform_indices = #map}, {transform_indices = #map}, {transform_indices = #map}, {transform_indices = #map1}, {transform_indices = #map1}, {transform_indices = #map1}, {transform_indices = #map}, {transform_indices = #map}, {transform_indices = #map}, {transform_indices = #map}]} {
    %mul3A = arith.constant 2 : i32
    %mul3A_0 = arith.muli %arg1, %mul3A : i32
    %add3A = arith.addi %mul3A_0, %arg0 : i32
    %mul3A_1 = arith.constant 128 : i32
    %mul3A_2 = arith.muli %add3A, %mul3A_1 : i32
    "tpu.region"() ({
      %run_scoped3A = tpu.sem_alloc : memref<!tpu.dma_semaphore, #tpu.memory_space<semaphore_mem>>
      %dma_start3A = arith.constant 0 : i32
      %dma_start3A_18 = tpu.memref_slice %arg12[%dma_start3A] : memref<144xi32, #tpu.memory_space<vmem>> -> memref<128xi32, #tpu.memory_space<vmem>>
      %dma_start3A_19 = tpu.memref_slice %arg5[%mul3A_2] : memref<4096xi32, #tpu.memory_space<hbm>> -> memref<128xi32, #tpu.memory_space<hbm>>
      %dma_start3A_20 = arith.constant 0 : i32
      %dma_start3A_21 = tpu.memref_slice %arg12[%dma_start3A_20] : memref<144xi32, #tpu.memory_space<vmem>> -> memref<128xi32, #tpu.memory_space<vmem>>
      %dma_start3A_22 = tpu.memref_slice %arg5[%mul3A_2] : memref<4096xi32, #tpu.memory_space<hbm>> -> memref<128xi32, #tpu.memory_space<hbm>>
      tpu.enqueue_dma source(%dma_start3A_22 : memref<128xi32, #tpu.memory_space<hbm>>) target(%dma_start3A_21 : memref<128xi32, #tpu.memory_space<vmem>>) target_semaphore(%run_scoped3A : memref<!tpu.dma_semaphore, #tpu.memory_space<semaphore_mem>>)
      %dma_wait3A = arith.constant 0 : i32
      %dma_wait3A_23 = tpu.memref_slice %arg12[%dma_wait3A] : memref<144xi32, #tpu.memory_space<vmem>> -> memref<128xi32, #tpu.memory_space<vmem>>
      %dma_wait3A_24 = tpu.memref_slice %arg5[%mul3A_2] : memref<4096xi32, #tpu.memory_space<hbm>> -> memref<128xi32, #tpu.memory_space<hbm>>
      %dma_wait3A_25 = arith.constant 0 : i32
      %dma_wait3A_26 = tpu.memref_slice %arg12[%dma_wait3A_25] : memref<144xi32, #tpu.memory_space<vmem>> -> memref<128xi32, #tpu.memory_space<vmem>>
      %dma_wait3A_27 = tpu.memref_slice %arg5[%mul3A_2] : memref<4096xi32, #tpu.memory_space<hbm>> -> memref<128xi32, #tpu.memory_space<hbm>>
      tpu.wait_dma2 semaphore(%run_scoped3A : memref<!tpu.dma_semaphore, #tpu.memory_space<semaphore_mem>>) src(%dma_wait3A_27 : memref<128xi32, #tpu.memory_space<hbm>>) dst(%dma_wait3A_26 : memref<128xi32, #tpu.memory_space<vmem>>)
      tpu.yield
    }) : () -> ()
    %scan3A = arith.constant 0 : i32
    %scan3A_3 = arith.constant 0 : i32
    %scan3A_4 = arith.constant 16 : i32
    %scan3A_5 = arith.addi %scan3A_3, %scan3A_4 : i32
    %scan3A_6 = arith.constant 1 : i32
    %scan3A_7 = scf.for %scan3A_18 = %scan3A_3 to %scan3A_5 step %scan3A_6 iter_args(%scan3A_19 = %scan3A) -> (i32)  : i32 {
      %mul3A_20 = arith.constant 8 : i32
      %mul3A_21 = arith.muli %scan3A_18, %mul3A_20 : i32
      %get3A = arith.index_cast %mul3A_21 : i32 to index
      %get3A_22 = tpu.vector_load %arg12[%get3A] {strides = array<i32>} : memref<144xi32, #tpu.memory_space<vmem>>, vector<16xi32>,
      %slice3A = vector.extract_strided_slice %get3A_22 {offsets = [0], sizes = [1], strides = [1]} : vector<16xi32> to vector<1xi32>
      %squeeze3A = vector.extract %slice3A[0] : i32 from vector<1xi32>
      %shift_right_arithmetic3A = arith.constant 7 : i32
      %shift_right_arithmetic3A_23 = arith.shrsi %squeeze3A, %shift_right_arithmetic3A : i32
      %mul3A_24 = arith.constant 128 : i32
      %mul3A_25 = arith.muli %shift_right_arithmetic3A_23, %mul3A_24 : i32
      %multiple_of3A = tpu.assume_multiple %mul3A_25, 128 : i32
      %dma_start3A = arith.constant 0 : i32
      %dma_start3A_26 = tpu.memref_slice %arg2[%dma_start3A, %multiple_of3A] : memref<64x1000001xf32, #tpu.memory_space<hbm>> -> memref<64x128xf32, #tpu.memory_space<hbm>>
      %dma_start3A_27 = arith.constant 0 : i32
      %dma_start3A_28 = tpu.memref_slice %arg2[%dma_start3A_27, %multiple_of3A] : memref<64x1000001xf32, #tpu.memory_space<hbm>> -> memref<64x128xf32, #tpu.memory_space<hbm>>
      tpu.enqueue_dma source(%dma_start3A_28 : memref<64x128xf32, #tpu.memory_space<hbm>>) target(%arg15 : memref<64x128xf32, #tpu.memory_space<vmem>>) target_semaphore(%arg31 : memref<!tpu.dma_semaphore, #tpu.memory_space<semaphore_mem>>)
      %slice3A_29 = vector.extract_strided_slice %get3A_22 {offsets = [1], sizes = [1], strides = [1]} : vector<16xi32> to vector<1xi32>
      %squeeze3A_30 = vector.extract %slice3A_29[0] : i32 from vector<1xi32>
      %shift_right_arithmetic3A_31 = arith.constant 7 : i32
      %shift_right_arithmetic3A_32 = arith.shrsi %squeeze3A_30, %shift_right_arithmetic3A_31 : i32
      %mul3A_33 = arith.constant 128 : i32
      %mul3A_34 = arith.muli %shift_right_arithmetic3A_32, %mul3A_33 : i32
      %multiple_of3A_35 = tpu.assume_multiple %mul3A_34, 128 : i32
      %dma_start3A_36 = arith.constant 0 : i32
      %dma_start3A_37 = tpu.memref_slice %arg2[%dma_start3A_36, %multiple_of3A_35] : memref<64x1000001xf32, #tpu.memory_space<hbm>> -> memref<64x128xf32, #tpu.memory_space<hbm>>
      %dma_start3A_38 = arith.constant 0 : i32
      %dma_start3A_39 = tpu.memref_slice %arg2[%dma_start3A_38, %multiple_of3A_35] : memref<64x1000001xf32, #tpu.memory_space<hbm>> -> memref<64x128xf32, #tpu.memory_space<hbm>>
      tpu.enqueue_dma source(%dma_start3A_39 : memref<64x128xf32, #tpu.memory_space<hbm>>) target(%arg16 : memref<64x128xf32, #tpu.memory_space<vmem>>) target_semaphore(%arg31 : memref<!tpu.dma_semaphore, #tpu.memory_space<semaphore_mem>>)
      %slice3A_40 = vector.extract_strided_slice %get3A_22 {offsets = [2], sizes = [1], strides = [1]} : vector<16xi32> to vector<1xi32>
      %squeeze3A_41 = vector.extract %slice3A_40[0] : i32 from vector<1xi32>
      %shift_right_arithmetic3A_42 = arith.constant 7 : i32
      %shift_right_arithmetic3A_43 = arith.shrsi %squeeze3A_41, %shift_right_arithmetic3A_42 : i32
      %mul3A_44 = arith.constant 128 : i32
      %mul3A_45 = arith.muli %shift_right_arithmetic3A_43, %mul3A_44 : i32
      %multiple_of3A_46 = tpu.assume_multiple %mul3A_45, 128 : i32
      %dma_start3A_47 = arith.constant 0 : i32
      %dma_start3A_48 = tpu.memref_slice %arg2[%dma_start3A_47, %multiple_of3A_46] : memref<64x1000001xf32, #tpu.memory_space<hbm>> -> memref<64x128xf32, #tpu.memory_space<hbm>>
      %dma_start3A_49 = arith.constant 0 : i32
      %dma_start3A_50 = tpu.memref_slice %arg2[%dma_start3A_49, %multiple_of3A_46] : memref<64x1000001xf32, #tpu.memory_space<hbm>> -> memref<64x128xf32, #tpu.memory_space<hbm>>
      tpu.enqueue_dma source(%dma_start3A_50 : memref<64x128xf32, #tpu.memory_space<hbm>>) target(%arg17 : memref<64x128xf32, #tpu.memory_space<vmem>>) target_semaphore(%arg31 : memref<!tpu.dma_semaphore, #tpu.memory_space<semaphore_mem>>)
      %slice3A_51 = vector.extract_strided_slice %get3A_22 {offsets = [3], sizes = [1], strides = [1]} : vector<16xi32> to vector<1xi32>
      %squeeze3A_52 = vector.extract %slice3A_51[0] : i32 from vector<1xi32>
      %shift_right_arithmetic3A_53 = arith.constant 7 : i32
      %shift_right_arithmetic3A_54 = arith.shrsi %squeeze3A_52, %shift_right_arithmetic3A_53 : i32
      %mul3A_55 = arith.constant 128 : i32
      %mul3A_56 = arith.muli %shift_right_arithmetic3A_54, %mul3A_55 : i32
      %multiple_of3A_57 = tpu.assume_multiple %mul3A_56, 128 : i32
      %dma_start3A_58 = arith.constant 0 : i32
      %dma_start3A_59 = tpu.memref_slice %arg2[%dma_start3A_58, %multiple_of3A_57] : memref<64x1000001xf32, #tpu.memory_space<hbm>> -> memref<64x128xf32, #tpu.memory_space<hbm>>
      %dma_start3A_60 = arith.constant 0 : i32
      %dma_start3A_61 = tpu.memref_slice %arg2[%dma_start3A_60, %multiple_of3A_57] : memref<64x1000001xf32, #tpu.memory_space<hbm>> -> memref<64x128xf32, #tpu.memory_space<hbm>>
      tpu.enqueue_dma source(%dma_start3A_61 : memref<64x128xf32, #tpu.memory_space<hbm>>) target(%arg18 : memref<64x128xf32, #tpu.memory_space<vmem>>) target_semaphore(%arg31 : memref<!tpu.dma_semaphore, #tpu.memory_space<semaphore_mem>>)
      %slice3A_62 = vector.extract_strided_slice %get3A_22 {offsets = [4], sizes = [1], strides = [1]} : vector<16xi32> to vector<1xi32>
      %squeeze3A_63 = vector.extract %slice3A_62[0] : i32 from vector<1xi32>
      %shift_right_arithmetic3A_64 = arith.constant 7 : i32
      %shift_right_arithmetic3A_65 = arith.shrsi %squeeze3A_63, %shift_right_arithmetic3A_64 : i32
      %mul3A_66 = arith.constant 128 : i32
      %mul3A_67 = arith.muli %shift_right_arithmetic3A_65, %mul3A_66 : i32
      %multiple_of3A_68 = tpu.assume_multiple %mul3A_67, 128 : i32
      %dma_start3A_69 = arith.constant 0 : i32
      %dma_start3A_70 = tpu.memref_slice %arg2[%dma_start3A_69, %multiple_of3A_68] : memref<64x1000001xf32, #tpu.memory_space<hbm>> -> memref<64x128xf32, #tpu.memory_space<hbm>>
      %dma_start3A_71 = arith.constant 0 : i32
      %dma_start3A_72 = tpu.memref_slice %arg2[%dma_start3A_71, %multiple_of3A_68] : memref<64x1000001xf32, #tpu.memory_space<hbm>> -> memref<64x128xf32, #tpu.memory_space<hbm>>
      tpu.enqueue_dma source(%dma_start3A_72 : memref<64x128xf32, #tpu.memory_space<hbm>>) target(%arg19 : memref<64x128xf32, #tpu.memory_space<vmem>>) target_semaphore(%arg31 : memref<!tpu.dma_semaphore, #tpu.memory_space<semaphore_mem>>)
      %slice3A_73 = vector.extract_strided_slice %get3A_22 {offsets = [5], sizes = [1], strides = [1]} : vector<16xi32> to vector<1xi32>
      %squeeze3A_74 = vector.extract %slice3A_73[0] : i32 from vector<1xi32>
      %shift_right_arithmetic3A_75 = arith.constant 7 : i32
      %shift_right_arithmetic3A_76 = arith.shrsi %squeeze3A_74, %shift_right_arithmetic3A_75 : i32
      %mul3A_77 = arith.constant 128 : i32
      %mul3A_78 = arith.muli %shift_right_arithmetic3A_76, %mul3A_77 : i32
      %multiple_of3A_79 = tpu.assume_multiple %mul3A_78, 128 : i32
      %dma_start3A_80 = arith.constant 0 : i32
      %dma_start3A_81 = tpu.memref_slice %arg2[%dma_start3A_80, %multiple_of3A_79] : memref<64x1000001xf32, #tpu.memory_space<hbm>> -> memref<64x128xf32, #tpu.memory_space<hbm>>
      %dma_start3A_82 = arith.constant 0 : i32
      %dma_start3A_83 = tpu.memref_slice %arg2[%dma_start3A_82, %multiple_of3A_79] : memref<64x1000001xf32, #tpu.memory_space<hbm>> -> memref<64x128xf32, #tpu.memory_space<hbm>>
      tpu.enqueue_dma source(%dma_start3A_83 : memref<64x128xf32, #tpu.memory_space<hbm>>) target(%arg20 : memref<64x128xf32, #tpu.memory_space<vmem>>) target_semaphore(%arg31 : memref<!tpu.dma_semaphore, #tpu.memory_space<semaphore_mem>>)
      %slice3A_84 = vector.extract_strided_slice %get3A_22 {offsets = [6], sizes = [1], strides = [1]} : vector<16xi32> to vector<1xi32>
      %squeeze3A_85 = vector.extract %slice3A_84[0] : i32 from vector<1xi32>
      %shift_right_arithmetic3A_86 = arith.constant 7 : i32
      %shift_right_arithmetic3A_87 = arith.shrsi %squeeze3A_85, %shift_right_arithmetic3A_86 : i32
      %mul3A_88 = arith.constant 128 : i32
      %mul3A_89 = arith.muli %shift_right_arithmetic3A_87, %mul3A_88 : i32
      %multiple_of3A_90 = tpu.assume_multiple %mul3A_89, 128 : i32
      %dma_start3A_91 = arith.constant 0 : i32
      %dma_start3A_92 = tpu.memref_slice %arg2[%dma_start3A_91, %multiple_of3A_90] : memref<64x1000001xf32, #tpu.memory_space<hbm>> -> memref<64x128xf32, #tpu.memory_space<hbm>>
      %dma_start3A_93 = arith.constant 0 : i32
      %dma_start3A_94 = tpu.memref_slice %arg2[%dma_start3A_93, %multiple_of3A_90] : memref<64x1000001xf32, #tpu.memory_space<hbm>> -> memref<64x128xf32, #tpu.memory_space<hbm>>
      tpu.enqueue_dma source(%dma_start3A_94 : memref<64x128xf32, #tpu.memory_space<hbm>>) target(%arg21 : memref<64x128xf32, #tpu.memory_space<vmem>>) target_semaphore(%arg31 : memref<!tpu.dma_semaphore, #tpu.memory_space<semaphore_mem>>)
      %slice3A_95 = vector.extract_strided_slice %get3A_22 {offsets = [7], sizes = [1], strides = [1]} : vector<16xi32> to vector<1xi32>
      %squeeze3A_96 = vector.extract %slice3A_95[0] : i32 from vector<1xi32>
      %shift_right_arithmetic3A_97 = arith.constant 7 : i32
      %shift_right_arithmetic3A_98 = arith.shrsi %squeeze3A_96, %shift_right_arithmetic3A_97 : i32
      %mul3A_99 = arith.constant 128 : i32
      %mul3A_100 = arith.muli %shift_right_arithmetic3A_98, %mul3A_99 : i32
      %multiple_of3A_101 = tpu.assume_multiple %mul3A_100, 128 : i32
      %dma_start3A_102 = arith.constant 0 : i32
      %dma_start3A_103 = tpu.memref_slice %arg2[%dma_start3A_102, %multiple_of3A_101] : memref<64x1000001xf32, #tpu.memory_space<hbm>> -> memref<64x128xf32, #tpu.memory_space<hbm>>
      %dma_start3A_104 = arith.constant 0 : i32
      %dma_start3A_105 = tpu.memref_slice %arg2[%dma_start3A_104, %multiple_of3A_101] : memref<64x1000001xf32, #tpu.memory_space<hbm>> -> memref<64x128xf32, #tpu.memory_space<hbm>>
      tpu.enqueue_dma source(%dma_start3A_105 : memref<64x128xf32, #tpu.memory_space<hbm>>) target(%arg22 : memref<64x128xf32, #tpu.memory_space<vmem>>) target_semaphore(%arg31 : memref<!tpu.dma_semaphore, #tpu.memory_space<semaphore_mem>>)
      %dma_wait3A = arith.constant 0 : i32
      %dma_wait3A_106 = tpu.memref_slice %arg2[%dma_wait3A, %multiple_of3A] : memref<64x1000001xf32, #tpu.memory_space<hbm>> -> memref<64x128xf32, #tpu.memory_space<hbm>>
      %dma_wait3A_107 = arith.constant 0 : i32
      %dma_wait3A_108 = tpu.memref_slice %arg2[%dma_wait3A_107, %multiple_of3A] : memref<64x1000001xf32, #tpu.memory_space<hbm>> -> memref<64x128xf32, #tpu.memory_space<hbm>>
      tpu.wait_dma2 semaphore(%arg31 : memref<!tpu.dma_semaphore, #tpu.memory_space<semaphore_mem>>) src(%dma_wait3A_108 : memref<64x128xf32, #tpu.memory_space<hbm>>) dst(%arg15 : memref<64x128xf32, #tpu.memory_space<vmem>>)
      %slice3A_109 = vector.extract_strided_slice %get3A_22 {offsets = [0], sizes = [1], strides = [1]} : vector<16xi32> to vector<1xi32>
      %squeeze3A_110 = vector.extract %slice3A_109[0] : i32 from vector<1xi32>
      %and3A = arith.constant 127 : i32
      %and3A_111 = arith.andi %squeeze3A_110, %and3A : i32
      %broadcast_in_dim3A = vector.broadcast %and3A_111 : i32 to vector<16xi32>
      %iota3A = tpu.iota {dimensions = array<i32: 0>} : vector<16xi32>
      %add3A_112 = arith.constant 0 : i32
      %add3A_113 = vector.broadcast %add3A_112 : i32 to vector<16xi32>
      %add3A_114 = arith.addi %iota3A, %add3A_113 : vector<16xi32>
      %gather3A = tpu.vector_load_idx %arg15[%add3A_114, %broadcast_in_dim3A] : memref<64x128xf32, #tpu.memory_space<vmem>>[vector<16xi32>, vector<16xi32>], vector<16xf32>,
      %add3A_115 = arith.constant 0 : i32
      %add3A_116 = arith.addi %mul3A_21, %add3A_115 : i32
      %swap3A = arith.index_cast %add3A_116 : i32 to index
      %swap3A_117 = arith.constant 0 : index
      %swap3A_118 = tpu.vector_load %arg13[%swap3A, %swap3A_117] {strides = array<i32>} : memref<128x64xf32, #tpu.memory_space<vmem>>, vector<16xf32>,
      tpu.vector_store %arg13[%swap3A, %swap3A_117], %gather3A {strides = array<i32>} : memref<128x64xf32, #tpu.memory_space<vmem>>, vector<16xf32>,
      %iota3A_119 = tpu.iota {dimensions = array<i32: 0>} : vector<16xi32>
      %add3A_120 = arith.constant 16 : i32
      %add3A_121 = vector.broadcast %add3A_120 : i32 to vector<16xi32>
      %add3A_122 = arith.addi %iota3A_119, %add3A_121 : vector<16xi32>
      %gather3A_123 = tpu.vector_load_idx %arg15[%add3A_122, %broadcast_in_dim3A] : memref<64x128xf32, #tpu.memory_space<vmem>>[vector<16xi32>, vector<16xi32>], vector<16xf32>,
      %add3A_124 = arith.constant 0 : i32
      %add3A_125 = arith.addi %mul3A_21, %add3A_124 : i32
      %swap3A_126 = arith.index_cast %add3A_125 : i32 to index
      %swap3A_127 = arith.constant 16 : index
      %swap3A_128 = tpu.vector_load %arg13[%swap3A_126, %swap3A_127] {strides = array<i32>} : memref<128x64xf32, #tpu.memory_space<vmem>>, vector<16xf32>,
      tpu.vector_store %arg13[%swap3A_126, %swap3A_127], %gather3A_123 {strides = array<i32>} : memref<128x64xf32, #tpu.memory_space<vmem>>, vector<16xf32>,
      %iota3A_129 = tpu.iota {dimensions = array<i32: 0>} : vector<16xi32>
      %add3A_130 = arith.constant 32 : i32
      %add3A_131 = vector.broadcast %add3A_130 : i32 to vector<16xi32>
      %add3A_132 = arith.addi %iota3A_129, %add3A_131 : vector<16xi32>
      %gather3A_133 = tpu.vector_load_idx %arg15[%add3A_132, %broadcast_in_dim3A] : memref<64x128xf32, #tpu.memory_space<vmem>>[vector<16xi32>, vector<16xi32>], vector<16xf32>,
      %add3A_134 = arith.constant 0 : i32
      %add3A_135 = arith.addi %mul3A_21, %add3A_134 : i32
      %swap3A_136 = arith.index_cast %add3A_135 : i32 to index
      %swap3A_137 = arith.constant 32 : index
      %swap3A_138 = tpu.vector_load %arg13[%swap3A_136, %swap3A_137] {strides = array<i32>} : memref<128x64xf32, #tpu.memory_space<vmem>>, vector<16xf32>,
      tpu.vector_store %arg13[%swap3A_136, %swap3A_137], %gather3A_133 {strides = array<i32>} : memref<128x64xf32, #tpu.memory_space<vmem>>, vector<16xf32>,
      %iota3A_139 = tpu.iota {dimensions = array<i32: 0>} : vector<16xi32>
      %add3A_140 = arith.constant 48 : i32
      %add3A_141 = vector.broadcast %add3A_140 : i32 to vector<16xi32>
      %add3A_142 = arith.addi %iota3A_139, %add3A_141 : vector<16xi32>
      %gather3A_143 = tpu.vector_load_idx %arg15[%add3A_142, %broadcast_in_dim3A] : memref<64x128xf32, #tpu.memory_space<vmem>>[vector<16xi32>, vector<16xi32>], vector<16xf32>,
      %add3A_144 = arith.constant 0 : i32
      %add3A_145 = arith.addi %mul3A_21, %add3A_144 : i32
      %swap3A_146 = arith.index_cast %add3A_145 : i32 to index
      %swap3A_147 = arith.constant 48 : index
      %swap3A_148 = tpu.vector_load %arg13[%swap3A_146, %swap3A_147] {strides = array<i32>} : memref<128x64xf32, #tpu.memory_space<vmem>>, vector<16xf32>,
      tpu.vector_store %arg13[%swap3A_146, %swap3A_147], %gather3A_143 {strides = array<i32>} : memref<128x64xf32, #tpu.memory_space<vmem>>, vector<16xf32>,
      %dma_wait3A_149 = arith.constant 0 : i32
      %dma_wait3A_150 = tpu.memref_slice %arg2[%dma_wait3A_149, %multiple_of3A_35] : memref<64x1000001xf32, #tpu.memory_space<hbm>> -> memref<64x128xf32, #tpu.memory_space<hbm>>
      %dma_wait3A_151 = arith.constant 0 : i32
      %dma_wait3A_152 = tpu.memref_slice %arg2[%dma_wait3A_151, %multiple_of3A_35] : memref<64x1000001xf32, #tpu.memory_space<hbm>> -> memref<64x128xf32, #tpu.memory_space<hbm>>
      tpu.wait_dma2 semaphore(%arg31 : memref<!tpu.dma_semaphore, #tpu.memory_space<semaphore_mem>>) src(%dma_wait3A_152 : memref<64x128xf32, #tpu.memory_space<hbm>>) dst(%arg16 : memref<64x128xf32, #tpu.memory_space<vmem>>)
      %slice3A_153 = vector.extract_strided_slice %get3A_22 {offsets = [1], sizes = [1], strides = [1]} : vector<16xi32> to vector<1xi32>
      %squeeze3A_154 = vector.extract %slice3A_153[0] : i32 from vector<1xi32>
      %and3A_155 = arith.constant 127 : i32
      %and3A_156 = arith.andi %squeeze3A_154, %and3A_155 : i32
      %broadcast_in_dim3A_157 = vector.broadcast %and3A_156 : i32 to vector<16xi32>
      %iota3A_158 = tpu.iota {dimensions = array<i32: 0>} : vector<16xi32>
      %add3A_159 = arith.constant 0 : i32
      %add3A_160 = vector.broadcast %add3A_159 : i32 to vector<16xi32>
      %add3A_161 = arith.addi %iota3A_158, %add3A_160 : vector<16xi32>
      %gather3A_162 = tpu.vector_load_idx %arg16[%add3A_161, %broadcast_in_dim3A_157] : memref<64x128xf32, #tpu.memory_space<vmem>>[vector<16xi32>, vector<16xi32>], vector<16xf32>,
      %add3A_163 = arith.constant 1 : i32
      %add3A_164 = arith.addi %mul3A_21, %add3A_163 : i32
      %swap3A_165 = arith.index_cast %add3A_164 : i32 to index
      %swap3A_166 = arith.constant 0 : index
      %swap3A_167 = tpu.vector_load %arg13[%swap3A_165, %swap3A_166] {strides = array<i32>} : memref<128x64xf32, #tpu.memory_space<vmem>>, vector<16xf32>,
      tpu.vector_store %arg13[%swap3A_165, %swap3A_166], %gather3A_162 {strides = array<i32>} : memref<128x64xf32, #tpu.memory_space<vmem>>, vector<16xf32>,
      %iota3A_168 = tpu.iota {dimensions = array<i32: 0>} : vector<16xi32>
      %add3A_169 = arith.constant 16 : i32
      %add3A_170 = vector.broadcast %add3A_169 : i32 to vector<16xi32>
      %add3A_171 = arith.addi %iota3A_168, %add3A_170 : vector<16xi32>
      %gather3A_172 = tpu.vector_load_idx %arg16[%add3A_171, %broadcast_in_dim3A_157] : memref<64x128xf32, #tpu.memory_space<vmem>>[vector<16xi32>, vector<16xi32>], vector<16xf32>,
      %add3A_173 = arith.constant 1 : i32
      %add3A_174 = arith.addi %mul3A_21, %add3A_173 : i32
      %swap3A_175 = arith.index_cast %add3A_174 : i32 to index
      %swap3A_176 = arith.constant 16 : index
      %swap3A_177 = tpu.vector_load %arg13[%swap3A_175, %swap3A_176] {strides = array<i32>} : memref<128x64xf32, #tpu.memory_space<vmem>>, vector<16xf32>,
      tpu.vector_store %arg13[%swap3A_175, %swap3A_176], %gather3A_172 {strides = array<i32>} : memref<128x64xf32, #tpu.memory_space<vmem>>, vector<16xf32>,
      %iota3A_178 = tpu.iota {dimensions = array<i32: 0>} : vector<16xi32>
      %add3A_179 = arith.constant 32 : i32
      %add3A_180 = vector.broadcast %add3A_179 : i32 to vector<16xi32>
      %add3A_181 = arith.addi %iota3A_178, %add3A_180 : vector<16xi32>
      %gather3A_182 = tpu.vector_load_idx %arg16[%add3A_181, %broadcast_in_dim3A_157] : memref<64x128xf32, #tpu.memory_space<vmem>>[vector<16xi32>, vector<16xi32>], vector<16xf32>,
      %add3A_183 = arith.constant 1 : i32
      %add3A_184 = arith.addi %mul3A_21, %add3A_183 : i32
      %swap3A_185 = arith.index_cast %add3A_184 : i32 to index
      %swap3A_186 = arith.constant 32 : index
      %swap3A_187 = tpu.vector_load %arg13[%swap3A_185, %swap3A_186] {strides = array<i32>} : memref<128x64xf32, #tpu.memory_space<vmem>>, vector<16xf32>,
      tpu.vector_store %arg13[%swap3A_185, %swap3A_186], %gather3A_182 {strides = array<i32>} : memref<128x64xf32, #tpu.memory_space<vmem>>, vector<16xf32>,
      %iota3A_188 = tpu.iota {dimensions = array<i32: 0>} : vector<16xi32>
      %add3A_189 = arith.constant 48 : i32
      %add3A_190 = vector.broadcast %add3A_189 : i32 to vector<16xi32>
      %add3A_191 = arith.addi %iota3A_188, %add3A_190 : vector<16xi32>
      %gather3A_192 = tpu.vector_load_idx %arg16[%add3A_191, %broadcast_in_dim3A_157] : memref<64x128xf32, #tpu.memory_space<vmem>>[vector<16xi32>, vector<16xi32>], vector<16xf32>,
      %add3A_193 = arith.constant 1 : i32
      %add3A_194 = arith.addi %mul3A_21, %add3A_193 : i32
      %swap3A_195 = arith.index_cast %add3A_194 : i32 to index
      %swap3A_196 = arith.constant 48 : index
      %swap3A_197 = tpu.vector_load %arg13[%swap3A_195, %swap3A_196] {strides = array<i32>} : memref<128x64xf32, #tpu.memory_space<vmem>>, vector<16xf32>,
      tpu.vector_store %arg13[%swap3A_195, %swap3A_196], %gather3A_192 {strides = array<i32>} : memref<128x64xf32, #tpu.memory_space<vmem>>, vector<16xf32>,
      %dma_wait3A_198 = arith.constant 0 : i32
      %dma_wait3A_199 = tpu.memref_slice %arg2[%dma_wait3A_198, %multiple_of3A_46] : memref<64x1000001xf32, #tpu.memory_space<hbm>> -> memref<64x128xf32, #tpu.memory_space<hbm>>
      %dma_wait3A_200 = arith.constant 0 : i32
      %dma_wait3A_201 = tpu.memref_slice %arg2[%dma_wait3A_200, %multiple_of3A_46] : memref<64x1000001xf32, #tpu.memory_space<hbm>> -> memref<64x128xf32, #tpu.memory_space<hbm>>
      tpu.wait_dma2 semaphore(%arg31 : memref<!tpu.dma_semaphore, #tpu.memory_space<semaphore_mem>>) src(%dma_wait3A_201 : memref<64x128xf32, #tpu.memory_space<hbm>>) dst(%arg17 : memref<64x128xf32, #tpu.memory_space<vmem>>)
      %slice3A_202 = vector.extract_strided_slice %get3A_22 {offsets = [2], sizes = [1], strides = [1]} : vector<16xi32> to vector<1xi32>
      %squeeze3A_203 = vector.extract %slice3A_202[0] : i32 from vector<1xi32>
      %and3A_204 = arith.constant 127 : i32
      %and3A_205 = arith.andi %squeeze3A_203, %and3A_204 : i32
      %broadcast_in_dim3A_206 = vector.broadcast %and3A_205 : i32 to vector<16xi32>
      %iota3A_207 = tpu.iota {dimensions = array<i32: 0>} : vector<16xi32>
      %add3A_208 = arith.constant 0 : i32
      %add3A_209 = vector.broadcast %add3A_208 : i32 to vector<16xi32>
      %add3A_210 = arith.addi %iota3A_207, %add3A_209 : vector<16xi32>
      %gather3A_211 = tpu.vector_load_idx %arg17[%add3A_210, %broadcast_in_dim3A_206] : memref<64x128xf32, #tpu.memory_space<vmem>>[vector<16xi32>, vector<16xi32>], vector<16xf32>,
      %add3A_212 = arith.constant 2 : i32
      %add3A_213 = arith.addi %mul3A_21, %add3A_212 : i32
      %swap3A_214 = arith.index_cast %add3A_213 : i32 to index
      %swap3A_215 = arith.constant 0 : index
      %swap3A_216 = tpu.vector_load %arg13[%swap3A_214, %swap3A_215] {strides = array<i32>} : memref<128x64xf32, #tpu.memory_space<vmem>>, vector<16xf32>,
      tpu.vector_store %arg13[%swap3A_214, %swap3A_215], %gather3A_211 {strides = array<i32>} : memref<128x64xf32, #tpu.memory_space<vmem>>, vector<16xf32>,
      %iota3A_217 = tpu.iota {dimensions = array<i32: 0>} : vector<16xi32>
      %add3A_218 = arith.constant 16 : i32
      %add3A_219 = vector.broadcast %add3A_218 : i32 to vector<16xi32>
      %add3A_220 = arith.addi %iota3A_217, %add3A_219 : vector<16xi32>
      %gather3A_221 = tpu.vector_load_idx %arg17[%add3A_220, %broadcast_in_dim3A_206] : memref<64x128xf32, #tpu.memory_space<vmem>>[vector<16xi32>, vector<16xi32>], vector<16xf32>,
      %add3A_222 = arith.constant 2 : i32
      %add3A_223 = arith.addi %mul3A_21, %add3A_222 : i32
      %swap3A_224 = arith.index_cast %add3A_223 : i32 to index
      %swap3A_225 = arith.constant 16 : index
      %swap3A_226 = tpu.vector_load %arg13[%swap3A_224, %swap3A_225] {strides = array<i32>} : memref<128x64xf32, #tpu.memory_space<vmem>>, vector<16xf32>,
      tpu.vector_store %arg13[%swap3A_224, %swap3A_225], %gather3A_221 {strides = array<i32>} : memref<128x64xf32, #tpu.memory_space<vmem>>, vector<16xf32>,
      %iota3A_227 = tpu.iota {dimensions = array<i32: 0>} : vector<16xi32>
      %add3A_228 = arith.constant 32 : i32
      %add3A_229 = vector.broadcast %add3A_228 : i32 to vector<16xi32>
      %add3A_230 = arith.addi %iota3A_227, %add3A_229 : vector<16xi32>
      %gather3A_231 = tpu.vector_load_idx %arg17[%add3A_230, %broadcast_in_dim3A_206] : memref<64x128xf32, #tpu.memory_space<vmem>>[vector<16xi32>, vector<16xi32>], vector<16xf32>,
      %add3A_232 = arith.constant 2 : i32
      %add3A_233 = arith.addi %mul3A_21, %add3A_232 : i32
      %swap3A_234 = arith.index_cast %add3A_233 : i32 to index
      %swap3A_235 = arith.constant 32 : index
      %swap3A_236 = tpu.vector_load %arg13[%swap3A_234, %swap3A_235] {strides = array<i32>} : memref<128x64xf32, #tpu.memory_space<vmem>>, vector<16xf32>,
      tpu.vector_store %arg13[%swap3A_234, %swap3A_235], %gather3A_231 {strides = array<i32>} : memref<128x64xf32, #tpu.memory_space<vmem>>, vector<16xf32>,
      %iota3A_237 = tpu.iota {dimensions = array<i32: 0>} : vector<16xi32>
      %add3A_238 = arith.constant 48 : i32
      %add3A_239 = vector.broadcast %add3A_238 : i32 to vector<16xi32>
      %add3A_240 = arith.addi %iota3A_237, %add3A_239 : vector<16xi32>
      %gather3A_241 = tpu.vector_load_idx %arg17[%add3A_240, %broadcast_in_dim3A_206] : memref<64x128xf32, #tpu.memory_space<vmem>>[vector<16xi32>, vector<16xi32>], vector<16xf32>,
      %add3A_242 = arith.constant 2 : i32
      %add3A_243 = arith.addi %mul3A_21, %add3A_242 : i32
      %swap3A_244 = arith.index_cast %add3A_243 : i32 to index
      %swap3A_245 = arith.constant 48 : index
      %swap3A_246 = tpu.vector_load %arg13[%swap3A_244, %swap3A_245] {strides = array<i32>} : memref<128x64xf32, #tpu.memory_space<vmem>>, vector<16xf32>,
      tpu.vector_store %arg13[%swap3A_244, %swap3A_245], %gather3A_241 {strides = array<i32>} : memref<128x64xf32, #tpu.memory_space<vmem>>, vector<16xf32>,
      %dma_wait3A_247 = arith.constant 0 : i32
      %dma_wait3A_248 = tpu.memref_slice %arg2[%dma_wait3A_247, %multiple_of3A_57] : memref<64x1000001xf32, #tpu.memory_space<hbm>> -> memref<64x128xf32, #tpu.memory_space<hbm>>
      %dma_wait3A_249 = arith.constant 0 : i32
      %dma_wait3A_250 = tpu.memref_slice %arg2[%dma_wait3A_249, %multiple_of3A_57] : memref<64x1000001xf32, #tpu.memory_space<hbm>> -> memref<64x128xf32, #tpu.memory_space<hbm>>
      tpu.wait_dma2 semaphore(%arg31 : memref<!tpu.dma_semaphore, #tpu.memory_space<semaphore_mem>>) src(%dma_wait3A_250 : memref<64x128xf32, #tpu.memory_space<hbm>>) dst(%arg18 : memref<64x128xf32, #tpu.memory_space<vmem>>)
      %slice3A_251 = vector.extract_strided_slice %get3A_22 {offsets = [3], sizes = [1], strides = [1]} : vector<16xi32> to vector<1xi32>
      %squeeze3A_252 = vector.extract %slice3A_251[0] : i32 from vector<1xi32>
      %and3A_253 = arith.constant 127 : i32
      %and3A_254 = arith.andi %squeeze3A_252, %and3A_253 : i32
      %broadcast_in_dim3A_255 = vector.broadcast %and3A_254 : i32 to vector<16xi32>
      %iota3A_256 = tpu.iota {dimensions = array<i32: 0>} : vector<16xi32>
      %add3A_257 = arith.constant 0 : i32
      %add3A_258 = vector.broadcast %add3A_257 : i32 to vector<16xi32>
      %add3A_259 = arith.addi %iota3A_256, %add3A_258 : vector<16xi32>
      %gather3A_260 = tpu.vector_load_idx %arg18[%add3A_259, %broadcast_in_dim3A_255] : memref<64x128xf32, #tpu.memory_space<vmem>>[vector<16xi32>, vector<16xi32>], vector<16xf32>,
      %add3A_261 = arith.constant 3 : i32
      %add3A_262 = arith.addi %mul3A_21, %add3A_261 : i32
      %swap3A_263 = arith.index_cast %add3A_262 : i32 to index
      %swap3A_264 = arith.constant 0 : index
      %swap3A_265 = tpu.vector_load %arg13[%swap3A_263, %swap3A_264] {strides = array<i32>} : memref<128x64xf32, #tpu.memory_space<vmem>>, vector<16xf32>,
      tpu.vector_store %arg13[%swap3A_263, %swap3A_264], %gather3A_260 {strides = array<i32>} : memref<128x64xf32, #tpu.memory_space<vmem>>, vector<16xf32>,
      %iota3A_266 = tpu.iota {dimensions = array<i32: 0>} : vector<16xi32>
      %add3A_267 = arith.constant 16 : i32
      %add3A_268 = vector.broadcast %add3A_267 : i32 to vector<16xi32>
      %add3A_269 = arith.addi %iota3A_266, %add3A_268 : vector<16xi32>
      %gather3A_270 = tpu.vector_load_idx %arg18[%add3A_269, %broadcast_in_dim3A_255] : memref<64x128xf32, #tpu.memory_space<vmem>>[vector<16xi32>, vector<16xi32>], vector<16xf32>,
      %add3A_271 = arith.constant 3 : i32
      %add3A_272 = arith.addi %mul3A_21, %add3A_271 : i32
      %swap3A_273 = arith.index_cast %add3A_272 : i32 to index
      %swap3A_274 = arith.constant 16 : index
      %swap3A_275 = tpu.vector_load %arg13[%swap3A_273, %swap3A_274] {strides = array<i32>} : memref<128x64xf32, #tpu.memory_space<vmem>>, vector<16xf32>,
      tpu.vector_store %arg13[%swap3A_273, %swap3A_274], %gather3A_270 {strides = array<i32>} : memref<128x64xf32, #tpu.memory_space<vmem>>, vector<16xf32>,
      %iota3A_276 = tpu.iota {dimensions = array<i32: 0>} : vector<16xi32>
      %add3A_277 = arith.constant 32 : i32
      %add3A_278 = vector.broadcast %add3A_277 : i32 to vector<16xi32>
      %add3A_279 = arith.addi %iota3A_276, %add3A_278 : vector<16xi32>
      %gather3A_280 = tpu.vector_load_idx %arg18[%add3A_279, %broadcast_in_dim3A_255] : memref<64x128xf32, #tpu.memory_space<vmem>>[vector<16xi32>, vector<16xi32>], vector<16xf32>,
      %add3A_281 = arith.constant 3 : i32
      %add3A_282 = arith.addi %mul3A_21, %add3A_281 : i32
      %swap3A_283 = arith.index_cast %add3A_282 : i32 to index
      %swap3A_284 = arith.constant 32 : index
      %swap3A_285 = tpu.vector_load %arg13[%swap3A_283, %swap3A_284] {strides = array<i32>} : memref<128x64xf32, #tpu.memory_space<vmem>>, vector<16xf32>,
      tpu.vector_store %arg13[%swap3A_283, %swap3A_284], %gather3A_280 {strides = array<i32>} : memref<128x64xf32, #tpu.memory_space<vmem>>, vector<16xf32>,
      %iota3A_286 = tpu.iota {dimensions = array<i32: 0>} : vector<16xi32>
      %add3A_287 = arith.constant 48 : i32
      %add3A_288 = vector.broadcast %add3A_287 : i32 to vector<16xi32>
      %add3A_289 = arith.addi %iota3A_286, %add3A_288 : vector<16xi32>
      %gather3A_290 = tpu.vector_load_idx %arg18[%add3A_289, %broadcast_in_dim3A_255] : memref<64x128xf32, #tpu.memory_space<vmem>>[vector<16xi32>, vector<16xi32>], vector<16xf32>,
      %add3A_291 = arith.constant 3 : i32
      %add3A_292 = arith.addi %mul3A_21, %add3A_291 : i32
      %swap3A_293 = arith.index_cast %add3A_292 : i32 to index
      %swap3A_294 = arith.constant 48 : index
      %swap3A_295 = tpu.vector_load %arg13[%swap3A_293, %swap3A_294] {strides = array<i32>} : memref<128x64xf32, #tpu.memory_space<vmem>>, vector<16xf32>,
      tpu.vector_store %arg13[%swap3A_293, %swap3A_294], %gather3A_290 {strides = array<i32>} : memref<128x64xf32, #tpu.memory_space<vmem>>, vector<16xf32>,
      %dma_wait3A_296 = arith.constant 0 : i32
      %dma_wait3A_297 = tpu.memref_slice %arg2[%dma_wait3A_296, %multiple_of3A_68] : memref<64x1000001xf32, #tpu.memory_space<hbm>> -> memref<64x128xf32, #tpu.memory_space<hbm>>
      %dma_wait3A_298 = arith.constant 0 : i32
      %dma_wait3A_299 = tpu.memref_slice %arg2[%dma_wait3A_298, %multiple_of3A_68] : memref<64x1000001xf32, #tpu.memory_space<hbm>> -> memref<64x128xf32, #tpu.memory_space<hbm>>
      tpu.wait_dma2 semaphore(%arg31 : memref<!tpu.dma_semaphore, #tpu.memory_space<semaphore_mem>>) src(%dma_wait3A_299 : memref<64x128xf32, #tpu.memory_space<hbm>>) dst(%arg19 : memref<64x128xf32, #tpu.memory_space<vmem>>)
      %slice3A_300 = vector.extract_strided_slice %get3A_22 {offsets = [4], sizes = [1], strides = [1]} : vector<16xi32> to vector<1xi32>
      %squeeze3A_301 = vector.extract %slice3A_300[0] : i32 from vector<1xi32>
      %and3A_302 = arith.constant 127 : i32
      %and3A_303 = arith.andi %squeeze3A_301, %and3A_302 : i32
      %broadcast_in_dim3A_304 = vector.broadcast %and3A_303 : i32 to vector<16xi32>
      %iota3A_305 = tpu.iota {dimensions = array<i32: 0>} : vector<16xi32>
      %add3A_306 = arith.constant 0 : i32
      %add3A_307 = vector.broadcast %add3A_306 : i32 to vector<16xi32>
      %add3A_308 = arith.addi %iota3A_305, %add3A_307 : vector<16xi32>
      %gather3A_309 = tpu.vector_load_idx %arg19[%add3A_308, %broadcast_in_dim3A_304] : memref<64x128xf32, #tpu.memory_space<vmem>>[vector<16xi32>, vector<16xi32>], vector<16xf32>,
      %add3A_310 = arith.constant 4 : i32
      %add3A_311 = arith.addi %mul3A_21, %add3A_310 : i32
      %swap3A_312 = arith.index_cast %add3A_311 : i32 to index
      %swap3A_313 = arith.constant 0 : index
      %swap3A_314 = tpu.vector_load %arg13[%swap3A_312, %swap3A_313] {strides = array<i32>} : memref<128x64xf32, #tpu.memory_space<vmem>>, vector<16xf32>,
      tpu.vector_store %arg13[%swap3A_312, %swap3A_313], %gather3A_309 {strides = array<i32>} : memref<128x64xf32, #tpu.memory_space<vmem>>, vector<16xf32>,
      %iota3A_315 = tpu.iota {dimensions = array<i32: 0>} : vector<16xi32>
      %add3A_316 = arith.constant 16 : i32
      %add3A_317 = vector.broadcast %add3A_316 : i32 to vector<16xi32>
      %add3A_318 = arith.addi %iota3A_315, %add3A_317 : vector<16xi32>
      %gather3A_319 = tpu.vector_load_idx %arg19[%add3A_318, %broadcast_in_dim3A_304] : memref<64x128xf32, #tpu.memory_space<vmem>>[vector<16xi32>, vector<16xi32>], vector<16xf32>,
      %add3A_320 = arith.constant 4 : i32
      %add3A_321 = arith.addi %mul3A_21, %add3A_320 : i32
      %swap3A_322 = arith.index_cast %add3A_321 : i32 to index
      %swap3A_323 = arith.constant 16 : index
      %swap3A_324 = tpu.vector_load %arg13[%swap3A_322, %swap3A_323] {strides = array<i32>} : memref<128x64xf32, #tpu.memory_space<vmem>>, vector<16xf32>,
      tpu.vector_store %arg13[%swap3A_322, %swap3A_323], %gather3A_319 {strides = array<i32>} : memref<128x64xf32, #tpu.memory_space<vmem>>, vector<16xf32>,
      %iota3A_325 = tpu.iota {dimensions = array<i32: 0>} : vector<16xi32>
      %add3A_326 = arith.constant 32 : i32
      %add3A_327 = vector.broadcast %add3A_326 : i32 to vector<16xi32>
      %add3A_328 = arith.addi %iota3A_325, %add3A_327 : vector<16xi32>
      %gather3A_329 = tpu.vector_load_idx %arg19[%add3A_328, %broadcast_in_dim3A_304] : memref<64x128xf32, #tpu.memory_space<vmem>>[vector<16xi32>, vector<16xi32>], vector<16xf32>,
      %add3A_330 = arith.constant 4 : i32
      %add3A_331 = arith.addi %mul3A_21, %add3A_330 : i32
      %swap3A_332 = arith.index_cast %add3A_331 : i32 to index
      %swap3A_333 = arith.constant 32 : index
      %swap3A_334 = tpu.vector_load %arg13[%swap3A_332, %swap3A_333] {strides = array<i32>} : memref<128x64xf32, #tpu.memory_space<vmem>>, vector<16xf32>,
      tpu.vector_store %arg13[%swap3A_332, %swap3A_333], %gather3A_329 {strides = array<i32>} : memref<128x64xf32, #tpu.memory_space<vmem>>, vector<16xf32>,
      %iota3A_335 = tpu.iota {dimensions = array<i32: 0>} : vector<16xi32>
      %add3A_336 = arith.constant 48 : i32
      %add3A_337 = vector.broadcast %add3A_336 : i32 to vector<16xi32>
      %add3A_338 = arith.addi %iota3A_335, %add3A_337 : vector<16xi32>
      %gather3A_339 = tpu.vector_load_idx %arg19[%add3A_338, %broadcast_in_dim3A_304] : memref<64x128xf32, #tpu.memory_space<vmem>>[vector<16xi32>, vector<16xi32>], vector<16xf32>,
      %add3A_340 = arith.constant 4 : i32
      %add3A_341 = arith.addi %mul3A_21, %add3A_340 : i32
      %swap3A_342 = arith.index_cast %add3A_341 : i32 to index
      %swap3A_343 = arith.constant 48 : index
      %swap3A_344 = tpu.vector_load %arg13[%swap3A_342, %swap3A_343] {strides = array<i32>} : memref<128x64xf32, #tpu.memory_space<vmem>>, vector<16xf32>,
      tpu.vector_store %arg13[%swap3A_342, %swap3A_343], %gather3A_339 {strides = array<i32>} : memref<128x64xf32, #tpu.memory_space<vmem>>, vector<16xf32>,
      %dma_wait3A_345 = arith.constant 0 : i32
      %dma_wait3A_346 = tpu.memref_slice %arg2[%dma_wait3A_345, %multiple_of3A_79] : memref<64x1000001xf32, #tpu.memory_space<hbm>> -> memref<64x128xf32, #tpu.memory_space<hbm>>
      %dma_wait3A_347 = arith.constant 0 : i32
      %dma_wait3A_348 = tpu.memref_slice %arg2[%dma_wait3A_347, %multiple_of3A_79] : memref<64x1000001xf32, #tpu.memory_space<hbm>> -> memref<64x128xf32, #tpu.memory_space<hbm>>
      tpu.wait_dma2 semaphore(%arg31 : memref<!tpu.dma_semaphore, #tpu.memory_space<semaphore_mem>>) src(%dma_wait3A_348 : memref<64x128xf32, #tpu.memory_space<hbm>>) dst(%arg20 : memref<64x128xf32, #tpu.memory_space<vmem>>)
      %slice3A_349 = vector.extract_strided_slice %get3A_22 {offsets = [5], sizes = [1], strides = [1]} : vector<16xi32> to vector<1xi32>
      %squeeze3A_350 = vector.extract %slice3A_349[0] : i32 from vector<1xi32>
      %and3A_351 = arith.constant 127 : i32
      %and3A_352 = arith.andi %squeeze3A_350, %and3A_351 : i32
      %broadcast_in_dim3A_353 = vector.broadcast %and3A_352 : i32 to vector<16xi32>
      %iota3A_354 = tpu.iota {dimensions = array<i32: 0>} : vector<16xi32>
      %add3A_355 = arith.constant 0 : i32
      %add3A_356 = vector.broadcast %add3A_355 : i32 to vector<16xi32>
      %add3A_357 = arith.addi %iota3A_354, %add3A_356 : vector<16xi32>
      %gather3A_358 = tpu.vector_load_idx %arg20[%add3A_357, %broadcast_in_dim3A_353] : memref<64x128xf32, #tpu.memory_space<vmem>>[vector<16xi32>, vector<16xi32>], vector<16xf32>,
      %add3A_359 = arith.constant 5 : i32
      %add3A_360 = arith.addi %mul3A_21, %add3A_359 : i32
      %swap3A_361 = arith.index_cast %add3A_360 : i32 to index
      %swap3A_362 = arith.constant 0 : index
      %swap3A_363 = tpu.vector_load %arg13[%swap3A_361, %swap3A_362] {strides = array<i32>} : memref<128x64xf32, #tpu.memory_space<vmem>>, vector<16xf32>,
      tpu.vector_store %arg13[%swap3A_361, %swap3A_362], %gather3A_358 {strides = array<i32>} : memref<128x64xf32, #tpu.memory_space<vmem>>, vector<16xf32>,
      %iota3A_364 = tpu.iota {dimensions = array<i32: 0>} : vector<16xi32>
      %add3A_365 = arith.constant 16 : i32
      %add3A_366 = vector.broadcast %add3A_365 : i32 to vector<16xi32>
      %add3A_367 = arith.addi %iota3A_364, %add3A_366 : vector<16xi32>
      %gather3A_368 = tpu.vector_load_idx %arg20[%add3A_367, %broadcast_in_dim3A_353] : memref<64x128xf32, #tpu.memory_space<vmem>>[vector<16xi32>, vector<16xi32>], vector<16xf32>,
      %add3A_369 = arith.constant 5 : i32
      %add3A_370 = arith.addi %mul3A_21, %add3A_369 : i32
      %swap3A_371 = arith.index_cast %add3A_370 : i32 to index
      %swap3A_372 = arith.constant 16 : index
      %swap3A_373 = tpu.vector_load %arg13[%swap3A_371, %swap3A_372] {strides = array<i32>} : memref<128x64xf32, #tpu.memory_space<vmem>>, vector<16xf32>,
      tpu.vector_store %arg13[%swap3A_371, %swap3A_372], %gather3A_368 {strides = array<i32>} : memref<128x64xf32, #tpu.memory_space<vmem>>, vector<16xf32>,
      %iota3A_374 = tpu.iota {dimensions = array<i32: 0>} : vector<16xi32>
      %add3A_375 = arith.constant 32 : i32
      %add3A_376 = vector.broadcast %add3A_375 : i32 to vector<16xi32>
      %add3A_377 = arith.addi %iota3A_374, %add3A_376 : vector<16xi32>
      %gather3A_378 = tpu.vector_load_idx %arg20[%add3A_377, %broadcast_in_dim3A_353] : memref<64x128xf32, #tpu.memory_space<vmem>>[vector<16xi32>, vector<16xi32>], vector<16xf32>,
      %add3A_379 = arith.constant 5 : i32
      %add3A_380 = arith.addi %mul3A_21, %add3A_379 : i32
      %swap3A_381 = arith.index_cast %add3A_380 : i32 to index
      %swap3A_382 = arith.constant 32 : index
      %swap3A_383 = tpu.vector_load %arg13[%swap3A_381, %swap3A_382] {strides = array<i32>} : memref<128x64xf32, #tpu.memory_space<vmem>>, vector<16xf32>,
      tpu.vector_store %arg13[%swap3A_381, %swap3A_382], %gather3A_378 {strides = array<i32>} : memref<128x64xf32, #tpu.memory_space<vmem>>, vector<16xf32>,
      %iota3A_384 = tpu.iota {dimensions = array<i32: 0>} : vector<16xi32>
      %add3A_385 = arith.constant 48 : i32
      %add3A_386 = vector.broadcast %add3A_385 : i32 to vector<16xi32>
      %add3A_387 = arith.addi %iota3A_384, %add3A_386 : vector<16xi32>
      %gather3A_388 = tpu.vector_load_idx %arg20[%add3A_387, %broadcast_in_dim3A_353] : memref<64x128xf32, #tpu.memory_space<vmem>>[vector<16xi32>, vector<16xi32>], vector<16xf32>,
      %add3A_389 = arith.constant 5 : i32
      %add3A_390 = arith.addi %mul3A_21, %add3A_389 : i32
      %swap3A_391 = arith.index_cast %add3A_390 : i32 to index
      %swap3A_392 = arith.constant 48 : index
      %swap3A_393 = tpu.vector_load %arg13[%swap3A_391, %swap3A_392] {strides = array<i32>} : memref<128x64xf32, #tpu.memory_space<vmem>>, vector<16xf32>,
      tpu.vector_store %arg13[%swap3A_391, %swap3A_392], %gather3A_388 {strides = array<i32>} : memref<128x64xf32, #tpu.memory_space<vmem>>, vector<16xf32>,
      %dma_wait3A_394 = arith.constant 0 : i32
      %dma_wait3A_395 = tpu.memref_slice %arg2[%dma_wait3A_394, %multiple_of3A_90] : memref<64x1000001xf32, #tpu.memory_space<hbm>> -> memref<64x128xf32, #tpu.memory_space<hbm>>
      %dma_wait3A_396 = arith.constant 0 : i32
      %dma_wait3A_397 = tpu.memref_slice %arg2[%dma_wait3A_396, %multiple_of3A_90] : memref<64x1000001xf32, #tpu.memory_space<hbm>> -> memref<64x128xf32, #tpu.memory_space<hbm>>
      tpu.wait_dma2 semaphore(%arg31 : memref<!tpu.dma_semaphore, #tpu.memory_space<semaphore_mem>>) src(%dma_wait3A_397 : memref<64x128xf32, #tpu.memory_space<hbm>>) dst(%arg21 : memref<64x128xf32, #tpu.memory_space<vmem>>)
      %slice3A_398 = vector.extract_strided_slice %get3A_22 {offsets = [6], sizes = [1], strides = [1]} : vector<16xi32> to vector<1xi32>
      %squeeze3A_399 = vector.extract %slice3A_398[0] : i32 from vector<1xi32>
      %and3A_400 = arith.constant 127 : i32
      %and3A_401 = arith.andi %squeeze3A_399, %and3A_400 : i32
      %broadcast_in_dim3A_402 = vector.broadcast %and3A_401 : i32 to vector<16xi32>
      %iota3A_403 = tpu.iota {dimensions = array<i32: 0>} : vector<16xi32>
      %add3A_404 = arith.constant 0 : i32
      %add3A_405 = vector.broadcast %add3A_404 : i32 to vector<16xi32>
      %add3A_406 = arith.addi %iota3A_403, %add3A_405 : vector<16xi32>
      %gather3A_407 = tpu.vector_load_idx %arg21[%add3A_406, %broadcast_in_dim3A_402] : memref<64x128xf32, #tpu.memory_space<vmem>>[vector<16xi32>, vector<16xi32>], vector<16xf32>,
      %add3A_408 = arith.constant 6 : i32
      %add3A_409 = arith.addi %mul3A_21, %add3A_408 : i32
      %swap3A_410 = arith.index_cast %add3A_409 : i32 to index
      %swap3A_411 = arith.constant 0 : index
      %swap3A_412 = tpu.vector_load %arg13[%swap3A_410, %swap3A_411] {strides = array<i32>} : memref<128x64xf32, #tpu.memory_space<vmem>>, vector<16xf32>,
      tpu.vector_store %arg13[%swap3A_410, %swap3A_411], %gather3A_407 {strides = array<i32>} : memref<128x64xf32, #tpu.memory_space<vmem>>, vector<16xf32>,
      %iota3A_413 = tpu.iota {dimensions = array<i32: 0>} : vector<16xi32>
      %add3A_414 = arith.constant 16 : i32
      %add3A_415 = vector.broadcast %add3A_414 : i32 to vector<16xi32>
      %add3A_416 = arith.addi %iota3A_413, %add3A_415 : vector<16xi32>
      %gather3A_417 = tpu.vector_load_idx %arg21[%add3A_416, %broadcast_in_dim3A_402] : memref<64x128xf32, #tpu.memory_space<vmem>>[vector<16xi32>, vector<16xi32>], vector<16xf32>,
      %add3A_418 = arith.constant 6 : i32
      %add3A_419 = arith.addi %mul3A_21, %add3A_418 : i32
      %swap3A_420 = arith.index_cast %add3A_419 : i32 to index
      %swap3A_421 = arith.constant 16 : index
      %swap3A_422 = tpu.vector_load %arg13[%swap3A_420, %swap3A_421] {strides = array<i32>} : memref<128x64xf32, #tpu.memory_space<vmem>>, vector<16xf32>,
      tpu.vector_store %arg13[%swap3A_420, %swap3A_421], %gather3A_417 {strides = array<i32>} : memref<128x64xf32, #tpu.memory_space<vmem>>, vector<16xf32>,
      %iota3A_423 = tpu.iota {dimensions = array<i32: 0>} : vector<16xi32>
      %add3A_424 = arith.constant 32 : i32
      %add3A_425 = vector.broadcast %add3A_424 : i32 to vector<16xi32>
      %add3A_426 = arith.addi %iota3A_423, %add3A_425 : vector<16xi32>
      %gather3A_427 = tpu.vector_load_idx %arg21[%add3A_426, %broadcast_in_dim3A_402] : memref<64x128xf32, #tpu.memory_space<vmem>>[vector<16xi32>, vector<16xi32>], vector<16xf32>,
      %add3A_428 = arith.constant 6 : i32
      %add3A_429 = arith.addi %mul3A_21, %add3A_428 : i32
      %swap3A_430 = arith.index_cast %add3A_429 : i32 to index
      %swap3A_431 = arith.constant 32 : index
      %swap3A_432 = tpu.vector_load %arg13[%swap3A_430, %swap3A_431] {strides = array<i32>} : memref<128x64xf32, #tpu.memory_space<vmem>>, vector<16xf32>,
      tpu.vector_store %arg13[%swap3A_430, %swap3A_431], %gather3A_427 {strides = array<i32>} : memref<128x64xf32, #tpu.memory_space<vmem>>, vector<16xf32>,
      %iota3A_433 = tpu.iota {dimensions = array<i32: 0>} : vector<16xi32>
      %add3A_434 = arith.constant 48 : i32
      %add3A_435 = vector.broadcast %add3A_434 : i32 to vector<16xi32>
      %add3A_436 = arith.addi %iota3A_433, %add3A_435 : vector<16xi32>
      %gather3A_437 = tpu.vector_load_idx %arg21[%add3A_436, %broadcast_in_dim3A_402] : memref<64x128xf32, #tpu.memory_space<vmem>>[vector<16xi32>, vector<16xi32>], vector<16xf32>,
      %add3A_438 = arith.constant 6 : i32
      %add3A_439 = arith.addi %mul3A_21, %add3A_438 : i32
      %swap3A_440 = arith.index_cast %add3A_439 : i32 to index
      %swap3A_441 = arith.constant 48 : index
      %swap3A_442 = tpu.vector_load %arg13[%swap3A_440, %swap3A_441] {strides = array<i32>} : memref<128x64xf32, #tpu.memory_space<vmem>>, vector<16xf32>,
      tpu.vector_store %arg13[%swap3A_440, %swap3A_441], %gather3A_437 {strides = array<i32>} : memref<128x64xf32, #tpu.memory_space<vmem>>, vector<16xf32>,
      %dma_wait3A_443 = arith.constant 0 : i32
      %dma_wait3A_444 = tpu.memref_slice %arg2[%dma_wait3A_443, %multiple_of3A_101] : memref<64x1000001xf32, #tpu.memory_space<hbm>> -> memref<64x128xf32, #tpu.memory_space<hbm>>
      %dma_wait3A_445 = arith.constant 0 : i32
      %dma_wait3A_446 = tpu.memref_slice %arg2[%dma_wait3A_445, %multiple_of3A_101] : memref<64x1000001xf32, #tpu.memory_space<hbm>> -> memref<64x128xf32, #tpu.memory_space<hbm>>
      tpu.wait_dma2 semaphore(%arg31 : memref<!tpu.dma_semaphore, #tpu.memory_space<semaphore_mem>>) src(%dma_wait3A_446 : memref<64x128xf32, #tpu.memory_space<hbm>>) dst(%arg22 : memref<64x128xf32, #tpu.memory_space<vmem>>)
      %slice3A_447 = vector.extract_strided_slice %get3A_22 {offsets = [7], sizes = [1], strides = [1]} : vector<16xi32> to vector<1xi32>
      %squeeze3A_448 = vector.extract %slice3A_447[0] : i32 from vector<1xi32>
      %and3A_449 = arith.constant 127 : i32
      %and3A_450 = arith.andi %squeeze3A_448, %and3A_449 : i32
      %broadcast_in_dim3A_451 = vector.broadcast %and3A_450 : i32 to vector<16xi32>
      %iota3A_452 = tpu.iota {dimensions = array<i32: 0>} : vector<16xi32>
      %add3A_453 = arith.constant 0 : i32
      %add3A_454 = vector.broadcast %add3A_453 : i32 to vector<16xi32>
      %add3A_455 = arith.addi %iota3A_452, %add3A_454 : vector<16xi32>
      %gather3A_456 = tpu.vector_load_idx %arg22[%add3A_455, %broadcast_in_dim3A_451] : memref<64x128xf32, #tpu.memory_space<vmem>>[vector<16xi32>, vector<16xi32>], vector<16xf32>,
      %add3A_457 = arith.constant 7 : i32
      %add3A_458 = arith.addi %mul3A_21, %add3A_457 : i32
      %swap3A_459 = arith.index_cast %add3A_458 : i32 to index
      %swap3A_460 = arith.constant 0 : index
      %swap3A_461 = tpu.vector_load %arg13[%swap3A_459, %swap3A_460] {strides = array<i32>} : memref<128x64xf32, #tpu.memory_space<vmem>>, vector<16xf32>,
      tpu.vector_store %arg13[%swap3A_459, %swap3A_460], %gather3A_456 {strides = array<i32>} : memref<128x64xf32, #tpu.memory_space<vmem>>, vector<16xf32>,
      %iota3A_462 = tpu.iota {dimensions = array<i32: 0>} : vector<16xi32>
      %add3A_463 = arith.constant 16 : i32
      %add3A_464 = vector.broadcast %add3A_463 : i32 to vector<16xi32>
      %add3A_465 = arith.addi %iota3A_462, %add3A_464 : vector<16xi32>
      %gather3A_466 = tpu.vector_load_idx %arg22[%add3A_465, %broadcast_in_dim3A_451] : memref<64x128xf32, #tpu.memory_space<vmem>>[vector<16xi32>, vector<16xi32>], vector<16xf32>,
      %add3A_467 = arith.constant 7 : i32
      %add3A_468 = arith.addi %mul3A_21, %add3A_467 : i32
      %swap3A_469 = arith.index_cast %add3A_468 : i32 to index
      %swap3A_470 = arith.constant 16 : index
      %swap3A_471 = tpu.vector_load %arg13[%swap3A_469, %swap3A_470] {strides = array<i32>} : memref<128x64xf32, #tpu.memory_space<vmem>>, vector<16xf32>,
      tpu.vector_store %arg13[%swap3A_469, %swap3A_470], %gather3A_466 {strides = array<i32>} : memref<128x64xf32, #tpu.memory_space<vmem>>, vector<16xf32>,
      %iota3A_472 = tpu.iota {dimensions = array<i32: 0>} : vector<16xi32>
      %add3A_473 = arith.constant 32 : i32
      %add3A_474 = vector.broadcast %add3A_473 : i32 to vector<16xi32>
      %add3A_475 = arith.addi %iota3A_472, %add3A_474 : vector<16xi32>
      %gather3A_476 = tpu.vector_load_idx %arg22[%add3A_475, %broadcast_in_dim3A_451] : memref<64x128xf32, #tpu.memory_space<vmem>>[vector<16xi32>, vector<16xi32>], vector<16xf32>,
      %add3A_477 = arith.constant 7 : i32
      %add3A_478 = arith.addi %mul3A_21, %add3A_477 : i32
      %swap3A_479 = arith.index_cast %add3A_478 : i32 to index
      %swap3A_480 = arith.constant 32 : index
      %swap3A_481 = tpu.vector_load %arg13[%swap3A_479, %swap3A_480] {strides = array<i32>} : memref<128x64xf32, #tpu.memory_space<vmem>>, vector<16xf32>,
      tpu.vector_store %arg13[%swap3A_479, %swap3A_480], %gather3A_476 {strides = array<i32>} : memref<128x64xf32, #tpu.memory_space<vmem>>, vector<16xf32>,
      %iota3A_482 = tpu.iota {dimensions = array<i32: 0>} : vector<16xi32>
      %add3A_483 = arith.constant 48 : i32
      %add3A_484 = vector.broadcast %add3A_483 : i32 to vector<16xi32>
      %add3A_485 = arith.addi %iota3A_482, %add3A_484 : vector<16xi32>
      %gather3A_486 = tpu.vector_load_idx %arg22[%add3A_485, %broadcast_in_dim3A_451] : memref<64x128xf32, #tpu.memory_space<vmem>>[vector<16xi32>, vector<16xi32>], vector<16xf32>,
      %add3A_487 = arith.constant 7 : i32
      %add3A_488 = arith.addi %mul3A_21, %add3A_487 : i32
      %swap3A_489 = arith.index_cast %add3A_488 : i32 to index
      %swap3A_490 = arith.constant 48 : index
      %swap3A_491 = tpu.vector_load %arg13[%swap3A_489, %swap3A_490] {strides = array<i32>} : memref<128x64xf32, #tpu.memory_space<vmem>>, vector<16xf32>,
      tpu.vector_store %arg13[%swap3A_489, %swap3A_490], %gather3A_486 {strides = array<i32>} : memref<128x64xf32, #tpu.memory_space<vmem>>, vector<16xf32>,
      %scan3A_492 = arith.constant 0 : i32
      scf.yield %scan3A_492 : i32
    }
    %scan3A_8 = arith.constant 16 : i32
    "tpu.region"() ({
      %run_scoped3A = tpu.sem_alloc : memref<!tpu.dma_semaphore, #tpu.memory_space<semaphore_mem>>
      %dma_start3A = arith.constant 0 : i32
      %dma_start3A_18 = arith.constant 0 : i32
      %dma_start3A_19 = tpu.memref_slice %arg13[%dma_start3A, %dma_start3A_18] : memref<128x64xf32, #tpu.memory_space<vmem>> -> memref<128x64xf32, #tpu.memory_space<vmem>>
      %dma_start3A_20 = arith.constant 0 : i32
      %dma_start3A_21 = tpu.memref_slice %arg8[%mul3A_2, %dma_start3A_20] : memref<4096x64xf32, #tpu.memory_space<hbm>> -> memref<128x64xf32, #tpu.memory_space<hbm>>
      %dma_start3A_22 = arith.constant 0 : i32
      %dma_start3A_23 = tpu.memref_slice %arg8[%mul3A_2, %dma_start3A_22] : memref<4096x64xf32, #tpu.memory_space<hbm>> -> memref<128x64xf32, #tpu.memory_space<hbm>>
      %dma_start3A_24 = arith.constant 0 : i32
      %dma_start3A_25 = arith.constant 0 : i32
      %dma_start3A_26 = tpu.memref_slice %arg13[%dma_start3A_24, %dma_start3A_25] : memref<128x64xf32, #tpu.memory_space<vmem>> -> memref<128x64xf32, #tpu.memory_space<vmem>>
      tpu.enqueue_dma source(%dma_start3A_26 : memref<128x64xf32, #tpu.memory_space<vmem>>) target(%dma_start3A_23 : memref<128x64xf32, #tpu.memory_space<hbm>>) target_semaphore(%run_scoped3A : memref<!tpu.dma_semaphore, #tpu.memory_space<semaphore_mem>>)
      %dma_wait3A = arith.constant 0 : i32
      %dma_wait3A_27 = arith.constant 0 : i32
      %dma_wait3A_28 = tpu.memref_slice %arg13[%dma_wait3A, %dma_wait3A_27] : memref<128x64xf32, #tpu.memory_space<vmem>> -> memref<128x64xf32, #tpu.memory_space<vmem>>
      %dma_wait3A_29 = arith.constant 0 : i32
      %dma_wait3A_30 = tpu.memref_slice %arg8[%mul3A_2, %dma_wait3A_29] : memref<4096x64xf32, #tpu.memory_space<hbm>> -> memref<128x64xf32, #tpu.memory_space<hbm>>
      %dma_wait3A_31 = arith.constant 0 : i32
      %dma_wait3A_32 = tpu.memref_slice %arg8[%mul3A_2, %dma_wait3A_31] : memref<4096x64xf32, #tpu.memory_space<hbm>> -> memref<128x64xf32, #tpu.memory_space<hbm>>
      %dma_wait3A_33 = arith.constant 0 : i32
      %dma_wait3A_34 = arith.constant 0 : i32
      %dma_wait3A_35 = tpu.memref_slice %arg13[%dma_wait3A_33, %dma_wait3A_34] : memref<128x64xf32, #tpu.memory_space<vmem>> -> memref<128x64xf32, #tpu.memory_space<vmem>>
      tpu.wait_dma2 semaphore(%run_scoped3A : memref<!tpu.dma_semaphore, #tpu.memory_space<semaphore_mem>>) src(%dma_wait3A_35 : memref<128x64xf32, #tpu.memory_space<vmem>>) dst(%dma_wait3A_32 : memref<128x64xf32, #tpu.memory_space<hbm>>)
      tpu.yield
    }) : () -> ()
    "tpu.region"() ({
      %run_scoped3A = tpu.sem_alloc : memref<!tpu.dma_semaphore, #tpu.memory_space<semaphore_mem>>
      %dma_start3A = arith.constant 0 : i32
      %dma_start3A_18 = tpu.memref_slice %arg12[%dma_start3A] : memref<144xi32, #tpu.memory_space<vmem>> -> memref<128xi32, #tpu.memory_space<vmem>>
      %dma_start3A_19 = tpu.memref_slice %arg6[%mul3A_2] : memref<4096xi32, #tpu.memory_space<hbm>> -> memref<128xi32, #tpu.memory_space<hbm>>
      %dma_start3A_20 = arith.constant 0 : i32
      %dma_start3A_21 = tpu.memref_slice %arg12[%dma_start3A_20] : memref<144xi32, #tpu.memory_space<vmem>> -> memref<128xi32, #tpu.memory_space<vmem>>
      %dma_start3A_22 = tpu.memref_slice %arg6[%mul3A_2] : memref<4096xi32, #tpu.memory_space<hbm>> -> memref<128xi32, #tpu.memory_space<hbm>>
      tpu.enqueue_dma source(%dma_start3A_22 : memref<128xi32, #tpu.memory_space<hbm>>) target(%dma_start3A_21 : memref<128xi32, #tpu.memory_space<vmem>>) target_semaphore(%run_scoped3A : memref<!tpu.dma_semaphore, #tpu.memory_space<semaphore_mem>>)
      %dma_wait3A = arith.constant 0 : i32
      %dma_wait3A_23 = tpu.memref_slice %arg12[%dma_wait3A] : memref<144xi32, #tpu.memory_space<vmem>> -> memref<128xi32, #tpu.memory_space<vmem>>
      %dma_wait3A_24 = tpu.memref_slice %arg6[%mul3A_2] : memref<4096xi32, #tpu.memory_space<hbm>> -> memref<128xi32, #tpu.memory_space<hbm>>
      %dma_wait3A_25 = arith.constant 0 : i32
      %dma_wait3A_26 = tpu.memref_slice %arg12[%dma_wait3A_25] : memref<144xi32, #tpu.memory_space<vmem>> -> memref<128xi32, #tpu.memory_space<vmem>>
      %dma_wait3A_27 = tpu.memref_slice %arg6[%mul3A_2] : memref<4096xi32, #tpu.memory_space<hbm>> -> memref<128xi32, #tpu.memory_space<hbm>>
      tpu.wait_dma2 semaphore(%run_scoped3A : memref<!tpu.dma_semaphore, #tpu.memory_space<semaphore_mem>>) src(%dma_wait3A_27 : memref<128xi32, #tpu.memory_space<hbm>>) dst(%dma_wait3A_26 : memref<128xi32, #tpu.memory_space<vmem>>)
      tpu.yield
    }) : () -> ()
    %scan3A_9 = arith.constant 0 : i32
    %scan3A_10 = arith.constant 0 : i32
    %scan3A_11 = arith.constant 16 : i32
    %scan3A_12 = arith.addi %scan3A_10, %scan3A_11 : i32
    %scan3A_13 = arith.constant 1 : i32
    %scan3A_14 = scf.for %scan3A_18 = %scan3A_10 to %scan3A_12 step %scan3A_13 iter_args(%scan3A_19 = %scan3A_9) -> (i32)  : i32 {
      %mul3A_20 = arith.constant 8 : i32
      %mul3A_21 = arith.muli %scan3A_18, %mul3A_20 : i32
      %get3A = arith.index_cast %mul3A_21 : i32 to index
      %get3A_22 = tpu.vector_load %arg12[%get3A] {strides = array<i32>} : memref<144xi32, #tpu.memory_space<vmem>>, vector<16xi32>,
      %slice3A = vector.extract_strided_slice %get3A_22 {offsets = [0], sizes = [1], strides = [1]} : vector<16xi32> to vector<1xi32>
      %squeeze3A = vector.extract %slice3A[0] : i32 from vector<1xi32>
      %shift_right_arithmetic3A = arith.constant 7 : i32
      %shift_right_arithmetic3A_23 = arith.shrsi %squeeze3A, %shift_right_arithmetic3A : i32
      %mul3A_24 = arith.constant 128 : i32
      %mul3A_25 = arith.muli %shift_right_arithmetic3A_23, %mul3A_24 : i32
      %multiple_of3A = tpu.assume_multiple %mul3A_25, 128 : i32
      %dma_start3A = arith.constant 0 : i32
      %dma_start3A_26 = tpu.memref_slice %arg3[%dma_start3A, %multiple_of3A] : memref<64x1000001xf32, #tpu.memory_space<hbm>> -> memref<64x128xf32, #tpu.memory_space<hbm>>
      %dma_start3A_27 = arith.constant 0 : i32
      %dma_start3A_28 = tpu.memref_slice %arg3[%dma_start3A_27, %multiple_of3A] : memref<64x1000001xf32, #tpu.memory_space<hbm>> -> memref<64x128xf32, #tpu.memory_space<hbm>>
      tpu.enqueue_dma source(%dma_start3A_28 : memref<64x128xf32, #tpu.memory_space<hbm>>) target(%arg15 : memref<64x128xf32, #tpu.memory_space<vmem>>) target_semaphore(%arg31 : memref<!tpu.dma_semaphore, #tpu.memory_space<semaphore_mem>>)
      %dma_start3A_29 = arith.constant 0 : i32
      %dma_start3A_30 = tpu.memref_slice %arg4[%dma_start3A_29, %multiple_of3A] : memref<1x1000001xf32, #tpu.memory_space<hbm>> -> memref<1x128xf32, #tpu.memory_space<hbm>>
      %dma_start3A_31 = arith.constant 0 : i32
      %dma_start3A_32 = tpu.memref_slice %arg4[%dma_start3A_31, %multiple_of3A] : memref<1x1000001xf32, #tpu.memory_space<hbm>> -> memref<1x128xf32, #tpu.memory_space<hbm>>
      tpu.enqueue_dma source(%dma_start3A_32 : memref<1x128xf32, #tpu.memory_space<hbm>>) target(%arg23 : memref<1x128xf32, #tpu.memory_space<vmem>>) target_semaphore(%arg32 : memref<!tpu.dma_semaphore, #tpu.memory_space<semaphore_mem>>)
      %slice3A_33 = vector.extract_strided_slice %get3A_22 {offsets = [1], sizes = [1], strides = [1]} : vector<16xi32> to vector<1xi32>
      %squeeze3A_34 = vector.extract %slice3A_33[0] : i32 from vector<1xi32>
      %shift_right_arithmetic3A_35 = arith.constant 7 : i32
      %shift_right_arithmetic3A_36 = arith.shrsi %squeeze3A_34, %shift_right_arithmetic3A_35 : i32
      %mul3A_37 = arith.constant 128 : i32
      %mul3A_38 = arith.muli %shift_right_arithmetic3A_36, %mul3A_37 : i32
      %multiple_of3A_39 = tpu.assume_multiple %mul3A_38, 128 : i32
      %dma_start3A_40 = arith.constant 0 : i32
      %dma_start3A_41 = tpu.memref_slice %arg3[%dma_start3A_40, %multiple_of3A_39] : memref<64x1000001xf32, #tpu.memory_space<hbm>> -> memref<64x128xf32, #tpu.memory_space<hbm>>
      %dma_start3A_42 = arith.constant 0 : i32
      %dma_start3A_43 = tpu.memref_slice %arg3[%dma_start3A_42, %multiple_of3A_39] : memref<64x1000001xf32, #tpu.memory_space<hbm>> -> memref<64x128xf32, #tpu.memory_space<hbm>>
      tpu.enqueue_dma source(%dma_start3A_43 : memref<64x128xf32, #tpu.memory_space<hbm>>) target(%arg16 : memref<64x128xf32, #tpu.memory_space<vmem>>) target_semaphore(%arg31 : memref<!tpu.dma_semaphore, #tpu.memory_space<semaphore_mem>>)
      %dma_start3A_44 = arith.constant 0 : i32
      %dma_start3A_45 = tpu.memref_slice %arg4[%dma_start3A_44, %multiple_of3A_39] : memref<1x1000001xf32, #tpu.memory_space<hbm>> -> memref<1x128xf32, #tpu.memory_space<hbm>>
      %dma_start3A_46 = arith.constant 0 : i32
      %dma_start3A_47 = tpu.memref_slice %arg4[%dma_start3A_46, %multiple_of3A_39] : memref<1x1000001xf32, #tpu.memory_space<hbm>> -> memref<1x128xf32, #tpu.memory_space<hbm>>
      tpu.enqueue_dma source(%dma_start3A_47 : memref<1x128xf32, #tpu.memory_space<hbm>>) target(%arg24 : memref<1x128xf32, #tpu.memory_space<vmem>>) target_semaphore(%arg32 : memref<!tpu.dma_semaphore, #tpu.memory_space<semaphore_mem>>)
      %slice3A_48 = vector.extract_strided_slice %get3A_22 {offsets = [2], sizes = [1], strides = [1]} : vector<16xi32> to vector<1xi32>
      %squeeze3A_49 = vector.extract %slice3A_48[0] : i32 from vector<1xi32>
      %shift_right_arithmetic3A_50 = arith.constant 7 : i32
      %shift_right_arithmetic3A_51 = arith.shrsi %squeeze3A_49, %shift_right_arithmetic3A_50 : i32
      %mul3A_52 = arith.constant 128 : i32
      %mul3A_53 = arith.muli %shift_right_arithmetic3A_51, %mul3A_52 : i32
      %multiple_of3A_54 = tpu.assume_multiple %mul3A_53, 128 : i32
      %dma_start3A_55 = arith.constant 0 : i32
      %dma_start3A_56 = tpu.memref_slice %arg3[%dma_start3A_55, %multiple_of3A_54] : memref<64x1000001xf32, #tpu.memory_space<hbm>> -> memref<64x128xf32, #tpu.memory_space<hbm>>
      %dma_start3A_57 = arith.constant 0 : i32
      %dma_start3A_58 = tpu.memref_slice %arg3[%dma_start3A_57, %multiple_of3A_54] : memref<64x1000001xf32, #tpu.memory_space<hbm>> -> memref<64x128xf32, #tpu.memory_space<hbm>>
      tpu.enqueue_dma source(%dma_start3A_58 : memref<64x128xf32, #tpu.memory_space<hbm>>) target(%arg17 : memref<64x128xf32, #tpu.memory_space<vmem>>) target_semaphore(%arg31 : memref<!tpu.dma_semaphore, #tpu.memory_space<semaphore_mem>>)
      %dma_start3A_59 = arith.constant 0 : i32
      %dma_start3A_60 = tpu.memref_slice %arg4[%dma_start3A_59, %multiple_of3A_54] : memref<1x1000001xf32, #tpu.memory_space<hbm>> -> memref<1x128xf32, #tpu.memory_space<hbm>>
      %dma_start3A_61 = arith.constant 0 : i32
      %dma_start3A_62 = tpu.memref_slice %arg4[%dma_start3A_61, %multiple_of3A_54] : memref<1x1000001xf32, #tpu.memory_space<hbm>> -> memref<1x128xf32, #tpu.memory_space<hbm>>
      tpu.enqueue_dma source(%dma_start3A_62 : memref<1x128xf32, #tpu.memory_space<hbm>>) target(%arg25 : memref<1x128xf32, #tpu.memory_space<vmem>>) target_semaphore(%arg32 : memref<!tpu.dma_semaphore, #tpu.memory_space<semaphore_mem>>)
      %slice3A_63 = vector.extract_strided_slice %get3A_22 {offsets = [3], sizes = [1], strides = [1]} : vector<16xi32> to vector<1xi32>
      %squeeze3A_64 = vector.extract %slice3A_63[0] : i32 from vector<1xi32>
      %shift_right_arithmetic3A_65 = arith.constant 7 : i32
      %shift_right_arithmetic3A_66 = arith.shrsi %squeeze3A_64, %shift_right_arithmetic3A_65 : i32
      %mul3A_67 = arith.constant 128 : i32
      %mul3A_68 = arith.muli %shift_right_arithmetic3A_66, %mul3A_67 : i32
      %multiple_of3A_69 = tpu.assume_multiple %mul3A_68, 128 : i32
      %dma_start3A_70 = arith.constant 0 : i32
      %dma_start3A_71 = tpu.memref_slice %arg3[%dma_start3A_70, %multiple_of3A_69] : memref<64x1000001xf32, #tpu.memory_space<hbm>> -> memref<64x128xf32, #tpu.memory_space<hbm>>
      %dma_start3A_72 = arith.constant 0 : i32
      %dma_start3A_73 = tpu.memref_slice %arg3[%dma_start3A_72, %multiple_of3A_69] : memref<64x1000001xf32, #tpu.memory_space<hbm>> -> memref<64x128xf32, #tpu.memory_space<hbm>>
      tpu.enqueue_dma source(%dma_start3A_73 : memref<64x128xf32, #tpu.memory_space<hbm>>) target(%arg18 : memref<64x128xf32, #tpu.memory_space<vmem>>) target_semaphore(%arg31 : memref<!tpu.dma_semaphore, #tpu.memory_space<semaphore_mem>>)
      %dma_start3A_74 = arith.constant 0 : i32
      %dma_start3A_75 = tpu.memref_slice %arg4[%dma_start3A_74, %multiple_of3A_69] : memref<1x1000001xf32, #tpu.memory_space<hbm>> -> memref<1x128xf32, #tpu.memory_space<hbm>>
      %dma_start3A_76 = arith.constant 0 : i32
      %dma_start3A_77 = tpu.memref_slice %arg4[%dma_start3A_76, %multiple_of3A_69] : memref<1x1000001xf32, #tpu.memory_space<hbm>> -> memref<1x128xf32, #tpu.memory_space<hbm>>
      tpu.enqueue_dma source(%dma_start3A_77 : memref<1x128xf32, #tpu.memory_space<hbm>>) target(%arg26 : memref<1x128xf32, #tpu.memory_space<vmem>>) target_semaphore(%arg32 : memref<!tpu.dma_semaphore, #tpu.memory_space<semaphore_mem>>)
      %slice3A_78 = vector.extract_strided_slice %get3A_22 {offsets = [4], sizes = [1], strides = [1]} : vector<16xi32> to vector<1xi32>
      %squeeze3A_79 = vector.extract %slice3A_78[0] : i32 from vector<1xi32>
      %shift_right_arithmetic3A_80 = arith.constant 7 : i32
      %shift_right_arithmetic3A_81 = arith.shrsi %squeeze3A_79, %shift_right_arithmetic3A_80 : i32
      %mul3A_82 = arith.constant 128 : i32
      %mul3A_83 = arith.muli %shift_right_arithmetic3A_81, %mul3A_82 : i32
      %multiple_of3A_84 = tpu.assume_multiple %mul3A_83, 128 : i32
      %dma_start3A_85 = arith.constant 0 : i32
      %dma_start3A_86 = tpu.memref_slice %arg3[%dma_start3A_85, %multiple_of3A_84] : memref<64x1000001xf32, #tpu.memory_space<hbm>> -> memref<64x128xf32, #tpu.memory_space<hbm>>
      %dma_start3A_87 = arith.constant 0 : i32
      %dma_start3A_88 = tpu.memref_slice %arg3[%dma_start3A_87, %multiple_of3A_84] : memref<64x1000001xf32, #tpu.memory_space<hbm>> -> memref<64x128xf32, #tpu.memory_space<hbm>>
      tpu.enqueue_dma source(%dma_start3A_88 : memref<64x128xf32, #tpu.memory_space<hbm>>) target(%arg19 : memref<64x128xf32, #tpu.memory_space<vmem>>) target_semaphore(%arg31 : memref<!tpu.dma_semaphore, #tpu.memory_space<semaphore_mem>>)
      %dma_start3A_89 = arith.constant 0 : i32
      %dma_start3A_90 = tpu.memref_slice %arg4[%dma_start3A_89, %multiple_of3A_84] : memref<1x1000001xf32, #tpu.memory_space<hbm>> -> memref<1x128xf32, #tpu.memory_space<hbm>>
      %dma_start3A_91 = arith.constant 0 : i32
      %dma_start3A_92 = tpu.memref_slice %arg4[%dma_start3A_91, %multiple_of3A_84] : memref<1x1000001xf32, #tpu.memory_space<hbm>> -> memref<1x128xf32, #tpu.memory_space<hbm>>
      tpu.enqueue_dma source(%dma_start3A_92 : memref<1x128xf32, #tpu.memory_space<hbm>>) target(%arg27 : memref<1x128xf32, #tpu.memory_space<vmem>>) target_semaphore(%arg32 : memref<!tpu.dma_semaphore, #tpu.memory_space<semaphore_mem>>)
      %slice3A_93 = vector.extract_strided_slice %get3A_22 {offsets = [5], sizes = [1], strides = [1]} : vector<16xi32> to vector<1xi32>
      %squeeze3A_94 = vector.extract %slice3A_93[0] : i32 from vector<1xi32>
      %shift_right_arithmetic3A_95 = arith.constant 7 : i32
      %shift_right_arithmetic3A_96 = arith.shrsi %squeeze3A_94, %shift_right_arithmetic3A_95 : i32
      %mul3A_97 = arith.constant 128 : i32
      %mul3A_98 = arith.muli %shift_right_arithmetic3A_96, %mul3A_97 : i32
      %multiple_of3A_99 = tpu.assume_multiple %mul3A_98, 128 : i32
      %dma_start3A_100 = arith.constant 0 : i32
      %dma_start3A_101 = tpu.memref_slice %arg3[%dma_start3A_100, %multiple_of3A_99] : memref<64x1000001xf32, #tpu.memory_space<hbm>> -> memref<64x128xf32, #tpu.memory_space<hbm>>
      %dma_start3A_102 = arith.constant 0 : i32
      %dma_start3A_103 = tpu.memref_slice %arg3[%dma_start3A_102, %multiple_of3A_99] : memref<64x1000001xf32, #tpu.memory_space<hbm>> -> memref<64x128xf32, #tpu.memory_space<hbm>>
      tpu.enqueue_dma source(%dma_start3A_103 : memref<64x128xf32, #tpu.memory_space<hbm>>) target(%arg20 : memref<64x128xf32, #tpu.memory_space<vmem>>) target_semaphore(%arg31 : memref<!tpu.dma_semaphore, #tpu.memory_space<semaphore_mem>>)
      %dma_start3A_104 = arith.constant 0 : i32
      %dma_start3A_105 = tpu.memref_slice %arg4[%dma_start3A_104, %multiple_of3A_99] : memref<1x1000001xf32, #tpu.memory_space<hbm>> -> memref<1x128xf32, #tpu.memory_space<hbm>>
      %dma_start3A_106 = arith.constant 0 : i32
      %dma_start3A_107 = tpu.memref_slice %arg4[%dma_start3A_106, %multiple_of3A_99] : memref<1x1000001xf32, #tpu.memory_space<hbm>> -> memref<1x128xf32, #tpu.memory_space<hbm>>
      tpu.enqueue_dma source(%dma_start3A_107 : memref<1x128xf32, #tpu.memory_space<hbm>>) target(%arg28 : memref<1x128xf32, #tpu.memory_space<vmem>>) target_semaphore(%arg32 : memref<!tpu.dma_semaphore, #tpu.memory_space<semaphore_mem>>)
      %slice3A_108 = vector.extract_strided_slice %get3A_22 {offsets = [6], sizes = [1], strides = [1]} : vector<16xi32> to vector<1xi32>
      %squeeze3A_109 = vector.extract %slice3A_108[0] : i32 from vector<1xi32>
      %shift_right_arithmetic3A_110 = arith.constant 7 : i32
      %shift_right_arithmetic3A_111 = arith.shrsi %squeeze3A_109, %shift_right_arithmetic3A_110 : i32
      %mul3A_112 = arith.constant 128 : i32
      %mul3A_113 = arith.muli %shift_right_arithmetic3A_111, %mul3A_112 : i32
      %multiple_of3A_114 = tpu.assume_multiple %mul3A_113, 128 : i32
      %dma_start3A_115 = arith.constant 0 : i32
      %dma_start3A_116 = tpu.memref_slice %arg3[%dma_start3A_115, %multiple_of3A_114] : memref<64x1000001xf32, #tpu.memory_space<hbm>> -> memref<64x128xf32, #tpu.memory_space<hbm>>
      %dma_start3A_117 = arith.constant 0 : i32
      %dma_start3A_118 = tpu.memref_slice %arg3[%dma_start3A_117, %multiple_of3A_114] : memref<64x1000001xf32, #tpu.memory_space<hbm>> -> memref<64x128xf32, #tpu.memory_space<hbm>>
      tpu.enqueue_dma source(%dma_start3A_118 : memref<64x128xf32, #tpu.memory_space<hbm>>) target(%arg21 : memref<64x128xf32, #tpu.memory_space<vmem>>) target_semaphore(%arg31 : memref<!tpu.dma_semaphore, #tpu.memory_space<semaphore_mem>>)
      %dma_start3A_119 = arith.constant 0 : i32
      %dma_start3A_120 = tpu.memref_slice %arg4[%dma_start3A_119, %multiple_of3A_114] : memref<1x1000001xf32, #tpu.memory_space<hbm>> -> memref<1x128xf32, #tpu.memory_space<hbm>>
      %dma_start3A_121 = arith.constant 0 : i32
      %dma_start3A_122 = tpu.memref_slice %arg4[%dma_start3A_121, %multiple_of3A_114] : memref<1x1000001xf32, #tpu.memory_space<hbm>> -> memref<1x128xf32, #tpu.memory_space<hbm>>
      tpu.enqueue_dma source(%dma_start3A_122 : memref<1x128xf32, #tpu.memory_space<hbm>>) target(%arg29 : memref<1x128xf32, #tpu.memory_space<vmem>>) target_semaphore(%arg32 : memref<!tpu.dma_semaphore, #tpu.memory_space<semaphore_mem>>)
      %slice3A_123 = vector.extract_strided_slice %get3A_22 {offsets = [7], sizes = [1], strides = [1]} : vector<16xi32> to vector<1xi32>
      %squeeze3A_124 = vector.extract %slice3A_123[0] : i32 from vector<1xi32>
      %shift_right_arithmetic3A_125 = arith.constant 7 : i32
      %shift_right_arithmetic3A_126 = arith.shrsi %squeeze3A_124, %shift_right_arithmetic3A_125 : i32
      %mul3A_127 = arith.constant 128 : i32
      %mul3A_128 = arith.muli %shift_right_arithmetic3A_126, %mul3A_127 : i32
      %multiple_of3A_129 = tpu.assume_multiple %mul3A_128, 128 : i32
      %dma_start3A_130 = arith.constant 0 : i32
      %dma_start3A_131 = tpu.memref_slice %arg3[%dma_start3A_130, %multiple_of3A_129] : memref<64x1000001xf32, #tpu.memory_space<hbm>> -> memref<64x128xf32, #tpu.memory_space<hbm>>
      %dma_start3A_132 = arith.constant 0 : i32
      %dma_start3A_133 = tpu.memref_slice %arg3[%dma_start3A_132, %multiple_of3A_129] : memref<64x1000001xf32, #tpu.memory_space<hbm>> -> memref<64x128xf32, #tpu.memory_space<hbm>>
      tpu.enqueue_dma source(%dma_start3A_133 : memref<64x128xf32, #tpu.memory_space<hbm>>) target(%arg22 : memref<64x128xf32, #tpu.memory_space<vmem>>) target_semaphore(%arg31 : memref<!tpu.dma_semaphore, #tpu.memory_space<semaphore_mem>>)
      %dma_start3A_134 = arith.constant 0 : i32
      %dma_start3A_135 = tpu.memref_slice %arg4[%dma_start3A_134, %multiple_of3A_129] : memref<1x1000001xf32, #tpu.memory_space<hbm>> -> memref<1x128xf32, #tpu.memory_space<hbm>>
      %dma_start3A_136 = arith.constant 0 : i32
      %dma_start3A_137 = tpu.memref_slice %arg4[%dma_start3A_136, %multiple_of3A_129] : memref<1x1000001xf32, #tpu.memory_space<hbm>> -> memref<1x128xf32, #tpu.memory_space<hbm>>
      tpu.enqueue_dma source(%dma_start3A_137 : memref<1x128xf32, #tpu.memory_space<hbm>>) target(%arg30 : memref<1x128xf32, #tpu.memory_space<vmem>>) target_semaphore(%arg32 : memref<!tpu.dma_semaphore, #tpu.memory_space<semaphore_mem>>)
      %dma_wait3A = arith.constant 0 : i32
      %dma_wait3A_138 = tpu.memref_slice %arg3[%dma_wait3A, %multiple_of3A] : memref<64x1000001xf32, #tpu.memory_space<hbm>> -> memref<64x128xf32, #tpu.memory_space<hbm>>
      %dma_wait3A_139 = arith.constant 0 : i32
      %dma_wait3A_140 = tpu.memref_slice %arg3[%dma_wait3A_139, %multiple_of3A] : memref<64x1000001xf32, #tpu.memory_space<hbm>> -> memref<64x128xf32, #tpu.memory_space<hbm>>
      tpu.wait_dma2 semaphore(%arg31 : memref<!tpu.dma_semaphore, #tpu.memory_space<semaphore_mem>>) src(%dma_wait3A_140 : memref<64x128xf32, #tpu.memory_space<hbm>>) dst(%arg15 : memref<64x128xf32, #tpu.memory_space<vmem>>)
      %slice3A_141 = vector.extract_strided_slice %get3A_22 {offsets = [0], sizes = [1], strides = [1]} : vector<16xi32> to vector<1xi32>
      %squeeze3A_142 = vector.extract %slice3A_141[0] : i32 from vector<1xi32>
      %and3A = arith.constant 127 : i32
      %and3A_143 = arith.andi %squeeze3A_142, %and3A : i32
      %broadcast_in_dim3A = vector.broadcast %and3A_143 : i32 to vector<16xi32>
      %iota3A = tpu.iota {dimensions = array<i32: 0>} : vector<16xi32>
      %add3A_144 = arith.constant 0 : i32
      %add3A_145 = vector.broadcast %add3A_144 : i32 to vector<16xi32>
      %add3A_146 = arith.addi %iota3A, %add3A_145 : vector<16xi32>
      %gather3A = tpu.vector_load_idx %arg15[%add3A_146, %broadcast_in_dim3A] : memref<64x128xf32, #tpu.memory_space<vmem>>[vector<16xi32>, vector<16xi32>], vector<16xf32>,
      %add3A_147 = arith.constant 0 : i32
      %add3A_148 = arith.addi %mul3A_21, %add3A_147 : i32
      %swap3A = arith.index_cast %add3A_148 : i32 to index
      %swap3A_149 = arith.constant 0 : index
      %swap3A_150 = tpu.vector_load %arg13[%swap3A, %swap3A_149] {strides = array<i32>} : memref<128x64xf32, #tpu.memory_space<vmem>>, vector<16xf32>,
      tpu.vector_store %arg13[%swap3A, %swap3A_149], %gather3A {strides = array<i32>} : memref<128x64xf32, #tpu.memory_space<vmem>>, vector<16xf32>,
      %iota3A_151 = tpu.iota {dimensions = array<i32: 0>} : vector<16xi32>
      %add3A_152 = arith.constant 16 : i32
      %add3A_153 = vector.broadcast %add3A_152 : i32 to vector<16xi32>
      %add3A_154 = arith.addi %iota3A_151, %add3A_153 : vector<16xi32>
      %gather3A_155 = tpu.vector_load_idx %arg15[%add3A_154, %broadcast_in_dim3A] : memref<64x128xf32, #tpu.memory_space<vmem>>[vector<16xi32>, vector<16xi32>], vector<16xf32>,
      %add3A_156 = arith.constant 0 : i32
      %add3A_157 = arith.addi %mul3A_21, %add3A_156 : i32
      %swap3A_158 = arith.index_cast %add3A_157 : i32 to index
      %swap3A_159 = arith.constant 16 : index
      %swap3A_160 = tpu.vector_load %arg13[%swap3A_158, %swap3A_159] {strides = array<i32>} : memref<128x64xf32, #tpu.memory_space<vmem>>, vector<16xf32>,
      tpu.vector_store %arg13[%swap3A_158, %swap3A_159], %gather3A_155 {strides = array<i32>} : memref<128x64xf32, #tpu.memory_space<vmem>>, vector<16xf32>,
      %iota3A_161 = tpu.iota {dimensions = array<i32: 0>} : vector<16xi32>
      %add3A_162 = arith.constant 32 : i32
      %add3A_163 = vector.broadcast %add3A_162 : i32 to vector<16xi32>
      %add3A_164 = arith.addi %iota3A_161, %add3A_163 : vector<16xi32>
      %gather3A_165 = tpu.vector_load_idx %arg15[%add3A_164, %broadcast_in_dim3A] : memref<64x128xf32, #tpu.memory_space<vmem>>[vector<16xi32>, vector<16xi32>], vector<16xf32>,
      %add3A_166 = arith.constant 0 : i32
      %add3A_167 = arith.addi %mul3A_21, %add3A_166 : i32
      %swap3A_168 = arith.index_cast %add3A_167 : i32 to index
      %swap3A_169 = arith.constant 32 : index
      %swap3A_170 = tpu.vector_load %arg13[%swap3A_168, %swap3A_169] {strides = array<i32>} : memref<128x64xf32, #tpu.memory_space<vmem>>, vector<16xf32>,
      tpu.vector_store %arg13[%swap3A_168, %swap3A_169], %gather3A_165 {strides = array<i32>} : memref<128x64xf32, #tpu.memory_space<vmem>>, vector<16xf32>,
      %iota3A_171 = tpu.iota {dimensions = array<i32: 0>} : vector<16xi32>
      %add3A_172 = arith.constant 48 : i32
      %add3A_173 = vector.broadcast %add3A_172 : i32 to vector<16xi32>
      %add3A_174 = arith.addi %iota3A_171, %add3A_173 : vector<16xi32>
      %gather3A_175 = tpu.vector_load_idx %arg15[%add3A_174, %broadcast_in_dim3A] : memref<64x128xf32, #tpu.memory_space<vmem>>[vector<16xi32>, vector<16xi32>], vector<16xf32>,
      %add3A_176 = arith.constant 0 : i32
      %add3A_177 = arith.addi %mul3A_21, %add3A_176 : i32
      %swap3A_178 = arith.index_cast %add3A_177 : i32 to index
      %swap3A_179 = arith.constant 48 : index
      %swap3A_180 = tpu.vector_load %arg13[%swap3A_178, %swap3A_179] {strides = array<i32>} : memref<128x64xf32, #tpu.memory_space<vmem>>, vector<16xf32>,
      tpu.vector_store %arg13[%swap3A_178, %swap3A_179], %gather3A_175 {strides = array<i32>} : memref<128x64xf32, #tpu.memory_space<vmem>>, vector<16xf32>,
      %dma_wait3A_181 = arith.constant 0 : i32
      %dma_wait3A_182 = tpu.memref_slice %arg4[%dma_wait3A_181, %multiple_of3A] : memref<1x1000001xf32, #tpu.memory_space<hbm>> -> memref<1x128xf32, #tpu.memory_space<hbm>>
      %dma_wait3A_183 = arith.constant 0 : i32
      %dma_wait3A_184 = tpu.memref_slice %arg4[%dma_wait3A_183, %multiple_of3A] : memref<1x1000001xf32, #tpu.memory_space<hbm>> -> memref<1x128xf32, #tpu.memory_space<hbm>>
      tpu.wait_dma2 semaphore(%arg32 : memref<!tpu.dma_semaphore, #tpu.memory_space<semaphore_mem>>) src(%dma_wait3A_184 : memref<1x128xf32, #tpu.memory_space<hbm>>) dst(%arg23 : memref<1x128xf32, #tpu.memory_space<vmem>>)
      %broadcast_in_dim3A_185 = arith.constant 0 : i32
      %broadcast_in_dim3A_186 = vector.broadcast %broadcast_in_dim3A_185 : i32 to vector<16xi32>
      %gather3A_187 = tpu.vector_load_idx %arg23[%broadcast_in_dim3A_186, %broadcast_in_dim3A] : memref<1x128xf32, #tpu.memory_space<vmem>>[vector<16xi32>, vector<16xi32>], vector<16xf32>,
      %add3A_188 = arith.constant 0 : i32
      %add3A_189 = arith.addi %mul3A_21, %add3A_188 : i32
      %swap3A_190 = arith.index_cast %add3A_189 : i32 to index
      %swap3A_191 = arith.constant 0 : index
      %swap3A_192 = tpu.vector_load %arg14[%swap3A_190, %swap3A_191] {strides = array<i32>} : memref<128x16xf32, #tpu.memory_space<vmem>>, vector<16xf32>,
      tpu.vector_store %arg14[%swap3A_190, %swap3A_191], %gather3A_187 {strides = array<i32>} : memref<128x16xf32, #tpu.memory_space<vmem>>, vector<16xf32>,
      %dma_wait3A_193 = arith.constant 0 : i32
      %dma_wait3A_194 = tpu.memref_slice %arg3[%dma_wait3A_193, %multiple_of3A_39] : memref<64x1000001xf32, #tpu.memory_space<hbm>> -> memref<64x128xf32, #tpu.memory_space<hbm>>
      %dma_wait3A_195 = arith.constant 0 : i32
      %dma_wait3A_196 = tpu.memref_slice %arg3[%dma_wait3A_195, %multiple_of3A_39] : memref<64x1000001xf32, #tpu.memory_space<hbm>> -> memref<64x128xf32, #tpu.memory_space<hbm>>
      tpu.wait_dma2 semaphore(%arg31 : memref<!tpu.dma_semaphore, #tpu.memory_space<semaphore_mem>>) src(%dma_wait3A_196 : memref<64x128xf32, #tpu.memory_space<hbm>>) dst(%arg16 : memref<64x128xf32, #tpu.memory_space<vmem>>)
      %slice3A_197 = vector.extract_strided_slice %get3A_22 {offsets = [1], sizes = [1], strides = [1]} : vector<16xi32> to vector<1xi32>
      %squeeze3A_198 = vector.extract %slice3A_197[0] : i32 from vector<1xi32>
      %and3A_199 = arith.constant 127 : i32
      %and3A_200 = arith.andi %squeeze3A_198, %and3A_199 : i32
      %broadcast_in_dim3A_201 = vector.broadcast %and3A_200 : i32 to vector<16xi32>
      %iota3A_202 = tpu.iota {dimensions = array<i32: 0>} : vector<16xi32>
      %add3A_203 = arith.constant 0 : i32
      %add3A_204 = vector.broadcast %add3A_203 : i32 to vector<16xi32>
      %add3A_205 = arith.addi %iota3A_202, %add3A_204 : vector<16xi32>
      %gather3A_206 = tpu.vector_load_idx %arg16[%add3A_205, %broadcast_in_dim3A_201] : memref<64x128xf32, #tpu.memory_space<vmem>>[vector<16xi32>, vector<16xi32>], vector<16xf32>,
      %add3A_207 = arith.constant 1 : i32
      %add3A_208 = arith.addi %mul3A_21, %add3A_207 : i32
      %swap3A_209 = arith.index_cast %add3A_208 : i32 to index
      %swap3A_210 = arith.constant 0 : index
      %swap3A_211 = tpu.vector_load %arg13[%swap3A_209, %swap3A_210] {strides = array<i32>} : memref<128x64xf32, #tpu.memory_space<vmem>>, vector<16xf32>,
      tpu.vector_store %arg13[%swap3A_209, %swap3A_210], %gather3A_206 {strides = array<i32>} : memref<128x64xf32, #tpu.memory_space<vmem>>, vector<16xf32>,
      %iota3A_212 = tpu.iota {dimensions = array<i32: 0>} : vector<16xi32>
      %add3A_213 = arith.constant 16 : i32
      %add3A_214 = vector.broadcast %add3A_213 : i32 to vector<16xi32>
      %add3A_215 = arith.addi %iota3A_212, %add3A_214 : vector<16xi32>
      %gather3A_216 = tpu.vector_load_idx %arg16[%add3A_215, %broadcast_in_dim3A_201] : memref<64x128xf32, #tpu.memory_space<vmem>>[vector<16xi32>, vector<16xi32>], vector<16xf32>,
      %add3A_217 = arith.constant 1 : i32
      %add3A_218 = arith.addi %mul3A_21, %add3A_217 : i32
      %swap3A_219 = arith.index_cast %add3A_218 : i32 to index
      %swap3A_220 = arith.constant 16 : index
      %swap3A_221 = tpu.vector_load %arg13[%swap3A_219, %swap3A_220] {strides = array<i32>} : memref<128x64xf32, #tpu.memory_space<vmem>>, vector<16xf32>,
      tpu.vector_store %arg13[%swap3A_219, %swap3A_220], %gather3A_216 {strides = array<i32>} : memref<128x64xf32, #tpu.memory_space<vmem>>, vector<16xf32>,
      %iota3A_222 = tpu.iota {dimensions = array<i32: 0>} : vector<16xi32>
      %add3A_223 = arith.constant 32 : i32
      %add3A_224 = vector.broadcast %add3A_223 : i32 to vector<16xi32>
      %add3A_225 = arith.addi %iota3A_222, %add3A_224 : vector<16xi32>
      %gather3A_226 = tpu.vector_load_idx %arg16[%add3A_225, %broadcast_in_dim3A_201] : memref<64x128xf32, #tpu.memory_space<vmem>>[vector<16xi32>, vector<16xi32>], vector<16xf32>,
      %add3A_227 = arith.constant 1 : i32
      %add3A_228 = arith.addi %mul3A_21, %add3A_227 : i32
      %swap3A_229 = arith.index_cast %add3A_228 : i32 to index
      %swap3A_230 = arith.constant 32 : index
      %swap3A_231 = tpu.vector_load %arg13[%swap3A_229, %swap3A_230] {strides = array<i32>} : memref<128x64xf32, #tpu.memory_space<vmem>>, vector<16xf32>,
      tpu.vector_store %arg13[%swap3A_229, %swap3A_230], %gather3A_226 {strides = array<i32>} : memref<128x64xf32, #tpu.memory_space<vmem>>, vector<16xf32>,
      %iota3A_232 = tpu.iota {dimensions = array<i32: 0>} : vector<16xi32>
      %add3A_233 = arith.constant 48 : i32
      %add3A_234 = vector.broadcast %add3A_233 : i32 to vector<16xi32>
      %add3A_235 = arith.addi %iota3A_232, %add3A_234 : vector<16xi32>
      %gather3A_236 = tpu.vector_load_idx %arg16[%add3A_235, %broadcast_in_dim3A_201] : memref<64x128xf32, #tpu.memory_space<vmem>>[vector<16xi32>, vector<16xi32>], vector<16xf32>,
      %add3A_237 = arith.constant 1 : i32
      %add3A_238 = arith.addi %mul3A_21, %add3A_237 : i32
      %swap3A_239 = arith.index_cast %add3A_238 : i32 to index
      %swap3A_240 = arith.constant 48 : index
      %swap3A_241 = tpu.vector_load %arg13[%swap3A_239, %swap3A_240] {strides = array<i32>} : memref<128x64xf32, #tpu.memory_space<vmem>>, vector<16xf32>,
      tpu.vector_store %arg13[%swap3A_239, %swap3A_240], %gather3A_236 {strides = array<i32>} : memref<128x64xf32, #tpu.memory_space<vmem>>, vector<16xf32>,
      %dma_wait3A_242 = arith.constant 0 : i32
      %dma_wait3A_243 = tpu.memref_slice %arg4[%dma_wait3A_242, %multiple_of3A_39] : memref<1x1000001xf32, #tpu.memory_space<hbm>> -> memref<1x128xf32, #tpu.memory_space<hbm>>
      %dma_wait3A_244 = arith.constant 0 : i32
      %dma_wait3A_245 = tpu.memref_slice %arg4[%dma_wait3A_244, %multiple_of3A_39] : memref<1x1000001xf32, #tpu.memory_space<hbm>> -> memref<1x128xf32, #tpu.memory_space<hbm>>
      tpu.wait_dma2 semaphore(%arg32 : memref<!tpu.dma_semaphore, #tpu.memory_space<semaphore_mem>>) src(%dma_wait3A_245 : memref<1x128xf32, #tpu.memory_space<hbm>>) dst(%arg24 : memref<1x128xf32, #tpu.memory_space<vmem>>)
      %broadcast_in_dim3A_246 = arith.constant 0 : i32
      %broadcast_in_dim3A_247 = vector.broadcast %broadcast_in_dim3A_246 : i32 to vector<16xi32>
      %gather3A_248 = tpu.vector_load_idx %arg24[%broadcast_in_dim3A_247, %broadcast_in_dim3A_201] : memref<1x128xf32, #tpu.memory_space<vmem>>[vector<16xi32>, vector<16xi32>], vector<16xf32>,
      %add3A_249 = arith.constant 1 : i32
      %add3A_250 = arith.addi %mul3A_21, %add3A_249 : i32
      %swap3A_251 = arith.index_cast %add3A_250 : i32 to index
      %swap3A_252 = arith.constant 0 : index
      %swap3A_253 = tpu.vector_load %arg14[%swap3A_251, %swap3A_252] {strides = array<i32>} : memref<128x16xf32, #tpu.memory_space<vmem>>, vector<16xf32>,
      tpu.vector_store %arg14[%swap3A_251, %swap3A_252], %gather3A_248 {strides = array<i32>} : memref<128x16xf32, #tpu.memory_space<vmem>>, vector<16xf32>,
      %dma_wait3A_254 = arith.constant 0 : i32
      %dma_wait3A_255 = tpu.memref_slice %arg3[%dma_wait3A_254, %multiple_of3A_54] : memref<64x1000001xf32, #tpu.memory_space<hbm>> -> memref<64x128xf32, #tpu.memory_space<hbm>>
      %dma_wait3A_256 = arith.constant 0 : i32
      %dma_wait3A_257 = tpu.memref_slice %arg3[%dma_wait3A_256, %multiple_of3A_54] : memref<64x1000001xf32, #tpu.memory_space<hbm>> -> memref<64x128xf32, #tpu.memory_space<hbm>>
      tpu.wait_dma2 semaphore(%arg31 : memref<!tpu.dma_semaphore, #tpu.memory_space<semaphore_mem>>) src(%dma_wait3A_257 : memref<64x128xf32, #tpu.memory_space<hbm>>) dst(%arg17 : memref<64x128xf32, #tpu.memory_space<vmem>>)
      %slice3A_258 = vector.extract_strided_slice %get3A_22 {offsets = [2], sizes = [1], strides = [1]} : vector<16xi32> to vector<1xi32>
      %squeeze3A_259 = vector.extract %slice3A_258[0] : i32 from vector<1xi32>
      %and3A_260 = arith.constant 127 : i32
      %and3A_261 = arith.andi %squeeze3A_259, %and3A_260 : i32
      %broadcast_in_dim3A_262 = vector.broadcast %and3A_261 : i32 to vector<16xi32>
      %iota3A_263 = tpu.iota {dimensions = array<i32: 0>} : vector<16xi32>
      %add3A_264 = arith.constant 0 : i32
      %add3A_265 = vector.broadcast %add3A_264 : i32 to vector<16xi32>
      %add3A_266 = arith.addi %iota3A_263, %add3A_265 : vector<16xi32>
      %gather3A_267 = tpu.vector_load_idx %arg17[%add3A_266, %broadcast_in_dim3A_262] : memref<64x128xf32, #tpu.memory_space<vmem>>[vector<16xi32>, vector<16xi32>], vector<16xf32>,
      %add3A_268 = arith.constant 2 : i32
      %add3A_269 = arith.addi %mul3A_21, %add3A_268 : i32
      %swap3A_270 = arith.index_cast %add3A_269 : i32 to index
      %swap3A_271 = arith.constant 0 : index
      %swap3A_272 = tpu.vector_load %arg13[%swap3A_270, %swap3A_271] {strides = array<i32>} : memref<128x64xf32, #tpu.memory_space<vmem>>, vector<16xf32>,
      tpu.vector_store %arg13[%swap3A_270, %swap3A_271], %gather3A_267 {strides = array<i32>} : memref<128x64xf32, #tpu.memory_space<vmem>>, vector<16xf32>,
      %iota3A_273 = tpu.iota {dimensions = array<i32: 0>} : vector<16xi32>
      %add3A_274 = arith.constant 16 : i32
      %add3A_275 = vector.broadcast %add3A_274 : i32 to vector<16xi32>
      %add3A_276 = arith.addi %iota3A_273, %add3A_275 : vector<16xi32>
      %gather3A_277 = tpu.vector_load_idx %arg17[%add3A_276, %broadcast_in_dim3A_262] : memref<64x128xf32, #tpu.memory_space<vmem>>[vector<16xi32>, vector<16xi32>], vector<16xf32>,
      %add3A_278 = arith.constant 2 : i32
      %add3A_279 = arith.addi %mul3A_21, %add3A_278 : i32
      %swap3A_280 = arith.index_cast %add3A_279 : i32 to index
      %swap3A_281 = arith.constant 16 : index
      %swap3A_282 = tpu.vector_load %arg13[%swap3A_280, %swap3A_281] {strides = array<i32>} : memref<128x64xf32, #tpu.memory_space<vmem>>, vector<16xf32>,
      tpu.vector_store %arg13[%swap3A_280, %swap3A_281], %gather3A_277 {strides = array<i32>} : memref<128x64xf32, #tpu.memory_space<vmem>>, vector<16xf32>,
      %iota3A_283 = tpu.iota {dimensions = array<i32: 0>} : vector<16xi32>
      %add3A_284 = arith.constant 32 : i32
      %add3A_285 = vector.broadcast %add3A_284 : i32 to vector<16xi32>
      %add3A_286 = arith.addi %iota3A_283, %add3A_285 : vector<16xi32>
      %gather3A_287 = tpu.vector_load_idx %arg17[%add3A_286, %broadcast_in_dim3A_262] : memref<64x128xf32, #tpu.memory_space<vmem>>[vector<16xi32>, vector<16xi32>], vector<16xf32>,
      %add3A_288 = arith.constant 2 : i32
      %add3A_289 = arith.addi %mul3A_21, %add3A_288 : i32
      %swap3A_290 = arith.index_cast %add3A_289 : i32 to index
      %swap3A_291 = arith.constant 32 : index
      %swap3A_292 = tpu.vector_load %arg13[%swap3A_290, %swap3A_291] {strides = array<i32>} : memref<128x64xf32, #tpu.memory_space<vmem>>, vector<16xf32>,
      tpu.vector_store %arg13[%swap3A_290, %swap3A_291], %gather3A_287 {strides = array<i32>} : memref<128x64xf32, #tpu.memory_space<vmem>>, vector<16xf32>,
      %iota3A_293 = tpu.iota {dimensions = array<i32: 0>} : vector<16xi32>
      %add3A_294 = arith.constant 48 : i32
      %add3A_295 = vector.broadcast %add3A_294 : i32 to vector<16xi32>
      %add3A_296 = arith.addi %iota3A_293, %add3A_295 : vector<16xi32>
      %gather3A_297 = tpu.vector_load_idx %arg17[%add3A_296, %broadcast_in_dim3A_262] : memref<64x128xf32, #tpu.memory_space<vmem>>[vector<16xi32>, vector<16xi32>], vector<16xf32>,
      %add3A_298 = arith.constant 2 : i32
      %add3A_299 = arith.addi %mul3A_21, %add3A_298 : i32
      %swap3A_300 = arith.index_cast %add3A_299 : i32 to index
      %swap3A_301 = arith.constant 48 : index
      %swap3A_302 = tpu.vector_load %arg13[%swap3A_300, %swap3A_301] {strides = array<i32>} : memref<128x64xf32, #tpu.memory_space<vmem>>, vector<16xf32>,
      tpu.vector_store %arg13[%swap3A_300, %swap3A_301], %gather3A_297 {strides = array<i32>} : memref<128x64xf32, #tpu.memory_space<vmem>>, vector<16xf32>,
      %dma_wait3A_303 = arith.constant 0 : i32
      %dma_wait3A_304 = tpu.memref_slice %arg4[%dma_wait3A_303, %multiple_of3A_54] : memref<1x1000001xf32, #tpu.memory_space<hbm>> -> memref<1x128xf32, #tpu.memory_space<hbm>>
      %dma_wait3A_305 = arith.constant 0 : i32
      %dma_wait3A_306 = tpu.memref_slice %arg4[%dma_wait3A_305, %multiple_of3A_54] : memref<1x1000001xf32, #tpu.memory_space<hbm>> -> memref<1x128xf32, #tpu.memory_space<hbm>>
      tpu.wait_dma2 semaphore(%arg32 : memref<!tpu.dma_semaphore, #tpu.memory_space<semaphore_mem>>) src(%dma_wait3A_306 : memref<1x128xf32, #tpu.memory_space<hbm>>) dst(%arg25 : memref<1x128xf32, #tpu.memory_space<vmem>>)
      %broadcast_in_dim3A_307 = arith.constant 0 : i32
      %broadcast_in_dim3A_308 = vector.broadcast %broadcast_in_dim3A_307 : i32 to vector<16xi32>
      %gather3A_309 = tpu.vector_load_idx %arg25[%broadcast_in_dim3A_308, %broadcast_in_dim3A_262] : memref<1x128xf32, #tpu.memory_space<vmem>>[vector<16xi32>, vector<16xi32>], vector<16xf32>,
      %add3A_310 = arith.constant 2 : i32
      %add3A_311 = arith.addi %mul3A_21, %add3A_310 : i32
      %swap3A_312 = arith.index_cast %add3A_311 : i32 to index
      %swap3A_313 = arith.constant 0 : index
      %swap3A_314 = tpu.vector_load %arg14[%swap3A_312, %swap3A_313] {strides = array<i32>} : memref<128x16xf32, #tpu.memory_space<vmem>>, vector<16xf32>,
      tpu.vector_store %arg14[%swap3A_312, %swap3A_313], %gather3A_309 {strides = array<i32>} : memref<128x16xf32, #tpu.memory_space<vmem>>, vector<16xf32>,
      %dma_wait3A_315 = arith.constant 0 : i32
      %dma_wait3A_316 = tpu.memref_slice %arg3[%dma_wait3A_315, %multiple_of3A_69] : memref<64x1000001xf32, #tpu.memory_space<hbm>> -> memref<64x128xf32, #tpu.memory_space<hbm>>
      %dma_wait3A_317 = arith.constant 0 : i32
      %dma_wait3A_318 = tpu.memref_slice %arg3[%dma_wait3A_317, %multiple_of3A_69] : memref<64x1000001xf32, #tpu.memory_space<hbm>> -> memref<64x128xf32, #tpu.memory_space<hbm>>
      tpu.wait_dma2 semaphore(%arg31 : memref<!tpu.dma_semaphore, #tpu.memory_space<semaphore_mem>>) src(%dma_wait3A_318 : memref<64x128xf32, #tpu.memory_space<hbm>>) dst(%arg18 : memref<64x128xf32, #tpu.memory_space<vmem>>)
      %slice3A_319 = vector.extract_strided_slice %get3A_22 {offsets = [3], sizes = [1], strides = [1]} : vector<16xi32> to vector<1xi32>
      %squeeze3A_320 = vector.extract %slice3A_319[0] : i32 from vector<1xi32>
      %and3A_321 = arith.constant 127 : i32
      %and3A_322 = arith.andi %squeeze3A_320, %and3A_321 : i32
      %broadcast_in_dim3A_323 = vector.broadcast %and3A_322 : i32 to vector<16xi32>
      %iota3A_324 = tpu.iota {dimensions = array<i32: 0>} : vector<16xi32>
      %add3A_325 = arith.constant 0 : i32
      %add3A_326 = vector.broadcast %add3A_325 : i32 to vector<16xi32>
      %add3A_327 = arith.addi %iota3A_324, %add3A_326 : vector<16xi32>
      %gather3A_328 = tpu.vector_load_idx %arg18[%add3A_327, %broadcast_in_dim3A_323] : memref<64x128xf32, #tpu.memory_space<vmem>>[vector<16xi32>, vector<16xi32>], vector<16xf32>,
      %add3A_329 = arith.constant 3 : i32
      %add3A_330 = arith.addi %mul3A_21, %add3A_329 : i32
      %swap3A_331 = arith.index_cast %add3A_330 : i32 to index
      %swap3A_332 = arith.constant 0 : index
      %swap3A_333 = tpu.vector_load %arg13[%swap3A_331, %swap3A_332] {strides = array<i32>} : memref<128x64xf32, #tpu.memory_space<vmem>>, vector<16xf32>,
      tpu.vector_store %arg13[%swap3A_331, %swap3A_332], %gather3A_328 {strides = array<i32>} : memref<128x64xf32, #tpu.memory_space<vmem>>, vector<16xf32>,
      %iota3A_334 = tpu.iota {dimensions = array<i32: 0>} : vector<16xi32>
      %add3A_335 = arith.constant 16 : i32
      %add3A_336 = vector.broadcast %add3A_335 : i32 to vector<16xi32>
      %add3A_337 = arith.addi %iota3A_334, %add3A_336 : vector<16xi32>
      %gather3A_338 = tpu.vector_load_idx %arg18[%add3A_337, %broadcast_in_dim3A_323] : memref<64x128xf32, #tpu.memory_space<vmem>>[vector<16xi32>, vector<16xi32>], vector<16xf32>,
      %add3A_339 = arith.constant 3 : i32
      %add3A_340 = arith.addi %mul3A_21, %add3A_339 : i32
      %swap3A_341 = arith.index_cast %add3A_340 : i32 to index
      %swap3A_342 = arith.constant 16 : index
      %swap3A_343 = tpu.vector_load %arg13[%swap3A_341, %swap3A_342] {strides = array<i32>} : memref<128x64xf32, #tpu.memory_space<vmem>>, vector<16xf32>,
      tpu.vector_store %arg13[%swap3A_341, %swap3A_342], %gather3A_338 {strides = array<i32>} : memref<128x64xf32, #tpu.memory_space<vmem>>, vector<16xf32>,
      %iota3A_344 = tpu.iota {dimensions = array<i32: 0>} : vector<16xi32>
      %add3A_345 = arith.constant 32 : i32
      %add3A_346 = vector.broadcast %add3A_345 : i32 to vector<16xi32>
      %add3A_347 = arith.addi %iota3A_344, %add3A_346 : vector<16xi32>
      %gather3A_348 = tpu.vector_load_idx %arg18[%add3A_347, %broadcast_in_dim3A_323] : memref<64x128xf32, #tpu.memory_space<vmem>>[vector<16xi32>, vector<16xi32>], vector<16xf32>,
      %add3A_349 = arith.constant 3 : i32
      %add3A_350 = arith.addi %mul3A_21, %add3A_349 : i32
      %swap3A_351 = arith.index_cast %add3A_350 : i32 to index
      %swap3A_352 = arith.constant 32 : index
      %swap3A_353 = tpu.vector_load %arg13[%swap3A_351, %swap3A_352] {strides = array<i32>} : memref<128x64xf32, #tpu.memory_space<vmem>>, vector<16xf32>,
      tpu.vector_store %arg13[%swap3A_351, %swap3A_352], %gather3A_348 {strides = array<i32>} : memref<128x64xf32, #tpu.memory_space<vmem>>, vector<16xf32>,
      %iota3A_354 = tpu.iota {dimensions = array<i32: 0>} : vector<16xi32>
      %add3A_355 = arith.constant 48 : i32
      %add3A_356 = vector.broadcast %add3A_355 : i32 to vector<16xi32>
      %add3A_357 = arith.addi %iota3A_354, %add3A_356 : vector<16xi32>
      %gather3A_358 = tpu.vector_load_idx %arg18[%add3A_357, %broadcast_in_dim3A_323] : memref<64x128xf32, #tpu.memory_space<vmem>>[vector<16xi32>, vector<16xi32>], vector<16xf32>,
      %add3A_359 = arith.constant 3 : i32
      %add3A_360 = arith.addi %mul3A_21, %add3A_359 : i32
      %swap3A_361 = arith.index_cast %add3A_360 : i32 to index
      %swap3A_362 = arith.constant 48 : index
      %swap3A_363 = tpu.vector_load %arg13[%swap3A_361, %swap3A_362] {strides = array<i32>} : memref<128x64xf32, #tpu.memory_space<vmem>>, vector<16xf32>,
      tpu.vector_store %arg13[%swap3A_361, %swap3A_362], %gather3A_358 {strides = array<i32>} : memref<128x64xf32, #tpu.memory_space<vmem>>, vector<16xf32>,
      %dma_wait3A_364 = arith.constant 0 : i32
      %dma_wait3A_365 = tpu.memref_slice %arg4[%dma_wait3A_364, %multiple_of3A_69] : memref<1x1000001xf32, #tpu.memory_space<hbm>> -> memref<1x128xf32, #tpu.memory_space<hbm>>
      %dma_wait3A_366 = arith.constant 0 : i32
      %dma_wait3A_367 = tpu.memref_slice %arg4[%dma_wait3A_366, %multiple_of3A_69] : memref<1x1000001xf32, #tpu.memory_space<hbm>> -> memref<1x128xf32, #tpu.memory_space<hbm>>
      tpu.wait_dma2 semaphore(%arg32 : memref<!tpu.dma_semaphore, #tpu.memory_space<semaphore_mem>>) src(%dma_wait3A_367 : memref<1x128xf32, #tpu.memory_space<hbm>>) dst(%arg26 : memref<1x128xf32, #tpu.memory_space<vmem>>)
      %broadcast_in_dim3A_368 = arith.constant 0 : i32
      %broadcast_in_dim3A_369 = vector.broadcast %broadcast_in_dim3A_368 : i32 to vector<16xi32>
      %gather3A_370 = tpu.vector_load_idx %arg26[%broadcast_in_dim3A_369, %broadcast_in_dim3A_323] : memref<1x128xf32, #tpu.memory_space<vmem>>[vector<16xi32>, vector<16xi32>], vector<16xf32>,
      %add3A_371 = arith.constant 3 : i32
      %add3A_372 = arith.addi %mul3A_21, %add3A_371 : i32
      %swap3A_373 = arith.index_cast %add3A_372 : i32 to index
      %swap3A_374 = arith.constant 0 : index
      %swap3A_375 = tpu.vector_load %arg14[%swap3A_373, %swap3A_374] {strides = array<i32>} : memref<128x16xf32, #tpu.memory_space<vmem>>, vector<16xf32>,
      tpu.vector_store %arg14[%swap3A_373, %swap3A_374], %gather3A_370 {strides = array<i32>} : memref<128x16xf32, #tpu.memory_space<vmem>>, vector<16xf32>,
      %dma_wait3A_376 = arith.constant 0 : i32
      %dma_wait3A_377 = tpu.memref_slice %arg3[%dma_wait3A_376, %multiple_of3A_84] : memref<64x1000001xf32, #tpu.memory_space<hbm>> -> memref<64x128xf32, #tpu.memory_space<hbm>>
      %dma_wait3A_378 = arith.constant 0 : i32
      %dma_wait3A_379 = tpu.memref_slice %arg3[%dma_wait3A_378, %multiple_of3A_84] : memref<64x1000001xf32, #tpu.memory_space<hbm>> -> memref<64x128xf32, #tpu.memory_space<hbm>>
      tpu.wait_dma2 semaphore(%arg31 : memref<!tpu.dma_semaphore, #tpu.memory_space<semaphore_mem>>) src(%dma_wait3A_379 : memref<64x128xf32, #tpu.memory_space<hbm>>) dst(%arg19 : memref<64x128xf32, #tpu.memory_space<vmem>>)
      %slice3A_380 = vector.extract_strided_slice %get3A_22 {offsets = [4], sizes = [1], strides = [1]} : vector<16xi32> to vector<1xi32>
      %squeeze3A_381 = vector.extract %slice3A_380[0] : i32 from vector<1xi32>
      %and3A_382 = arith.constant 127 : i32
      %and3A_383 = arith.andi %squeeze3A_381, %and3A_382 : i32
      %broadcast_in_dim3A_384 = vector.broadcast %and3A_383 : i32 to vector<16xi32>
      %iota3A_385 = tpu.iota {dimensions = array<i32: 0>} : vector<16xi32>
      %add3A_386 = arith.constant 0 : i32
      %add3A_387 = vector.broadcast %add3A_386 : i32 to vector<16xi32>
      %add3A_388 = arith.addi %iota3A_385, %add3A_387 : vector<16xi32>
      %gather3A_389 = tpu.vector_load_idx %arg19[%add3A_388, %broadcast_in_dim3A_384] : memref<64x128xf32, #tpu.memory_space<vmem>>[vector<16xi32>, vector<16xi32>], vector<16xf32>,
      %add3A_390 = arith.constant 4 : i32
      %add3A_391 = arith.addi %mul3A_21, %add3A_390 : i32
      %swap3A_392 = arith.index_cast %add3A_391 : i32 to index
      %swap3A_393 = arith.constant 0 : index
      %swap3A_394 = tpu.vector_load %arg13[%swap3A_392, %swap3A_393] {strides = array<i32>} : memref<128x64xf32, #tpu.memory_space<vmem>>, vector<16xf32>,
      tpu.vector_store %arg13[%swap3A_392, %swap3A_393], %gather3A_389 {strides = array<i32>} : memref<128x64xf32, #tpu.memory_space<vmem>>, vector<16xf32>,
      %iota3A_395 = tpu.iota {dimensions = array<i32: 0>} : vector<16xi32>
      %add3A_396 = arith.constant 16 : i32
      %add3A_397 = vector.broadcast %add3A_396 : i32 to vector<16xi32>
      %add3A_398 = arith.addi %iota3A_395, %add3A_397 : vector<16xi32>
      %gather3A_399 = tpu.vector_load_idx %arg19[%add3A_398, %broadcast_in_dim3A_384] : memref<64x128xf32, #tpu.memory_space<vmem>>[vector<16xi32>, vector<16xi32>], vector<16xf32>,
      %add3A_400 = arith.constant 4 : i32
      %add3A_401 = arith.addi %mul3A_21, %add3A_400 : i32
      %swap3A_402 = arith.index_cast %add3A_401 : i32 to index
      %swap3A_403 = arith.constant 16 : index
      %swap3A_404 = tpu.vector_load %arg13[%swap3A_402, %swap3A_403] {strides = array<i32>} : memref<128x64xf32, #tpu.memory_space<vmem>>, vector<16xf32>,
      tpu.vector_store %arg13[%swap3A_402, %swap3A_403], %gather3A_399 {strides = array<i32>} : memref<128x64xf32, #tpu.memory_space<vmem>>, vector<16xf32>,
      %iota3A_405 = tpu.iota {dimensions = array<i32: 0>} : vector<16xi32>
      %add3A_406 = arith.constant 32 : i32
      %add3A_407 = vector.broadcast %add3A_406 : i32 to vector<16xi32>
      %add3A_408 = arith.addi %iota3A_405, %add3A_407 : vector<16xi32>
      %gather3A_409 = tpu.vector_load_idx %arg19[%add3A_408, %broadcast_in_dim3A_384] : memref<64x128xf32, #tpu.memory_space<vmem>>[vector<16xi32>, vector<16xi32>], vector<16xf32>,
      %add3A_410 = arith.constant 4 : i32
      %add3A_411 = arith.addi %mul3A_21, %add3A_410 : i32
      %swap3A_412 = arith.index_cast %add3A_411 : i32 to index
      %swap3A_413 = arith.constant 32 : index
      %swap3A_414 = tpu.vector_load %arg13[%swap3A_412, %swap3A_413] {strides = array<i32>} : memref<128x64xf32, #tpu.memory_space<vmem>>, vector<16xf32>,
      tpu.vector_store %arg13[%swap3A_412, %swap3A_413], %gather3A_409 {strides = array<i32>} : memref<128x64xf32, #tpu.memory_space<vmem>>, vector<16xf32>,
      %iota3A_415 = tpu.iota {dimensions = array<i32: 0>} : vector<16xi32>
      %add3A_416 = arith.constant 48 : i32
      %add3A_417 = vector.broadcast %add3A_416 : i32 to vector<16xi32>
      %add3A_418 = arith.addi %iota3A_415, %add3A_417 : vector<16xi32>
      %gather3A_419 = tpu.vector_load_idx %arg19[%add3A_418, %broadcast_in_dim3A_384] : memref<64x128xf32, #tpu.memory_space<vmem>>[vector<16xi32>, vector<16xi32>], vector<16xf32>,
      %add3A_420 = arith.constant 4 : i32
      %add3A_421 = arith.addi %mul3A_21, %add3A_420 : i32
      %swap3A_422 = arith.index_cast %add3A_421 : i32 to index
      %swap3A_423 = arith.constant 48 : index
      %swap3A_424 = tpu.vector_load %arg13[%swap3A_422, %swap3A_423] {strides = array<i32>} : memref<128x64xf32, #tpu.memory_space<vmem>>, vector<16xf32>,
      tpu.vector_store %arg13[%swap3A_422, %swap3A_423], %gather3A_419 {strides = array<i32>} : memref<128x64xf32, #tpu.memory_space<vmem>>, vector<16xf32>,
      %dma_wait3A_425 = arith.constant 0 : i32
      %dma_wait3A_426 = tpu.memref_slice %arg4[%dma_wait3A_425, %multiple_of3A_84] : memref<1x1000001xf32, #tpu.memory_space<hbm>> -> memref<1x128xf32, #tpu.memory_space<hbm>>
      %dma_wait3A_427 = arith.constant 0 : i32
      %dma_wait3A_428 = tpu.memref_slice %arg4[%dma_wait3A_427, %multiple_of3A_84] : memref<1x1000001xf32, #tpu.memory_space<hbm>> -> memref<1x128xf32, #tpu.memory_space<hbm>>
      tpu.wait_dma2 semaphore(%arg32 : memref<!tpu.dma_semaphore, #tpu.memory_space<semaphore_mem>>) src(%dma_wait3A_428 : memref<1x128xf32, #tpu.memory_space<hbm>>) dst(%arg27 : memref<1x128xf32, #tpu.memory_space<vmem>>)
      %broadcast_in_dim3A_429 = arith.constant 0 : i32
      %broadcast_in_dim3A_430 = vector.broadcast %broadcast_in_dim3A_429 : i32 to vector<16xi32>
      %gather3A_431 = tpu.vector_load_idx %arg27[%broadcast_in_dim3A_430, %broadcast_in_dim3A_384] : memref<1x128xf32, #tpu.memory_space<vmem>>[vector<16xi32>, vector<16xi32>], vector<16xf32>,
      %add3A_432 = arith.constant 4 : i32
      %add3A_433 = arith.addi %mul3A_21, %add3A_432 : i32
      %swap3A_434 = arith.index_cast %add3A_433 : i32 to index
      %swap3A_435 = arith.constant 0 : index
      %swap3A_436 = tpu.vector_load %arg14[%swap3A_434, %swap3A_435] {strides = array<i32>} : memref<128x16xf32, #tpu.memory_space<vmem>>, vector<16xf32>,
      tpu.vector_store %arg14[%swap3A_434, %swap3A_435], %gather3A_431 {strides = array<i32>} : memref<128x16xf32, #tpu.memory_space<vmem>>, vector<16xf32>,
      %dma_wait3A_437 = arith.constant 0 : i32
      %dma_wait3A_438 = tpu.memref_slice %arg3[%dma_wait3A_437, %multiple_of3A_99] : memref<64x1000001xf32, #tpu.memory_space<hbm>> -> memref<64x128xf32, #tpu.memory_space<hbm>>
      %dma_wait3A_439 = arith.constant 0 : i32
      %dma_wait3A_440 = tpu.memref_slice %arg3[%dma_wait3A_439, %multiple_of3A_99] : memref<64x1000001xf32, #tpu.memory_space<hbm>> -> memref<64x128xf32, #tpu.memory_space<hbm>>
      tpu.wait_dma2 semaphore(%arg31 : memref<!tpu.dma_semaphore, #tpu.memory_space<semaphore_mem>>) src(%dma_wait3A_440 : memref<64x128xf32, #tpu.memory_space<hbm>>) dst(%arg20 : memref<64x128xf32, #tpu.memory_space<vmem>>)
      %slice3A_441 = vector.extract_strided_slice %get3A_22 {offsets = [5], sizes = [1], strides = [1]} : vector<16xi32> to vector<1xi32>
      %squeeze3A_442 = vector.extract %slice3A_441[0] : i32 from vector<1xi32>
      %and3A_443 = arith.constant 127 : i32
      %and3A_444 = arith.andi %squeeze3A_442, %and3A_443 : i32
      %broadcast_in_dim3A_445 = vector.broadcast %and3A_444 : i32 to vector<16xi32>
      %iota3A_446 = tpu.iota {dimensions = array<i32: 0>} : vector<16xi32>
      %add3A_447 = arith.constant 0 : i32
      %add3A_448 = vector.broadcast %add3A_447 : i32 to vector<16xi32>
      %add3A_449 = arith.addi %iota3A_446, %add3A_448 : vector<16xi32>
      %gather3A_450 = tpu.vector_load_idx %arg20[%add3A_449, %broadcast_in_dim3A_445] : memref<64x128xf32, #tpu.memory_space<vmem>>[vector<16xi32>, vector<16xi32>], vector<16xf32>,
      %add3A_451 = arith.constant 5 : i32
      %add3A_452 = arith.addi %mul3A_21, %add3A_451 : i32
      %swap3A_453 = arith.index_cast %add3A_452 : i32 to index
      %swap3A_454 = arith.constant 0 : index
      %swap3A_455 = tpu.vector_load %arg13[%swap3A_453, %swap3A_454] {strides = array<i32>} : memref<128x64xf32, #tpu.memory_space<vmem>>, vector<16xf32>,
      tpu.vector_store %arg13[%swap3A_453, %swap3A_454], %gather3A_450 {strides = array<i32>} : memref<128x64xf32, #tpu.memory_space<vmem>>, vector<16xf32>,
      %iota3A_456 = tpu.iota {dimensions = array<i32: 0>} : vector<16xi32>
      %add3A_457 = arith.constant 16 : i32
      %add3A_458 = vector.broadcast %add3A_457 : i32 to vector<16xi32>
      %add3A_459 = arith.addi %iota3A_456, %add3A_458 : vector<16xi32>
      %gather3A_460 = tpu.vector_load_idx %arg20[%add3A_459, %broadcast_in_dim3A_445] : memref<64x128xf32, #tpu.memory_space<vmem>>[vector<16xi32>, vector<16xi32>], vector<16xf32>,
      %add3A_461 = arith.constant 5 : i32
      %add3A_462 = arith.addi %mul3A_21, %add3A_461 : i32
      %swap3A_463 = arith.index_cast %add3A_462 : i32 to index
      %swap3A_464 = arith.constant 16 : index
      %swap3A_465 = tpu.vector_load %arg13[%swap3A_463, %swap3A_464] {strides = array<i32>} : memref<128x64xf32, #tpu.memory_space<vmem>>, vector<16xf32>,
      tpu.vector_store %arg13[%swap3A_463, %swap3A_464], %gather3A_460 {strides = array<i32>} : memref<128x64xf32, #tpu.memory_space<vmem>>, vector<16xf32>,
      %iota3A_466 = tpu.iota {dimensions = array<i32: 0>} : vector<16xi32>
      %add3A_467 = arith.constant 32 : i32
      %add3A_468 = vector.broadcast %add3A_467 : i32 to vector<16xi32>
      %add3A_469 = arith.addi %iota3A_466, %add3A_468 : vector<16xi32>
      %gather3A_470 = tpu.vector_load_idx %arg20[%add3A_469, %broadcast_in_dim3A_445] : memref<64x128xf32, #tpu.memory_space<vmem>>[vector<16xi32>, vector<16xi32>], vector<16xf32>,
      %add3A_471 = arith.constant 5 : i32
      %add3A_472 = arith.addi %mul3A_21, %add3A_471 : i32
      %swap3A_473 = arith.index_cast %add3A_472 : i32 to index
      %swap3A_474 = arith.constant 32 : index
      %swap3A_475 = tpu.vector_load %arg13[%swap3A_473, %swap3A_474] {strides = array<i32>} : memref<128x64xf32, #tpu.memory_space<vmem>>, vector<16xf32>,
      tpu.vector_store %arg13[%swap3A_473, %swap3A_474], %gather3A_470 {strides = array<i32>} : memref<128x64xf32, #tpu.memory_space<vmem>>, vector<16xf32>,
      %iota3A_476 = tpu.iota {dimensions = array<i32: 0>} : vector<16xi32>
      %add3A_477 = arith.constant 48 : i32
      %add3A_478 = vector.broadcast %add3A_477 : i32 to vector<16xi32>
      %add3A_479 = arith.addi %iota3A_476, %add3A_478 : vector<16xi32>
      %gather3A_480 = tpu.vector_load_idx %arg20[%add3A_479, %broadcast_in_dim3A_445] : memref<64x128xf32, #tpu.memory_space<vmem>>[vector<16xi32>, vector<16xi32>], vector<16xf32>,
      %add3A_481 = arith.constant 5 : i32
      %add3A_482 = arith.addi %mul3A_21, %add3A_481 : i32
      %swap3A_483 = arith.index_cast %add3A_482 : i32 to index
      %swap3A_484 = arith.constant 48 : index
      %swap3A_485 = tpu.vector_load %arg13[%swap3A_483, %swap3A_484] {strides = array<i32>} : memref<128x64xf32, #tpu.memory_space<vmem>>, vector<16xf32>,
      tpu.vector_store %arg13[%swap3A_483, %swap3A_484], %gather3A_480 {strides = array<i32>} : memref<128x64xf32, #tpu.memory_space<vmem>>, vector<16xf32>,
      %dma_wait3A_486 = arith.constant 0 : i32
      %dma_wait3A_487 = tpu.memref_slice %arg4[%dma_wait3A_486, %multiple_of3A_99] : memref<1x1000001xf32, #tpu.memory_space<hbm>> -> memref<1x128xf32, #tpu.memory_space<hbm>>
      %dma_wait3A_488 = arith.constant 0 : i32
      %dma_wait3A_489 = tpu.memref_slice %arg4[%dma_wait3A_488, %multiple_of3A_99] : memref<1x1000001xf32, #tpu.memory_space<hbm>> -> memref<1x128xf32, #tpu.memory_space<hbm>>
      tpu.wait_dma2 semaphore(%arg32 : memref<!tpu.dma_semaphore, #tpu.memory_space<semaphore_mem>>) src(%dma_wait3A_489 : memref<1x128xf32, #tpu.memory_space<hbm>>) dst(%arg28 : memref<1x128xf32, #tpu.memory_space<vmem>>)
      %broadcast_in_dim3A_490 = arith.constant 0 : i32
      %broadcast_in_dim3A_491 = vector.broadcast %broadcast_in_dim3A_490 : i32 to vector<16xi32>
      %gather3A_492 = tpu.vector_load_idx %arg28[%broadcast_in_dim3A_491, %broadcast_in_dim3A_445] : memref<1x128xf32, #tpu.memory_space<vmem>>[vector<16xi32>, vector<16xi32>], vector<16xf32>,
      %add3A_493 = arith.constant 5 : i32
      %add3A_494 = arith.addi %mul3A_21, %add3A_493 : i32
      %swap3A_495 = arith.index_cast %add3A_494 : i32 to index
      %swap3A_496 = arith.constant 0 : index
      %swap3A_497 = tpu.vector_load %arg14[%swap3A_495, %swap3A_496] {strides = array<i32>} : memref<128x16xf32, #tpu.memory_space<vmem>>, vector<16xf32>,
      tpu.vector_store %arg14[%swap3A_495, %swap3A_496], %gather3A_492 {strides = array<i32>} : memref<128x16xf32, #tpu.memory_space<vmem>>, vector<16xf32>,
      %dma_wait3A_498 = arith.constant 0 : i32
      %dma_wait3A_499 = tpu.memref_slice %arg3[%dma_wait3A_498, %multiple_of3A_114] : memref<64x1000001xf32, #tpu.memory_space<hbm>> -> memref<64x128xf32, #tpu.memory_space<hbm>>
      %dma_wait3A_500 = arith.constant 0 : i32
      %dma_wait3A_501 = tpu.memref_slice %arg3[%dma_wait3A_500, %multiple_of3A_114] : memref<64x1000001xf32, #tpu.memory_space<hbm>> -> memref<64x128xf32, #tpu.memory_space<hbm>>
      tpu.wait_dma2 semaphore(%arg31 : memref<!tpu.dma_semaphore, #tpu.memory_space<semaphore_mem>>) src(%dma_wait3A_501 : memref<64x128xf32, #tpu.memory_space<hbm>>) dst(%arg21 : memref<64x128xf32, #tpu.memory_space<vmem>>)
      %slice3A_502 = vector.extract_strided_slice %get3A_22 {offsets = [6], sizes = [1], strides = [1]} : vector<16xi32> to vector<1xi32>
      %squeeze3A_503 = vector.extract %slice3A_502[0] : i32 from vector<1xi32>
      %and3A_504 = arith.constant 127 : i32
      %and3A_505 = arith.andi %squeeze3A_503, %and3A_504 : i32
      %broadcast_in_dim3A_506 = vector.broadcast %and3A_505 : i32 to vector<16xi32>
      %iota3A_507 = tpu.iota {dimensions = array<i32: 0>} : vector<16xi32>
      %add3A_508 = arith.constant 0 : i32
      %add3A_509 = vector.broadcast %add3A_508 : i32 to vector<16xi32>
      %add3A_510 = arith.addi %iota3A_507, %add3A_509 : vector<16xi32>
      %gather3A_511 = tpu.vector_load_idx %arg21[%add3A_510, %broadcast_in_dim3A_506] : memref<64x128xf32, #tpu.memory_space<vmem>>[vector<16xi32>, vector<16xi32>], vector<16xf32>,
      %add3A_512 = arith.constant 6 : i32
      %add3A_513 = arith.addi %mul3A_21, %add3A_512 : i32
      %swap3A_514 = arith.index_cast %add3A_513 : i32 to index
      %swap3A_515 = arith.constant 0 : index
      %swap3A_516 = tpu.vector_load %arg13[%swap3A_514, %swap3A_515] {strides = array<i32>} : memref<128x64xf32, #tpu.memory_space<vmem>>, vector<16xf32>,
      tpu.vector_store %arg13[%swap3A_514, %swap3A_515], %gather3A_511 {strides = array<i32>} : memref<128x64xf32, #tpu.memory_space<vmem>>, vector<16xf32>,
      %iota3A_517 = tpu.iota {dimensions = array<i32: 0>} : vector<16xi32>
      %add3A_518 = arith.constant 16 : i32
      %add3A_519 = vector.broadcast %add3A_518 : i32 to vector<16xi32>
      %add3A_520 = arith.addi %iota3A_517, %add3A_519 : vector<16xi32>
      %gather3A_521 = tpu.vector_load_idx %arg21[%add3A_520, %broadcast_in_dim3A_506] : memref<64x128xf32, #tpu.memory_space<vmem>>[vector<16xi32>, vector<16xi32>], vector<16xf32>,
      %add3A_522 = arith.constant 6 : i32
      %add3A_523 = arith.addi %mul3A_21, %add3A_522 : i32
      %swap3A_524 = arith.index_cast %add3A_523 : i32 to index
      %swap3A_525 = arith.constant 16 : index
      %swap3A_526 = tpu.vector_load %arg13[%swap3A_524, %swap3A_525] {strides = array<i32>} : memref<128x64xf32, #tpu.memory_space<vmem>>, vector<16xf32>,
      tpu.vector_store %arg13[%swap3A_524, %swap3A_525], %gather3A_521 {strides = array<i32>} : memref<128x64xf32, #tpu.memory_space<vmem>>, vector<16xf32>,
      %iota3A_527 = tpu.iota {dimensions = array<i32: 0>} : vector<16xi32>
      %add3A_528 = arith.constant 32 : i32
      %add3A_529 = vector.broadcast %add3A_528 : i32 to vector<16xi32>
      %add3A_530 = arith.addi %iota3A_527, %add3A_529 : vector<16xi32>
      %gather3A_531 = tpu.vector_load_idx %arg21[%add3A_530, %broadcast_in_dim3A_506] : memref<64x128xf32, #tpu.memory_space<vmem>>[vector<16xi32>, vector<16xi32>], vector<16xf32>,
      %add3A_532 = arith.constant 6 : i32
      %add3A_533 = arith.addi %mul3A_21, %add3A_532 : i32
      %swap3A_534 = arith.index_cast %add3A_533 : i32 to index
      %swap3A_535 = arith.constant 32 : index
      %swap3A_536 = tpu.vector_load %arg13[%swap3A_534, %swap3A_535] {strides = array<i32>} : memref<128x64xf32, #tpu.memory_space<vmem>>, vector<16xf32>,
      tpu.vector_store %arg13[%swap3A_534, %swap3A_535], %gather3A_531 {strides = array<i32>} : memref<128x64xf32, #tpu.memory_space<vmem>>, vector<16xf32>,
      %iota3A_537 = tpu.iota {dimensions = array<i32: 0>} : vector<16xi32>
      %add3A_538 = arith.constant 48 : i32
      %add3A_539 = vector.broadcast %add3A_538 : i32 to vector<16xi32>
      %add3A_540 = arith.addi %iota3A_537, %add3A_539 : vector<16xi32>
      %gather3A_541 = tpu.vector_load_idx %arg21[%add3A_540, %broadcast_in_dim3A_506] : memref<64x128xf32, #tpu.memory_space<vmem>>[vector<16xi32>, vector<16xi32>], vector<16xf32>,
      %add3A_542 = arith.constant 6 : i32
      %add3A_543 = arith.addi %mul3A_21, %add3A_542 : i32
      %swap3A_544 = arith.index_cast %add3A_543 : i32 to index
      %swap3A_545 = arith.constant 48 : index
      %swap3A_546 = tpu.vector_load %arg13[%swap3A_544, %swap3A_545] {strides = array<i32>} : memref<128x64xf32, #tpu.memory_space<vmem>>, vector<16xf32>,
      tpu.vector_store %arg13[%swap3A_544, %swap3A_545], %gather3A_541 {strides = array<i32>} : memref<128x64xf32, #tpu.memory_space<vmem>>, vector<16xf32>,
      %dma_wait3A_547 = arith.constant 0 : i32
      %dma_wait3A_548 = tpu.memref_slice %arg4[%dma_wait3A_547, %multiple_of3A_114] : memref<1x1000001xf32, #tpu.memory_space<hbm>> -> memref<1x128xf32, #tpu.memory_space<hbm>>
      %dma_wait3A_549 = arith.constant 0 : i32
      %dma_wait3A_550 = tpu.memref_slice %arg4[%dma_wait3A_549, %multiple_of3A_114] : memref<1x1000001xf32, #tpu.memory_space<hbm>> -> memref<1x128xf32, #tpu.memory_space<hbm>>
      tpu.wait_dma2 semaphore(%arg32 : memref<!tpu.dma_semaphore, #tpu.memory_space<semaphore_mem>>) src(%dma_wait3A_550 : memref<1x128xf32, #tpu.memory_space<hbm>>) dst(%arg29 : memref<1x128xf32, #tpu.memory_space<vmem>>)
      %broadcast_in_dim3A_551 = arith.constant 0 : i32
      %broadcast_in_dim3A_552 = vector.broadcast %broadcast_in_dim3A_551 : i32 to vector<16xi32>
      %gather3A_553 = tpu.vector_load_idx %arg29[%broadcast_in_dim3A_552, %broadcast_in_dim3A_506] : memref<1x128xf32, #tpu.memory_space<vmem>>[vector<16xi32>, vector<16xi32>], vector<16xf32>,
      %add3A_554 = arith.constant 6 : i32
      %add3A_555 = arith.addi %mul3A_21, %add3A_554 : i32
      %swap3A_556 = arith.index_cast %add3A_555 : i32 to index
      %swap3A_557 = arith.constant 0 : index
      %swap3A_558 = tpu.vector_load %arg14[%swap3A_556, %swap3A_557] {strides = array<i32>} : memref<128x16xf32, #tpu.memory_space<vmem>>, vector<16xf32>,
      tpu.vector_store %arg14[%swap3A_556, %swap3A_557], %gather3A_553 {strides = array<i32>} : memref<128x16xf32, #tpu.memory_space<vmem>>, vector<16xf32>,
      %dma_wait3A_559 = arith.constant 0 : i32
      %dma_wait3A_560 = tpu.memref_slice %arg3[%dma_wait3A_559, %multiple_of3A_129] : memref<64x1000001xf32, #tpu.memory_space<hbm>> -> memref<64x128xf32, #tpu.memory_space<hbm>>
      %dma_wait3A_561 = arith.constant 0 : i32
      %dma_wait3A_562 = tpu.memref_slice %arg3[%dma_wait3A_561, %multiple_of3A_129] : memref<64x1000001xf32, #tpu.memory_space<hbm>> -> memref<64x128xf32, #tpu.memory_space<hbm>>
      tpu.wait_dma2 semaphore(%arg31 : memref<!tpu.dma_semaphore, #tpu.memory_space<semaphore_mem>>) src(%dma_wait3A_562 : memref<64x128xf32, #tpu.memory_space<hbm>>) dst(%arg22 : memref<64x128xf32, #tpu.memory_space<vmem>>)
      %slice3A_563 = vector.extract_strided_slice %get3A_22 {offsets = [7], sizes = [1], strides = [1]} : vector<16xi32> to vector<1xi32>
      %squeeze3A_564 = vector.extract %slice3A_563[0] : i32 from vector<1xi32>
      %and3A_565 = arith.constant 127 : i32
      %and3A_566 = arith.andi %squeeze3A_564, %and3A_565 : i32
      %broadcast_in_dim3A_567 = vector.broadcast %and3A_566 : i32 to vector<16xi32>
      %iota3A_568 = tpu.iota {dimensions = array<i32: 0>} : vector<16xi32>
      %add3A_569 = arith.constant 0 : i32
      %add3A_570 = vector.broadcast %add3A_569 : i32 to vector<16xi32>
      %add3A_571 = arith.addi %iota3A_568, %add3A_570 : vector<16xi32>
      %gather3A_572 = tpu.vector_load_idx %arg22[%add3A_571, %broadcast_in_dim3A_567] : memref<64x128xf32, #tpu.memory_space<vmem>>[vector<16xi32>, vector<16xi32>], vector<16xf32>,
      %add3A_573 = arith.constant 7 : i32
      %add3A_574 = arith.addi %mul3A_21, %add3A_573 : i32
      %swap3A_575 = arith.index_cast %add3A_574 : i32 to index
      %swap3A_576 = arith.constant 0 : index
      %swap3A_577 = tpu.vector_load %arg13[%swap3A_575, %swap3A_576] {strides = array<i32>} : memref<128x64xf32, #tpu.memory_space<vmem>>, vector<16xf32>,
      tpu.vector_store %arg13[%swap3A_575, %swap3A_576], %gather3A_572 {strides = array<i32>} : memref<128x64xf32, #tpu.memory_space<vmem>>, vector<16xf32>,
      %iota3A_578 = tpu.iota {dimensions = array<i32: 0>} : vector<16xi32>
      %add3A_579 = arith.constant 16 : i32
      %add3A_580 = vector.broadcast %add3A_579 : i32 to vector<16xi32>
      %add3A_581 = arith.addi %iota3A_578, %add3A_580 : vector<16xi32>
      %gather3A_582 = tpu.vector_load_idx %arg22[%add3A_581, %broadcast_in_dim3A_567] : memref<64x128xf32, #tpu.memory_space<vmem>>[vector<16xi32>, vector<16xi32>], vector<16xf32>,
      %add3A_583 = arith.constant 7 : i32
      %add3A_584 = arith.addi %mul3A_21, %add3A_583 : i32
      %swap3A_585 = arith.index_cast %add3A_584 : i32 to index
      %swap3A_586 = arith.constant 16 : index
      %swap3A_587 = tpu.vector_load %arg13[%swap3A_585, %swap3A_586] {strides = array<i32>} : memref<128x64xf32, #tpu.memory_space<vmem>>, vector<16xf32>,
      tpu.vector_store %arg13[%swap3A_585, %swap3A_586], %gather3A_582 {strides = array<i32>} : memref<128x64xf32, #tpu.memory_space<vmem>>, vector<16xf32>,
      %iota3A_588 = tpu.iota {dimensions = array<i32: 0>} : vector<16xi32>
      %add3A_589 = arith.constant 32 : i32
      %add3A_590 = vector.broadcast %add3A_589 : i32 to vector<16xi32>
      %add3A_591 = arith.addi %iota3A_588, %add3A_590 : vector<16xi32>
      %gather3A_592 = tpu.vector_load_idx %arg22[%add3A_591, %broadcast_in_dim3A_567] : memref<64x128xf32, #tpu.memory_space<vmem>>[vector<16xi32>, vector<16xi32>], vector<16xf32>,
      %add3A_593 = arith.constant 7 : i32
      %add3A_594 = arith.addi %mul3A_21, %add3A_593 : i32
      %swap3A_595 = arith.index_cast %add3A_594 : i32 to index
      %swap3A_596 = arith.constant 32 : index
      %swap3A_597 = tpu.vector_load %arg13[%swap3A_595, %swap3A_596] {strides = array<i32>} : memref<128x64xf32, #tpu.memory_space<vmem>>, vector<16xf32>,
      tpu.vector_store %arg13[%swap3A_595, %swap3A_596], %gather3A_592 {strides = array<i32>} : memref<128x64xf32, #tpu.memory_space<vmem>>, vector<16xf32>,
      %iota3A_598 = tpu.iota {dimensions = array<i32: 0>} : vector<16xi32>
      %add3A_599 = arith.constant 48 : i32
      %add3A_600 = vector.broadcast %add3A_599 : i32 to vector<16xi32>
      %add3A_601 = arith.addi %iota3A_598, %add3A_600 : vector<16xi32>
      %gather3A_602 = tpu.vector_load_idx %arg22[%add3A_601, %broadcast_in_dim3A_567] : memref<64x128xf32, #tpu.memory_space<vmem>>[vector<16xi32>, vector<16xi32>], vector<16xf32>,
      %add3A_603 = arith.constant 7 : i32
      %add3A_604 = arith.addi %mul3A_21, %add3A_603 : i32
      %swap3A_605 = arith.index_cast %add3A_604 : i32 to index
      %swap3A_606 = arith.constant 48 : index
      %swap3A_607 = tpu.vector_load %arg13[%swap3A_605, %swap3A_606] {strides = array<i32>} : memref<128x64xf32, #tpu.memory_space<vmem>>, vector<16xf32>,
      tpu.vector_store %arg13[%swap3A_605, %swap3A_606], %gather3A_602 {strides = array<i32>} : memref<128x64xf32, #tpu.memory_space<vmem>>, vector<16xf32>,
      %dma_wait3A_608 = arith.constant 0 : i32
      %dma_wait3A_609 = tpu.memref_slice %arg4[%dma_wait3A_608, %multiple_of3A_129] : memref<1x1000001xf32, #tpu.memory_space<hbm>> -> memref<1x128xf32, #tpu.memory_space<hbm>>
      %dma_wait3A_610 = arith.constant 0 : i32
      %dma_wait3A_611 = tpu.memref_slice %arg4[%dma_wait3A_610, %multiple_of3A_129] : memref<1x1000001xf32, #tpu.memory_space<hbm>> -> memref<1x128xf32, #tpu.memory_space<hbm>>
      tpu.wait_dma2 semaphore(%arg32 : memref<!tpu.dma_semaphore, #tpu.memory_space<semaphore_mem>>) src(%dma_wait3A_611 : memref<1x128xf32, #tpu.memory_space<hbm>>) dst(%arg30 : memref<1x128xf32, #tpu.memory_space<vmem>>)
      %broadcast_in_dim3A_612 = arith.constant 0 : i32
      %broadcast_in_dim3A_613 = vector.broadcast %broadcast_in_dim3A_612 : i32 to vector<16xi32>
      %gather3A_614 = tpu.vector_load_idx %arg30[%broadcast_in_dim3A_613, %broadcast_in_dim3A_567] : memref<1x128xf32, #tpu.memory_space<vmem>>[vector<16xi32>, vector<16xi32>], vector<16xf32>,
      %add3A_615 = arith.constant 7 : i32
      %add3A_616 = arith.addi %mul3A_21, %add3A_615 : i32
      %swap3A_617 = arith.index_cast %add3A_616 : i32 to index
      %swap3A_618 = arith.constant 0 : index
      %swap3A_619 = tpu.vector_load %arg14[%swap3A_617, %swap3A_618] {strides = array<i32>} : memref<128x16xf32, #tpu.memory_space<vmem>>, vector<16xf32>,
      tpu.vector_store %arg14[%swap3A_617, %swap3A_618], %gather3A_614 {strides = array<i32>} : memref<128x16xf32, #tpu.memory_space<vmem>>, vector<16xf32>,
      %scan3A_620 = arith.constant 0 : i32
      scf.yield %scan3A_620 : i32
    }
    %scan3A_15 = arith.constant 16 : i32
    "tpu.region"() ({
      %run_scoped3A = tpu.sem_alloc : memref<!tpu.dma_semaphore, #tpu.memory_space<semaphore_mem>>
      %dma_start3A = arith.constant 0 : i32
      %dma_start3A_18 = arith.constant 0 : i32
      %dma_start3A_19 = tpu.memref_slice %arg13[%dma_start3A, %dma_start3A_18] : memref<128x64xf32, #tpu.memory_space<vmem>> -> memref<128x64xf32, #tpu.memory_space<vmem>>
      %dma_start3A_20 = arith.constant 0 : i32
      %dma_start3A_21 = tpu.memref_slice %arg9[%mul3A_2, %dma_start3A_20] : memref<4096x64xf32, #tpu.memory_space<hbm>> -> memref<128x64xf32, #tpu.memory_space<hbm>>
      %dma_start3A_22 = arith.constant 0 : i32
      %dma_start3A_23 = tpu.memref_slice %arg9[%mul3A_2, %dma_start3A_22] : memref<4096x64xf32, #tpu.memory_space<hbm>> -> memref<128x64xf32, #tpu.memory_space<hbm>>
      %dma_start3A_24 = arith.constant 0 : i32
      %dma_start3A_25 = arith.constant 0 : i32
      %dma_start3A_26 = tpu.memref_slice %arg13[%dma_start3A_24, %dma_start3A_25] : memref<128x64xf32, #tpu.memory_space<vmem>> -> memref<128x64xf32, #tpu.memory_space<vmem>>
      tpu.enqueue_dma source(%dma_start3A_26 : memref<128x64xf32, #tpu.memory_space<vmem>>) target(%dma_start3A_23 : memref<128x64xf32, #tpu.memory_space<hbm>>) target_semaphore(%run_scoped3A : memref<!tpu.dma_semaphore, #tpu.memory_space<semaphore_mem>>)
      %dma_wait3A = arith.constant 0 : i32
      %dma_wait3A_27 = arith.constant 0 : i32
      %dma_wait3A_28 = tpu.memref_slice %arg13[%dma_wait3A, %dma_wait3A_27] : memref<128x64xf32, #tpu.memory_space<vmem>> -> memref<128x64xf32, #tpu.memory_space<vmem>>
      %dma_wait3A_29 = arith.constant 0 : i32
      %dma_wait3A_30 = tpu.memref_slice %arg9[%mul3A_2, %dma_wait3A_29] : memref<4096x64xf32, #tpu.memory_space<hbm>> -> memref<128x64xf32, #tpu.memory_space<hbm>>
      %dma_wait3A_31 = arith.constant 0 : i32
      %dma_wait3A_32 = tpu.memref_slice %arg9[%mul3A_2, %dma_wait3A_31] : memref<4096x64xf32, #tpu.memory_space<hbm>> -> memref<128x64xf32, #tpu.memory_space<hbm>>
      %dma_wait3A_33 = arith.constant 0 : i32
      %dma_wait3A_34 = arith.constant 0 : i32
      %dma_wait3A_35 = tpu.memref_slice %arg13[%dma_wait3A_33, %dma_wait3A_34] : memref<128x64xf32, #tpu.memory_space<vmem>> -> memref<128x64xf32, #tpu.memory_space<vmem>>
      tpu.wait_dma2 semaphore(%run_scoped3A : memref<!tpu.dma_semaphore, #tpu.memory_space<semaphore_mem>>) src(%dma_wait3A_35 : memref<128x64xf32, #tpu.memory_space<vmem>>) dst(%dma_wait3A_32 : memref<128x64xf32, #tpu.memory_space<hbm>>)
      tpu.yield
    }) : () -> ()
    "tpu.region"() ({
      %run_scoped3A = tpu.sem_alloc : memref<!tpu.dma_semaphore, #tpu.memory_space<semaphore_mem>>
      %dma_start3A = arith.constant 0 : i32
      %dma_start3A_18 = arith.constant 0 : i32
      %dma_start3A_19 = tpu.memref_slice %arg14[%dma_start3A, %dma_start3A_18] : memref<128x16xf32, #tpu.memory_space<vmem>> -> memref<128x16xf32, #tpu.memory_space<vmem>>
      %dma_start3A_20 = arith.constant 0 : i32
      %dma_start3A_21 = tpu.memref_slice %arg10[%mul3A_2, %dma_start3A_20] : memref<4096x16xf32, #tpu.memory_space<hbm>> -> memref<128x16xf32, #tpu.memory_space<hbm>>
      %dma_start3A_22 = arith.constant 0 : i32
      %dma_start3A_23 = tpu.memref_slice %arg10[%mul3A_2, %dma_start3A_22] : memref<4096x16xf32, #tpu.memory_space<hbm>> -> memref<128x16xf32, #tpu.memory_space<hbm>>
      %dma_start3A_24 = arith.constant 0 : i32
      %dma_start3A_25 = arith.constant 0 : i32
      %dma_start3A_26 = tpu.memref_slice %arg14[%dma_start3A_24, %dma_start3A_25] : memref<128x16xf32, #tpu.memory_space<vmem>> -> memref<128x16xf32, #tpu.memory_space<vmem>>
      tpu.enqueue_dma source(%dma_start3A_26 : memref<128x16xf32, #tpu.memory_space<vmem>>) target(%dma_start3A_23 : memref<128x16xf32, #tpu.memory_space<hbm>>) target_semaphore(%run_scoped3A : memref<!tpu.dma_semaphore, #tpu.memory_space<semaphore_mem>>)
      %dma_wait3A = arith.constant 0 : i32
      %dma_wait3A_27 = arith.constant 0 : i32
      %dma_wait3A_28 = tpu.memref_slice %arg14[%dma_wait3A, %dma_wait3A_27] : memref<128x16xf32, #tpu.memory_space<vmem>> -> memref<128x16xf32, #tpu.memory_space<vmem>>
      %dma_wait3A_29 = arith.constant 0 : i32
      %dma_wait3A_30 = tpu.memref_slice %arg10[%mul3A_2, %dma_wait3A_29] : memref<4096x16xf32, #tpu.memory_space<hbm>> -> memref<128x16xf32, #tpu.memory_space<hbm>>
      %dma_wait3A_31 = arith.constant 0 : i32
      %dma_wait3A_32 = tpu.memref_slice %arg10[%mul3A_2, %dma_wait3A_31] : memref<4096x16xf32, #tpu.memory_space<hbm>> -> memref<128x16xf32, #tpu.memory_space<hbm>>
      %dma_wait3A_33 = arith.constant 0 : i32
      %dma_wait3A_34 = arith.constant 0 : i32
      %dma_wait3A_35 = tpu.memref_slice %arg14[%dma_wait3A_33, %dma_wait3A_34] : memref<128x16xf32, #tpu.memory_space<vmem>> -> memref<128x16xf32, #tpu.memory_space<vmem>>
      tpu.wait_dma2 semaphore(%run_scoped3A : memref<!tpu.dma_semaphore, #tpu.memory_space<semaphore_mem>>) src(%dma_wait3A_35 : memref<128x16xf32, #tpu.memory_space<vmem>>) dst(%dma_wait3A_32 : memref<128x16xf32, #tpu.memory_space<hbm>>)
      tpu.yield
    }) : () -> ()
    %lt3A = arith.constant 8 : i32
    %lt3A_16 = arith.cmpi slt, %add3A, %lt3A : i32
    %convert_element_type3A = arith.extui %lt3A_16 : i1 to i32
    %cond3A = arith.constant 0 : i32
    %cond3A_17 = arith.cmpi ne, %convert_element_type3A, %cond3A : i32
    scf.if %cond3A_17 {
      %mul3A_18 = arith.constant 8 : i32
      %mul3A_19 = arith.muli %add3A, %mul3A_18 : i32
      %mul3A_20 = arith.constant 8 : i32
      %mul3A_21 = arith.muli %add3A, %mul3A_20 : i32
      "tpu.region"() ({
        %run_scoped3A = tpu.sem_alloc : memref<!tpu.dma_semaphore, #tpu.memory_space<semaphore_mem>>
        %dma_start3A_498 = arith.constant 0 : i32
        %dma_start3A_499 = tpu.memref_slice %arg12[%dma_start3A_498] : memref<144xi32, #tpu.memory_space<vmem>> -> memref<8xi32, #tpu.memory_space<vmem>>
        %dma_start3A_500 = tpu.memref_slice %arg7[%mul3A_19] : memref<64xi32, #tpu.memory_space<hbm>> -> memref<8xi32, #tpu.memory_space<hbm>>
        %dma_start3A_501 = arith.constant 0 : i32
        %dma_start3A_502 = tpu.memref_slice %arg12[%dma_start3A_501] : memref<144xi32, #tpu.memory_space<vmem>> -> memref<8xi32, #tpu.memory_space<vmem>>
        %dma_start3A_503 = tpu.memref_slice %arg7[%mul3A_19] : memref<64xi32, #tpu.memory_space<hbm>> -> memref<8xi32, #tpu.memory_space<hbm>>
        tpu.enqueue_dma source(%dma_start3A_503 : memref<8xi32, #tpu.memory_space<hbm>>) target(%dma_start3A_502 : memref<8xi32, #tpu.memory_space<vmem>>) target_semaphore(%run_scoped3A : memref<!tpu.dma_semaphore, #tpu.memory_space<semaphore_mem>>)
        %dma_wait3A_504 = arith.constant 0 : i32
        %dma_wait3A_505 = tpu.memref_slice %arg12[%dma_wait3A_504] : memref<144xi32, #tpu.memory_space<vmem>> -> memref<8xi32, #tpu.memory_space<vmem>>
        %dma_wait3A_506 = tpu.memref_slice %arg7[%mul3A_19] : memref<64xi32, #tpu.memory_space<hbm>> -> memref<8xi32, #tpu.memory_space<hbm>>
        %dma_wait3A_507 = arith.constant 0 : i32
        %dma_wait3A_508 = tpu.memref_slice %arg12[%dma_wait3A_507] : memref<144xi32, #tpu.memory_space<vmem>> -> memref<8xi32, #tpu.memory_space<vmem>>
        %dma_wait3A_509 = tpu.memref_slice %arg7[%mul3A_19] : memref<64xi32, #tpu.memory_space<hbm>> -> memref<8xi32, #tpu.memory_space<hbm>>
        tpu.wait_dma2 semaphore(%run_scoped3A : memref<!tpu.dma_semaphore, #tpu.memory_space<semaphore_mem>>) src(%dma_wait3A_509 : memref<8xi32, #tpu.memory_space<hbm>>) dst(%dma_wait3A_508 : memref<8xi32, #tpu.memory_space<vmem>>)
        tpu.yield
      }) : () -> ()
      %scan3A_22 = arith.constant 0 : i32
      %scan3A_23 = arith.constant 0 : i32
      %mul3A_24 = arith.constant 8 : i32
      %mul3A_25 = arith.muli %scan3A_23, %mul3A_24 : i32
      %get3A = arith.index_cast %mul3A_25 : i32 to index
      %get3A_26 = tpu.vector_load %arg12[%get3A] {strides = array<i32>} : memref<144xi32, #tpu.memory_space<vmem>>, vector<16xi32>,
      %slice3A = vector.extract_strided_slice %get3A_26 {offsets = [0], sizes = [1], strides = [1]} : vector<16xi32> to vector<1xi32>
      %squeeze3A = vector.extract %slice3A[0] : i32 from vector<1xi32>
      %shift_right_arithmetic3A = arith.constant 7 : i32
      %shift_right_arithmetic3A_27 = arith.shrsi %squeeze3A, %shift_right_arithmetic3A : i32
      %mul3A_28 = arith.constant 128 : i32
      %mul3A_29 = arith.muli %shift_right_arithmetic3A_27, %mul3A_28 : i32
      %multiple_of3A = tpu.assume_multiple %mul3A_29, 128 : i32
      %dma_start3A = arith.constant 0 : i32
      %dma_start3A_30 = tpu.memref_slice %arg3[%dma_start3A, %multiple_of3A] : memref<64x1000001xf32, #tpu.memory_space<hbm>> -> memref<64x128xf32, #tpu.memory_space<hbm>>
      %dma_start3A_31 = arith.constant 0 : i32
      %dma_start3A_32 = tpu.memref_slice %arg3[%dma_start3A_31, %multiple_of3A] : memref<64x1000001xf32, #tpu.memory_space<hbm>> -> memref<64x128xf32, #tpu.memory_space<hbm>>
      tpu.enqueue_dma source(%dma_start3A_32 : memref<64x128xf32, #tpu.memory_space<hbm>>) target(%arg15 : memref<64x128xf32, #tpu.memory_space<vmem>>) target_semaphore(%arg31 : memref<!tpu.dma_semaphore, #tpu.memory_space<semaphore_mem>>)
      %slice3A_33 = vector.extract_strided_slice %get3A_26 {offsets = [1], sizes = [1], strides = [1]} : vector<16xi32> to vector<1xi32>
      %squeeze3A_34 = vector.extract %slice3A_33[0] : i32 from vector<1xi32>
      %shift_right_arithmetic3A_35 = arith.constant 7 : i32
      %shift_right_arithmetic3A_36 = arith.shrsi %squeeze3A_34, %shift_right_arithmetic3A_35 : i32
      %mul3A_37 = arith.constant 128 : i32
      %mul3A_38 = arith.muli %shift_right_arithmetic3A_36, %mul3A_37 : i32
      %multiple_of3A_39 = tpu.assume_multiple %mul3A_38, 128 : i32
      %dma_start3A_40 = arith.constant 0 : i32
      %dma_start3A_41 = tpu.memref_slice %arg3[%dma_start3A_40, %multiple_of3A_39] : memref<64x1000001xf32, #tpu.memory_space<hbm>> -> memref<64x128xf32, #tpu.memory_space<hbm>>
      %dma_start3A_42 = arith.constant 0 : i32
      %dma_start3A_43 = tpu.memref_slice %arg3[%dma_start3A_42, %multiple_of3A_39] : memref<64x1000001xf32, #tpu.memory_space<hbm>> -> memref<64x128xf32, #tpu.memory_space<hbm>>
      tpu.enqueue_dma source(%dma_start3A_43 : memref<64x128xf32, #tpu.memory_space<hbm>>) target(%arg16 : memref<64x128xf32, #tpu.memory_space<vmem>>) target_semaphore(%arg31 : memref<!tpu.dma_semaphore, #tpu.memory_space<semaphore_mem>>)
      %slice3A_44 = vector.extract_strided_slice %get3A_26 {offsets = [2], sizes = [1], strides = [1]} : vector<16xi32> to vector<1xi32>
      %squeeze3A_45 = vector.extract %slice3A_44[0] : i32 from vector<1xi32>
      %shift_right_arithmetic3A_46 = arith.constant 7 : i32
      %shift_right_arithmetic3A_47 = arith.shrsi %squeeze3A_45, %shift_right_arithmetic3A_46 : i32
      %mul3A_48 = arith.constant 128 : i32
      %mul3A_49 = arith.muli %shift_right_arithmetic3A_47, %mul3A_48 : i32
      %multiple_of3A_50 = tpu.assume_multiple %mul3A_49, 128 : i32
      %dma_start3A_51 = arith.constant 0 : i32
      %dma_start3A_52 = tpu.memref_slice %arg3[%dma_start3A_51, %multiple_of3A_50] : memref<64x1000001xf32, #tpu.memory_space<hbm>> -> memref<64x128xf32, #tpu.memory_space<hbm>>
      %dma_start3A_53 = arith.constant 0 : i32
      %dma_start3A_54 = tpu.memref_slice %arg3[%dma_start3A_53, %multiple_of3A_50] : memref<64x1000001xf32, #tpu.memory_space<hbm>> -> memref<64x128xf32, #tpu.memory_space<hbm>>
      tpu.enqueue_dma source(%dma_start3A_54 : memref<64x128xf32, #tpu.memory_space<hbm>>) target(%arg17 : memref<64x128xf32, #tpu.memory_space<vmem>>) target_semaphore(%arg31 : memref<!tpu.dma_semaphore, #tpu.memory_space<semaphore_mem>>)
      %slice3A_55 = vector.extract_strided_slice %get3A_26 {offsets = [3], sizes = [1], strides = [1]} : vector<16xi32> to vector<1xi32>
      %squeeze3A_56 = vector.extract %slice3A_55[0] : i32 from vector<1xi32>
      %shift_right_arithmetic3A_57 = arith.constant 7 : i32
      %shift_right_arithmetic3A_58 = arith.shrsi %squeeze3A_56, %shift_right_arithmetic3A_57 : i32
      %mul3A_59 = arith.constant 128 : i32
      %mul3A_60 = arith.muli %shift_right_arithmetic3A_58, %mul3A_59 : i32
      %multiple_of3A_61 = tpu.assume_multiple %mul3A_60, 128 : i32
      %dma_start3A_62 = arith.constant 0 : i32
      %dma_start3A_63 = tpu.memref_slice %arg3[%dma_start3A_62, %multiple_of3A_61] : memref<64x1000001xf32, #tpu.memory_space<hbm>> -> memref<64x128xf32, #tpu.memory_space<hbm>>
      %dma_start3A_64 = arith.constant 0 : i32
      %dma_start3A_65 = tpu.memref_slice %arg3[%dma_start3A_64, %multiple_of3A_61] : memref<64x1000001xf32, #tpu.memory_space<hbm>> -> memref<64x128xf32, #tpu.memory_space<hbm>>
      tpu.enqueue_dma source(%dma_start3A_65 : memref<64x128xf32, #tpu.memory_space<hbm>>) target(%arg18 : memref<64x128xf32, #tpu.memory_space<vmem>>) target_semaphore(%arg31 : memref<!tpu.dma_semaphore, #tpu.memory_space<semaphore_mem>>)
      %slice3A_66 = vector.extract_strided_slice %get3A_26 {offsets = [4], sizes = [1], strides = [1]} : vector<16xi32> to vector<1xi32>
      %squeeze3A_67 = vector.extract %slice3A_66[0] : i32 from vector<1xi32>
      %shift_right_arithmetic3A_68 = arith.constant 7 : i32
      %shift_right_arithmetic3A_69 = arith.shrsi %squeeze3A_67, %shift_right_arithmetic3A_68 : i32
      %mul3A_70 = arith.constant 128 : i32
      %mul3A_71 = arith.muli %shift_right_arithmetic3A_69, %mul3A_70 : i32
      %multiple_of3A_72 = tpu.assume_multiple %mul3A_71, 128 : i32
      %dma_start3A_73 = arith.constant 0 : i32
      %dma_start3A_74 = tpu.memref_slice %arg3[%dma_start3A_73, %multiple_of3A_72] : memref<64x1000001xf32, #tpu.memory_space<hbm>> -> memref<64x128xf32, #tpu.memory_space<hbm>>
      %dma_start3A_75 = arith.constant 0 : i32
      %dma_start3A_76 = tpu.memref_slice %arg3[%dma_start3A_75, %multiple_of3A_72] : memref<64x1000001xf32, #tpu.memory_space<hbm>> -> memref<64x128xf32, #tpu.memory_space<hbm>>
      tpu.enqueue_dma source(%dma_start3A_76 : memref<64x128xf32, #tpu.memory_space<hbm>>) target(%arg19 : memref<64x128xf32, #tpu.memory_space<vmem>>) target_semaphore(%arg31 : memref<!tpu.dma_semaphore, #tpu.memory_space<semaphore_mem>>)
      %slice3A_77 = vector.extract_strided_slice %get3A_26 {offsets = [5], sizes = [1], strides = [1]} : vector<16xi32> to vector<1xi32>
      %squeeze3A_78 = vector.extract %slice3A_77[0] : i32 from vector<1xi32>
      %shift_right_arithmetic3A_79 = arith.constant 7 : i32
      %shift_right_arithmetic3A_80 = arith.shrsi %squeeze3A_78, %shift_right_arithmetic3A_79 : i32
      %mul3A_81 = arith.constant 128 : i32
      %mul3A_82 = arith.muli %shift_right_arithmetic3A_80, %mul3A_81 : i32
      %multiple_of3A_83 = tpu.assume_multiple %mul3A_82, 128 : i32
      %dma_start3A_84 = arith.constant 0 : i32
      %dma_start3A_85 = tpu.memref_slice %arg3[%dma_start3A_84, %multiple_of3A_83] : memref<64x1000001xf32, #tpu.memory_space<hbm>> -> memref<64x128xf32, #tpu.memory_space<hbm>>
      %dma_start3A_86 = arith.constant 0 : i32
      %dma_start3A_87 = tpu.memref_slice %arg3[%dma_start3A_86, %multiple_of3A_83] : memref<64x1000001xf32, #tpu.memory_space<hbm>> -> memref<64x128xf32, #tpu.memory_space<hbm>>
      tpu.enqueue_dma source(%dma_start3A_87 : memref<64x128xf32, #tpu.memory_space<hbm>>) target(%arg20 : memref<64x128xf32, #tpu.memory_space<vmem>>) target_semaphore(%arg31 : memref<!tpu.dma_semaphore, #tpu.memory_space<semaphore_mem>>)
      %slice3A_88 = vector.extract_strided_slice %get3A_26 {offsets = [6], sizes = [1], strides = [1]} : vector<16xi32> to vector<1xi32>
      %squeeze3A_89 = vector.extract %slice3A_88[0] : i32 from vector<1xi32>
      %shift_right_arithmetic3A_90 = arith.constant 7 : i32
      %shift_right_arithmetic3A_91 = arith.shrsi %squeeze3A_89, %shift_right_arithmetic3A_90 : i32
      %mul3A_92 = arith.constant 128 : i32
      %mul3A_93 = arith.muli %shift_right_arithmetic3A_91, %mul3A_92 : i32
      %multiple_of3A_94 = tpu.assume_multiple %mul3A_93, 128 : i32
      %dma_start3A_95 = arith.constant 0 : i32
      %dma_start3A_96 = tpu.memref_slice %arg3[%dma_start3A_95, %multiple_of3A_94] : memref<64x1000001xf32, #tpu.memory_space<hbm>> -> memref<64x128xf32, #tpu.memory_space<hbm>>
      %dma_start3A_97 = arith.constant 0 : i32
      %dma_start3A_98 = tpu.memref_slice %arg3[%dma_start3A_97, %multiple_of3A_94] : memref<64x1000001xf32, #tpu.memory_space<hbm>> -> memref<64x128xf32, #tpu.memory_space<hbm>>
      tpu.enqueue_dma source(%dma_start3A_98 : memref<64x128xf32, #tpu.memory_space<hbm>>) target(%arg21 : memref<64x128xf32, #tpu.memory_space<vmem>>) target_semaphore(%arg31 : memref<!tpu.dma_semaphore, #tpu.memory_space<semaphore_mem>>)
      %slice3A_99 = vector.extract_strided_slice %get3A_26 {offsets = [7], sizes = [1], strides = [1]} : vector<16xi32> to vector<1xi32>
      %squeeze3A_100 = vector.extract %slice3A_99[0] : i32 from vector<1xi32>
      %shift_right_arithmetic3A_101 = arith.constant 7 : i32
      %shift_right_arithmetic3A_102 = arith.shrsi %squeeze3A_100, %shift_right_arithmetic3A_101 : i32
      %mul3A_103 = arith.constant 128 : i32
      %mul3A_104 = arith.muli %shift_right_arithmetic3A_102, %mul3A_103 : i32
      %multiple_of3A_105 = tpu.assume_multiple %mul3A_104, 128 : i32
      %dma_start3A_106 = arith.constant 0 : i32
      %dma_start3A_107 = tpu.memref_slice %arg3[%dma_start3A_106, %multiple_of3A_105] : memref<64x1000001xf32, #tpu.memory_space<hbm>> -> memref<64x128xf32, #tpu.memory_space<hbm>>
      %dma_start3A_108 = arith.constant 0 : i32
      %dma_start3A_109 = tpu.memref_slice %arg3[%dma_start3A_108, %multiple_of3A_105] : memref<64x1000001xf32, #tpu.memory_space<hbm>> -> memref<64x128xf32, #tpu.memory_space<hbm>>
      tpu.enqueue_dma source(%dma_start3A_109 : memref<64x128xf32, #tpu.memory_space<hbm>>) target(%arg22 : memref<64x128xf32, #tpu.memory_space<vmem>>) target_semaphore(%arg31 : memref<!tpu.dma_semaphore, #tpu.memory_space<semaphore_mem>>)
      %dma_wait3A = arith.constant 0 : i32
      %dma_wait3A_110 = tpu.memref_slice %arg3[%dma_wait3A, %multiple_of3A] : memref<64x1000001xf32, #tpu.memory_space<hbm>> -> memref<64x128xf32, #tpu.memory_space<hbm>>
      %dma_wait3A_111 = arith.constant 0 : i32
      %dma_wait3A_112 = tpu.memref_slice %arg3[%dma_wait3A_111, %multiple_of3A] : memref<64x1000001xf32, #tpu.memory_space<hbm>> -> memref<64x128xf32, #tpu.memory_space<hbm>>
      tpu.wait_dma2 semaphore(%arg31 : memref<!tpu.dma_semaphore, #tpu.memory_space<semaphore_mem>>) src(%dma_wait3A_112 : memref<64x128xf32, #tpu.memory_space<hbm>>) dst(%arg15 : memref<64x128xf32, #tpu.memory_space<vmem>>)
      %slice3A_113 = vector.extract_strided_slice %get3A_26 {offsets = [0], sizes = [1], strides = [1]} : vector<16xi32> to vector<1xi32>
      %squeeze3A_114 = vector.extract %slice3A_113[0] : i32 from vector<1xi32>
      %and3A = arith.constant 127 : i32
      %and3A_115 = arith.andi %squeeze3A_114, %and3A : i32
      %broadcast_in_dim3A = vector.broadcast %and3A_115 : i32 to vector<16xi32>
      %iota3A = tpu.iota {dimensions = array<i32: 0>} : vector<16xi32>
      %add3A_116 = arith.constant 0 : i32
      %add3A_117 = vector.broadcast %add3A_116 : i32 to vector<16xi32>
      %add3A_118 = arith.addi %iota3A, %add3A_117 : vector<16xi32>
      %gather3A = tpu.vector_load_idx %arg15[%add3A_118, %broadcast_in_dim3A] : memref<64x128xf32, #tpu.memory_space<vmem>>[vector<16xi32>, vector<16xi32>], vector<16xf32>,
      %add3A_119 = arith.constant 0 : i32
      %add3A_120 = arith.addi %mul3A_25, %add3A_119 : i32
      %swap3A = arith.index_cast %add3A_120 : i32 to index
      %swap3A_121 = arith.constant 0 : index
      %swap3A_122 = tpu.vector_load %arg13[%swap3A, %swap3A_121] {strides = array<i32>} : memref<128x64xf32, #tpu.memory_space<vmem>>, vector<16xf32>,
      tpu.vector_store %arg13[%swap3A, %swap3A_121], %gather3A {strides = array<i32>} : memref<128x64xf32, #tpu.memory_space<vmem>>, vector<16xf32>,
      %iota3A_123 = tpu.iota {dimensions = array<i32: 0>} : vector<16xi32>
      %add3A_124 = arith.constant 16 : i32
      %add3A_125 = vector.broadcast %add3A_124 : i32 to vector<16xi32>
      %add3A_126 = arith.addi %iota3A_123, %add3A_125 : vector<16xi32>
      %gather3A_127 = tpu.vector_load_idx %arg15[%add3A_126, %broadcast_in_dim3A] : memref<64x128xf32, #tpu.memory_space<vmem>>[vector<16xi32>, vector<16xi32>], vector<16xf32>,
      %add3A_128 = arith.constant 0 : i32
      %add3A_129 = arith.addi %mul3A_25, %add3A_128 : i32
      %swap3A_130 = arith.index_cast %add3A_129 : i32 to index
      %swap3A_131 = arith.constant 16 : index
      %swap3A_132 = tpu.vector_load %arg13[%swap3A_130, %swap3A_131] {strides = array<i32>} : memref<128x64xf32, #tpu.memory_space<vmem>>, vector<16xf32>,
      tpu.vector_store %arg13[%swap3A_130, %swap3A_131], %gather3A_127 {strides = array<i32>} : memref<128x64xf32, #tpu.memory_space<vmem>>, vector<16xf32>,
      %iota3A_133 = tpu.iota {dimensions = array<i32: 0>} : vector<16xi32>
      %add3A_134 = arith.constant 32 : i32
      %add3A_135 = vector.broadcast %add3A_134 : i32 to vector<16xi32>
      %add3A_136 = arith.addi %iota3A_133, %add3A_135 : vector<16xi32>
      %gather3A_137 = tpu.vector_load_idx %arg15[%add3A_136, %broadcast_in_dim3A] : memref<64x128xf32, #tpu.memory_space<vmem>>[vector<16xi32>, vector<16xi32>], vector<16xf32>,
      %add3A_138 = arith.constant 0 : i32
      %add3A_139 = arith.addi %mul3A_25, %add3A_138 : i32
      %swap3A_140 = arith.index_cast %add3A_139 : i32 to index
      %swap3A_141 = arith.constant 32 : index
      %swap3A_142 = tpu.vector_load %arg13[%swap3A_140, %swap3A_141] {strides = array<i32>} : memref<128x64xf32, #tpu.memory_space<vmem>>, vector<16xf32>,
      tpu.vector_store %arg13[%swap3A_140, %swap3A_141], %gather3A_137 {strides = array<i32>} : memref<128x64xf32, #tpu.memory_space<vmem>>, vector<16xf32>,
      %iota3A_143 = tpu.iota {dimensions = array<i32: 0>} : vector<16xi32>
      %add3A_144 = arith.constant 48 : i32
      %add3A_145 = vector.broadcast %add3A_144 : i32 to vector<16xi32>
      %add3A_146 = arith.addi %iota3A_143, %add3A_145 : vector<16xi32>
      %gather3A_147 = tpu.vector_load_idx %arg15[%add3A_146, %broadcast_in_dim3A] : memref<64x128xf32, #tpu.memory_space<vmem>>[vector<16xi32>, vector<16xi32>], vector<16xf32>,
      %add3A_148 = arith.constant 0 : i32
      %add3A_149 = arith.addi %mul3A_25, %add3A_148 : i32
      %swap3A_150 = arith.index_cast %add3A_149 : i32 to index
      %swap3A_151 = arith.constant 48 : index
      %swap3A_152 = tpu.vector_load %arg13[%swap3A_150, %swap3A_151] {strides = array<i32>} : memref<128x64xf32, #tpu.memory_space<vmem>>, vector<16xf32>,
      tpu.vector_store %arg13[%swap3A_150, %swap3A_151], %gather3A_147 {strides = array<i32>} : memref<128x64xf32, #tpu.memory_space<vmem>>, vector<16xf32>,
      %dma_wait3A_153 = arith.constant 0 : i32
      %dma_wait3A_154 = tpu.memref_slice %arg3[%dma_wait3A_153, %multiple_of3A_39] : memref<64x1000001xf32, #tpu.memory_space<hbm>> -> memref<64x128xf32, #tpu.memory_space<hbm>>
      %dma_wait3A_155 = arith.constant 0 : i32
      %dma_wait3A_156 = tpu.memref_slice %arg3[%dma_wait3A_155, %multiple_of3A_39] : memref<64x1000001xf32, #tpu.memory_space<hbm>> -> memref<64x128xf32, #tpu.memory_space<hbm>>
      tpu.wait_dma2 semaphore(%arg31 : memref<!tpu.dma_semaphore, #tpu.memory_space<semaphore_mem>>) src(%dma_wait3A_156 : memref<64x128xf32, #tpu.memory_space<hbm>>) dst(%arg16 : memref<64x128xf32, #tpu.memory_space<vmem>>)
      %slice3A_157 = vector.extract_strided_slice %get3A_26 {offsets = [1], sizes = [1], strides = [1]} : vector<16xi32> to vector<1xi32>
      %squeeze3A_158 = vector.extract %slice3A_157[0] : i32 from vector<1xi32>
      %and3A_159 = arith.constant 127 : i32
      %and3A_160 = arith.andi %squeeze3A_158, %and3A_159 : i32
      %broadcast_in_dim3A_161 = vector.broadcast %and3A_160 : i32 to vector<16xi32>
      %iota3A_162 = tpu.iota {dimensions = array<i32: 0>} : vector<16xi32>
      %add3A_163 = arith.constant 0 : i32
      %add3A_164 = vector.broadcast %add3A_163 : i32 to vector<16xi32>
      %add3A_165 = arith.addi %iota3A_162, %add3A_164 : vector<16xi32>
      %gather3A_166 = tpu.vector_load_idx %arg16[%add3A_165, %broadcast_in_dim3A_161] : memref<64x128xf32, #tpu.memory_space<vmem>>[vector<16xi32>, vector<16xi32>], vector<16xf32>,
      %add3A_167 = arith.constant 1 : i32
      %add3A_168 = arith.addi %mul3A_25, %add3A_167 : i32
      %swap3A_169 = arith.index_cast %add3A_168 : i32 to index
      %swap3A_170 = arith.constant 0 : index
      %swap3A_171 = tpu.vector_load %arg13[%swap3A_169, %swap3A_170] {strides = array<i32>} : memref<128x64xf32, #tpu.memory_space<vmem>>, vector<16xf32>,
      tpu.vector_store %arg13[%swap3A_169, %swap3A_170], %gather3A_166 {strides = array<i32>} : memref<128x64xf32, #tpu.memory_space<vmem>>, vector<16xf32>,
      %iota3A_172 = tpu.iota {dimensions = array<i32: 0>} : vector<16xi32>
      %add3A_173 = arith.constant 16 : i32
      %add3A_174 = vector.broadcast %add3A_173 : i32 to vector<16xi32>
      %add3A_175 = arith.addi %iota3A_172, %add3A_174 : vector<16xi32>
      %gather3A_176 = tpu.vector_load_idx %arg16[%add3A_175, %broadcast_in_dim3A_161] : memref<64x128xf32, #tpu.memory_space<vmem>>[vector<16xi32>, vector<16xi32>], vector<16xf32>,
      %add3A_177 = arith.constant 1 : i32
      %add3A_178 = arith.addi %mul3A_25, %add3A_177 : i32
      %swap3A_179 = arith.index_cast %add3A_178 : i32 to index
      %swap3A_180 = arith.constant 16 : index
      %swap3A_181 = tpu.vector_load %arg13[%swap3A_179, %swap3A_180] {strides = array<i32>} : memref<128x64xf32, #tpu.memory_space<vmem>>, vector<16xf32>,
      tpu.vector_store %arg13[%swap3A_179, %swap3A_180], %gather3A_176 {strides = array<i32>} : memref<128x64xf32, #tpu.memory_space<vmem>>, vector<16xf32>,
      %iota3A_182 = tpu.iota {dimensions = array<i32: 0>} : vector<16xi32>
      %add3A_183 = arith.constant 32 : i32
      %add3A_184 = vector.broadcast %add3A_183 : i32 to vector<16xi32>
      %add3A_185 = arith.addi %iota3A_182, %add3A_184 : vector<16xi32>
      %gather3A_186 = tpu.vector_load_idx %arg16[%add3A_185, %broadcast_in_dim3A_161] : memref<64x128xf32, #tpu.memory_space<vmem>>[vector<16xi32>, vector<16xi32>], vector<16xf32>,
      %add3A_187 = arith.constant 1 : i32
      %add3A_188 = arith.addi %mul3A_25, %add3A_187 : i32
      %swap3A_189 = arith.index_cast %add3A_188 : i32 to index
      %swap3A_190 = arith.constant 32 : index
      %swap3A_191 = tpu.vector_load %arg13[%swap3A_189, %swap3A_190] {strides = array<i32>} : memref<128x64xf32, #tpu.memory_space<vmem>>, vector<16xf32>,
      tpu.vector_store %arg13[%swap3A_189, %swap3A_190], %gather3A_186 {strides = array<i32>} : memref<128x64xf32, #tpu.memory_space<vmem>>, vector<16xf32>,
      %iota3A_192 = tpu.iota {dimensions = array<i32: 0>} : vector<16xi32>
      %add3A_193 = arith.constant 48 : i32
      %add3A_194 = vector.broadcast %add3A_193 : i32 to vector<16xi32>
      %add3A_195 = arith.addi %iota3A_192, %add3A_194 : vector<16xi32>
      %gather3A_196 = tpu.vector_load_idx %arg16[%add3A_195, %broadcast_in_dim3A_161] : memref<64x128xf32, #tpu.memory_space<vmem>>[vector<16xi32>, vector<16xi32>], vector<16xf32>,
      %add3A_197 = arith.constant 1 : i32
      %add3A_198 = arith.addi %mul3A_25, %add3A_197 : i32
      %swap3A_199 = arith.index_cast %add3A_198 : i32 to index
      %swap3A_200 = arith.constant 48 : index
      %swap3A_201 = tpu.vector_load %arg13[%swap3A_199, %swap3A_200] {strides = array<i32>} : memref<128x64xf32, #tpu.memory_space<vmem>>, vector<16xf32>,
      tpu.vector_store %arg13[%swap3A_199, %swap3A_200], %gather3A_196 {strides = array<i32>} : memref<128x64xf32, #tpu.memory_space<vmem>>, vector<16xf32>,
      %dma_wait3A_202 = arith.constant 0 : i32
      %dma_wait3A_203 = tpu.memref_slice %arg3[%dma_wait3A_202, %multiple_of3A_50] : memref<64x1000001xf32, #tpu.memory_space<hbm>> -> memref<64x128xf32, #tpu.memory_space<hbm>>
      %dma_wait3A_204 = arith.constant 0 : i32
      %dma_wait3A_205 = tpu.memref_slice %arg3[%dma_wait3A_204, %multiple_of3A_50] : memref<64x1000001xf32, #tpu.memory_space<hbm>> -> memref<64x128xf32, #tpu.memory_space<hbm>>
      tpu.wait_dma2 semaphore(%arg31 : memref<!tpu.dma_semaphore, #tpu.memory_space<semaphore_mem>>) src(%dma_wait3A_205 : memref<64x128xf32, #tpu.memory_space<hbm>>) dst(%arg17 : memref<64x128xf32, #tpu.memory_space<vmem>>)
      %slice3A_206 = vector.extract_strided_slice %get3A_26 {offsets = [2], sizes = [1], strides = [1]} : vector<16xi32> to vector<1xi32>
      %squeeze3A_207 = vector.extract %slice3A_206[0] : i32 from vector<1xi32>
      %and3A_208 = arith.constant 127 : i32
      %and3A_209 = arith.andi %squeeze3A_207, %and3A_208 : i32
      %broadcast_in_dim3A_210 = vector.broadcast %and3A_209 : i32 to vector<16xi32>
      %iota3A_211 = tpu.iota {dimensions = array<i32: 0>} : vector<16xi32>
      %add3A_212 = arith.constant 0 : i32
      %add3A_213 = vector.broadcast %add3A_212 : i32 to vector<16xi32>
      %add3A_214 = arith.addi %iota3A_211, %add3A_213 : vector<16xi32>
      %gather3A_215 = tpu.vector_load_idx %arg17[%add3A_214, %broadcast_in_dim3A_210] : memref<64x128xf32, #tpu.memory_space<vmem>>[vector<16xi32>, vector<16xi32>], vector<16xf32>,
      %add3A_216 = arith.constant 2 : i32
      %add3A_217 = arith.addi %mul3A_25, %add3A_216 : i32
      %swap3A_218 = arith.index_cast %add3A_217 : i32 to index
      %swap3A_219 = arith.constant 0 : index
      %swap3A_220 = tpu.vector_load %arg13[%swap3A_218, %swap3A_219] {strides = array<i32>} : memref<128x64xf32, #tpu.memory_space<vmem>>, vector<16xf32>,
      tpu.vector_store %arg13[%swap3A_218, %swap3A_219], %gather3A_215 {strides = array<i32>} : memref<128x64xf32, #tpu.memory_space<vmem>>, vector<16xf32>,
      %iota3A_221 = tpu.iota {dimensions = array<i32: 0>} : vector<16xi32>
      %add3A_222 = arith.constant 16 : i32
      %add3A_223 = vector.broadcast %add3A_222 : i32 to vector<16xi32>
      %add3A_224 = arith.addi %iota3A_221, %add3A_223 : vector<16xi32>
      %gather3A_225 = tpu.vector_load_idx %arg17[%add3A_224, %broadcast_in_dim3A_210] : memref<64x128xf32, #tpu.memory_space<vmem>>[vector<16xi32>, vector<16xi32>], vector<16xf32>,
      %add3A_226 = arith.constant 2 : i32
      %add3A_227 = arith.addi %mul3A_25, %add3A_226 : i32
      %swap3A_228 = arith.index_cast %add3A_227 : i32 to index
      %swap3A_229 = arith.constant 16 : index
      %swap3A_230 = tpu.vector_load %arg13[%swap3A_228, %swap3A_229] {strides = array<i32>} : memref<128x64xf32, #tpu.memory_space<vmem>>, vector<16xf32>,
      tpu.vector_store %arg13[%swap3A_228, %swap3A_229], %gather3A_225 {strides = array<i32>} : memref<128x64xf32, #tpu.memory_space<vmem>>, vector<16xf32>,
      %iota3A_231 = tpu.iota {dimensions = array<i32: 0>} : vector<16xi32>
      %add3A_232 = arith.constant 32 : i32
      %add3A_233 = vector.broadcast %add3A_232 : i32 to vector<16xi32>
      %add3A_234 = arith.addi %iota3A_231, %add3A_233 : vector<16xi32>
      %gather3A_235 = tpu.vector_load_idx %arg17[%add3A_234, %broadcast_in_dim3A_210] : memref<64x128xf32, #tpu.memory_space<vmem>>[vector<16xi32>, vector<16xi32>], vector<16xf32>,
      %add3A_236 = arith.constant 2 : i32
      %add3A_237 = arith.addi %mul3A_25, %add3A_236 : i32
      %swap3A_238 = arith.index_cast %add3A_237 : i32 to index
      %swap3A_239 = arith.constant 32 : index
      %swap3A_240 = tpu.vector_load %arg13[%swap3A_238, %swap3A_239] {strides = array<i32>} : memref<128x64xf32, #tpu.memory_space<vmem>>, vector<16xf32>,
      tpu.vector_store %arg13[%swap3A_238, %swap3A_239], %gather3A_235 {strides = array<i32>} : memref<128x64xf32, #tpu.memory_space<vmem>>, vector<16xf32>,
      %iota3A_241 = tpu.iota {dimensions = array<i32: 0>} : vector<16xi32>
      %add3A_242 = arith.constant 48 : i32
      %add3A_243 = vector.broadcast %add3A_242 : i32 to vector<16xi32>
      %add3A_244 = arith.addi %iota3A_241, %add3A_243 : vector<16xi32>
      %gather3A_245 = tpu.vector_load_idx %arg17[%add3A_244, %broadcast_in_dim3A_210] : memref<64x128xf32, #tpu.memory_space<vmem>>[vector<16xi32>, vector<16xi32>], vector<16xf32>,
      %add3A_246 = arith.constant 2 : i32
      %add3A_247 = arith.addi %mul3A_25, %add3A_246 : i32
      %swap3A_248 = arith.index_cast %add3A_247 : i32 to index
      %swap3A_249 = arith.constant 48 : index
      %swap3A_250 = tpu.vector_load %arg13[%swap3A_248, %swap3A_249] {strides = array<i32>} : memref<128x64xf32, #tpu.memory_space<vmem>>, vector<16xf32>,
      tpu.vector_store %arg13[%swap3A_248, %swap3A_249], %gather3A_245 {strides = array<i32>} : memref<128x64xf32, #tpu.memory_space<vmem>>, vector<16xf32>,
      %dma_wait3A_251 = arith.constant 0 : i32
      %dma_wait3A_252 = tpu.memref_slice %arg3[%dma_wait3A_251, %multiple_of3A_61] : memref<64x1000001xf32, #tpu.memory_space<hbm>> -> memref<64x128xf32, #tpu.memory_space<hbm>>
      %dma_wait3A_253 = arith.constant 0 : i32
      %dma_wait3A_254 = tpu.memref_slice %arg3[%dma_wait3A_253, %multiple_of3A_61] : memref<64x1000001xf32, #tpu.memory_space<hbm>> -> memref<64x128xf32, #tpu.memory_space<hbm>>
      tpu.wait_dma2 semaphore(%arg31 : memref<!tpu.dma_semaphore, #tpu.memory_space<semaphore_mem>>) src(%dma_wait3A_254 : memref<64x128xf32, #tpu.memory_space<hbm>>) dst(%arg18 : memref<64x128xf32, #tpu.memory_space<vmem>>)
      %slice3A_255 = vector.extract_strided_slice %get3A_26 {offsets = [3], sizes = [1], strides = [1]} : vector<16xi32> to vector<1xi32>
      %squeeze3A_256 = vector.extract %slice3A_255[0] : i32 from vector<1xi32>
      %and3A_257 = arith.constant 127 : i32
      %and3A_258 = arith.andi %squeeze3A_256, %and3A_257 : i32
      %broadcast_in_dim3A_259 = vector.broadcast %and3A_258 : i32 to vector<16xi32>
      %iota3A_260 = tpu.iota {dimensions = array<i32: 0>} : vector<16xi32>
      %add3A_261 = arith.constant 0 : i32
      %add3A_262 = vector.broadcast %add3A_261 : i32 to vector<16xi32>
      %add3A_263 = arith.addi %iota3A_260, %add3A_262 : vector<16xi32>
      %gather3A_264 = tpu.vector_load_idx %arg18[%add3A_263, %broadcast_in_dim3A_259] : memref<64x128xf32, #tpu.memory_space<vmem>>[vector<16xi32>, vector<16xi32>], vector<16xf32>,
      %add3A_265 = arith.constant 3 : i32
      %add3A_266 = arith.addi %mul3A_25, %add3A_265 : i32
      %swap3A_267 = arith.index_cast %add3A_266 : i32 to index
      %swap3A_268 = arith.constant 0 : index
      %swap3A_269 = tpu.vector_load %arg13[%swap3A_267, %swap3A_268] {strides = array<i32>} : memref<128x64xf32, #tpu.memory_space<vmem>>, vector<16xf32>,
      tpu.vector_store %arg13[%swap3A_267, %swap3A_268], %gather3A_264 {strides = array<i32>} : memref<128x64xf32, #tpu.memory_space<vmem>>, vector<16xf32>,
      %iota3A_270 = tpu.iota {dimensions = array<i32: 0>} : vector<16xi32>
      %add3A_271 = arith.constant 16 : i32
      %add3A_272 = vector.broadcast %add3A_271 : i32 to vector<16xi32>
      %add3A_273 = arith.addi %iota3A_270, %add3A_272 : vector<16xi32>
      %gather3A_274 = tpu.vector_load_idx %arg18[%add3A_273, %broadcast_in_dim3A_259] : memref<64x128xf32, #tpu.memory_space<vmem>>[vector<16xi32>, vector<16xi32>], vector<16xf32>,
      %add3A_275 = arith.constant 3 : i32
      %add3A_276 = arith.addi %mul3A_25, %add3A_275 : i32
      %swap3A_277 = arith.index_cast %add3A_276 : i32 to index
      %swap3A_278 = arith.constant 16 : index
      %swap3A_279 = tpu.vector_load %arg13[%swap3A_277, %swap3A_278] {strides = array<i32>} : memref<128x64xf32, #tpu.memory_space<vmem>>, vector<16xf32>,
      tpu.vector_store %arg13[%swap3A_277, %swap3A_278], %gather3A_274 {strides = array<i32>} : memref<128x64xf32, #tpu.memory_space<vmem>>, vector<16xf32>,
      %iota3A_280 = tpu.iota {dimensions = array<i32: 0>} : vector<16xi32>
      %add3A_281 = arith.constant 32 : i32
      %add3A_282 = vector.broadcast %add3A_281 : i32 to vector<16xi32>
      %add3A_283 = arith.addi %iota3A_280, %add3A_282 : vector<16xi32>
      %gather3A_284 = tpu.vector_load_idx %arg18[%add3A_283, %broadcast_in_dim3A_259] : memref<64x128xf32, #tpu.memory_space<vmem>>[vector<16xi32>, vector<16xi32>], vector<16xf32>,
      %add3A_285 = arith.constant 3 : i32
      %add3A_286 = arith.addi %mul3A_25, %add3A_285 : i32
      %swap3A_287 = arith.index_cast %add3A_286 : i32 to index
      %swap3A_288 = arith.constant 32 : index
      %swap3A_289 = tpu.vector_load %arg13[%swap3A_287, %swap3A_288] {strides = array<i32>} : memref<128x64xf32, #tpu.memory_space<vmem>>, vector<16xf32>,
      tpu.vector_store %arg13[%swap3A_287, %swap3A_288], %gather3A_284 {strides = array<i32>} : memref<128x64xf32, #tpu.memory_space<vmem>>, vector<16xf32>,
      %iota3A_290 = tpu.iota {dimensions = array<i32: 0>} : vector<16xi32>
      %add3A_291 = arith.constant 48 : i32
      %add3A_292 = vector.broadcast %add3A_291 : i32 to vector<16xi32>
      %add3A_293 = arith.addi %iota3A_290, %add3A_292 : vector<16xi32>
      %gather3A_294 = tpu.vector_load_idx %arg18[%add3A_293, %broadcast_in_dim3A_259] : memref<64x128xf32, #tpu.memory_space<vmem>>[vector<16xi32>, vector<16xi32>], vector<16xf32>,
      %add3A_295 = arith.constant 3 : i32
      %add3A_296 = arith.addi %mul3A_25, %add3A_295 : i32
      %swap3A_297 = arith.index_cast %add3A_296 : i32 to index
      %swap3A_298 = arith.constant 48 : index
      %swap3A_299 = tpu.vector_load %arg13[%swap3A_297, %swap3A_298] {strides = array<i32>} : memref<128x64xf32, #tpu.memory_space<vmem>>, vector<16xf32>,
      tpu.vector_store %arg13[%swap3A_297, %swap3A_298], %gather3A_294 {strides = array<i32>} : memref<128x64xf32, #tpu.memory_space<vmem>>, vector<16xf32>,
      %dma_wait3A_300 = arith.constant 0 : i32
      %dma_wait3A_301 = tpu.memref_slice %arg3[%dma_wait3A_300, %multiple_of3A_72] : memref<64x1000001xf32, #tpu.memory_space<hbm>> -> memref<64x128xf32, #tpu.memory_space<hbm>>
      %dma_wait3A_302 = arith.constant 0 : i32
      %dma_wait3A_303 = tpu.memref_slice %arg3[%dma_wait3A_302, %multiple_of3A_72] : memref<64x1000001xf32, #tpu.memory_space<hbm>> -> memref<64x128xf32, #tpu.memory_space<hbm>>
      tpu.wait_dma2 semaphore(%arg31 : memref<!tpu.dma_semaphore, #tpu.memory_space<semaphore_mem>>) src(%dma_wait3A_303 : memref<64x128xf32, #tpu.memory_space<hbm>>) dst(%arg19 : memref<64x128xf32, #tpu.memory_space<vmem>>)
      %slice3A_304 = vector.extract_strided_slice %get3A_26 {offsets = [4], sizes = [1], strides = [1]} : vector<16xi32> to vector<1xi32>
      %squeeze3A_305 = vector.extract %slice3A_304[0] : i32 from vector<1xi32>
      %and3A_306 = arith.constant 127 : i32
      %and3A_307 = arith.andi %squeeze3A_305, %and3A_306 : i32
      %broadcast_in_dim3A_308 = vector.broadcast %and3A_307 : i32 to vector<16xi32>
      %iota3A_309 = tpu.iota {dimensions = array<i32: 0>} : vector<16xi32>
      %add3A_310 = arith.constant 0 : i32
      %add3A_311 = vector.broadcast %add3A_310 : i32 to vector<16xi32>
      %add3A_312 = arith.addi %iota3A_309, %add3A_311 : vector<16xi32>
      %gather3A_313 = tpu.vector_load_idx %arg19[%add3A_312, %broadcast_in_dim3A_308] : memref<64x128xf32, #tpu.memory_space<vmem>>[vector<16xi32>, vector<16xi32>], vector<16xf32>,
      %add3A_314 = arith.constant 4 : i32
      %add3A_315 = arith.addi %mul3A_25, %add3A_314 : i32
      %swap3A_316 = arith.index_cast %add3A_315 : i32 to index
      %swap3A_317 = arith.constant 0 : index
      %swap3A_318 = tpu.vector_load %arg13[%swap3A_316, %swap3A_317] {strides = array<i32>} : memref<128x64xf32, #tpu.memory_space<vmem>>, vector<16xf32>,
      tpu.vector_store %arg13[%swap3A_316, %swap3A_317], %gather3A_313 {strides = array<i32>} : memref<128x64xf32, #tpu.memory_space<vmem>>, vector<16xf32>,
      %iota3A_319 = tpu.iota {dimensions = array<i32: 0>} : vector<16xi32>
      %add3A_320 = arith.constant 16 : i32
      %add3A_321 = vector.broadcast %add3A_320 : i32 to vector<16xi32>
      %add3A_322 = arith.addi %iota3A_319, %add3A_321 : vector<16xi32>
      %gather3A_323 = tpu.vector_load_idx %arg19[%add3A_322, %broadcast_in_dim3A_308] : memref<64x128xf32, #tpu.memory_space<vmem>>[vector<16xi32>, vector<16xi32>], vector<16xf32>,
      %add3A_324 = arith.constant 4 : i32
      %add3A_325 = arith.addi %mul3A_25, %add3A_324 : i32
      %swap3A_326 = arith.index_cast %add3A_325 : i32 to index
      %swap3A_327 = arith.constant 16 : index
      %swap3A_328 = tpu.vector_load %arg13[%swap3A_326, %swap3A_327] {strides = array<i32>} : memref<128x64xf32, #tpu.memory_space<vmem>>, vector<16xf32>,
      tpu.vector_store %arg13[%swap3A_326, %swap3A_327], %gather3A_323 {strides = array<i32>} : memref<128x64xf32, #tpu.memory_space<vmem>>, vector<16xf32>,
      %iota3A_329 = tpu.iota {dimensions = array<i32: 0>} : vector<16xi32>
      %add3A_330 = arith.constant 32 : i32
      %add3A_331 = vector.broadcast %add3A_330 : i32 to vector<16xi32>
      %add3A_332 = arith.addi %iota3A_329, %add3A_331 : vector<16xi32>
      %gather3A_333 = tpu.vector_load_idx %arg19[%add3A_332, %broadcast_in_dim3A_308] : memref<64x128xf32, #tpu.memory_space<vmem>>[vector<16xi32>, vector<16xi32>], vector<16xf32>,
      %add3A_334 = arith.constant 4 : i32
      %add3A_335 = arith.addi %mul3A_25, %add3A_334 : i32
      %swap3A_336 = arith.index_cast %add3A_335 : i32 to index
      %swap3A_337 = arith.constant 32 : index
      %swap3A_338 = tpu.vector_load %arg13[%swap3A_336, %swap3A_337] {strides = array<i32>} : memref<128x64xf32, #tpu.memory_space<vmem>>, vector<16xf32>,
      tpu.vector_store %arg13[%swap3A_336, %swap3A_337], %gather3A_333 {strides = array<i32>} : memref<128x64xf32, #tpu.memory_space<vmem>>, vector<16xf32>,
      %iota3A_339 = tpu.iota {dimensions = array<i32: 0>} : vector<16xi32>
      %add3A_340 = arith.constant 48 : i32
      %add3A_341 = vector.broadcast %add3A_340 : i32 to vector<16xi32>
      %add3A_342 = arith.addi %iota3A_339, %add3A_341 : vector<16xi32>
      %gather3A_343 = tpu.vector_load_idx %arg19[%add3A_342, %broadcast_in_dim3A_308] : memref<64x128xf32, #tpu.memory_space<vmem>>[vector<16xi32>, vector<16xi32>], vector<16xf32>,
      %add3A_344 = arith.constant 4 : i32
      %add3A_345 = arith.addi %mul3A_25, %add3A_344 : i32
      %swap3A_346 = arith.index_cast %add3A_345 : i32 to index
      %swap3A_347 = arith.constant 48 : index
      %swap3A_348 = tpu.vector_load %arg13[%swap3A_346, %swap3A_347] {strides = array<i32>} : memref<128x64xf32, #tpu.memory_space<vmem>>, vector<16xf32>,
      tpu.vector_store %arg13[%swap3A_346, %swap3A_347], %gather3A_343 {strides = array<i32>} : memref<128x64xf32, #tpu.memory_space<vmem>>, vector<16xf32>,
      %dma_wait3A_349 = arith.constant 0 : i32
      %dma_wait3A_350 = tpu.memref_slice %arg3[%dma_wait3A_349, %multiple_of3A_83] : memref<64x1000001xf32, #tpu.memory_space<hbm>> -> memref<64x128xf32, #tpu.memory_space<hbm>>
      %dma_wait3A_351 = arith.constant 0 : i32
      %dma_wait3A_352 = tpu.memref_slice %arg3[%dma_wait3A_351, %multiple_of3A_83] : memref<64x1000001xf32, #tpu.memory_space<hbm>> -> memref<64x128xf32, #tpu.memory_space<hbm>>
      tpu.wait_dma2 semaphore(%arg31 : memref<!tpu.dma_semaphore, #tpu.memory_space<semaphore_mem>>) src(%dma_wait3A_352 : memref<64x128xf32, #tpu.memory_space<hbm>>) dst(%arg20 : memref<64x128xf32, #tpu.memory_space<vmem>>)
      %slice3A_353 = vector.extract_strided_slice %get3A_26 {offsets = [5], sizes = [1], strides = [1]} : vector<16xi32> to vector<1xi32>
      %squeeze3A_354 = vector.extract %slice3A_353[0] : i32 from vector<1xi32>
      %and3A_355 = arith.constant 127 : i32
      %and3A_356 = arith.andi %squeeze3A_354, %and3A_355 : i32
      %broadcast_in_dim3A_357 = vector.broadcast %and3A_356 : i32 to vector<16xi32>
      %iota3A_358 = tpu.iota {dimensions = array<i32: 0>} : vector<16xi32>
      %add3A_359 = arith.constant 0 : i32
      %add3A_360 = vector.broadcast %add3A_359 : i32 to vector<16xi32>
      %add3A_361 = arith.addi %iota3A_358, %add3A_360 : vector<16xi32>
      %gather3A_362 = tpu.vector_load_idx %arg20[%add3A_361, %broadcast_in_dim3A_357] : memref<64x128xf32, #tpu.memory_space<vmem>>[vector<16xi32>, vector<16xi32>], vector<16xf32>,
      %add3A_363 = arith.constant 5 : i32
      %add3A_364 = arith.addi %mul3A_25, %add3A_363 : i32
      %swap3A_365 = arith.index_cast %add3A_364 : i32 to index
      %swap3A_366 = arith.constant 0 : index
      %swap3A_367 = tpu.vector_load %arg13[%swap3A_365, %swap3A_366] {strides = array<i32>} : memref<128x64xf32, #tpu.memory_space<vmem>>, vector<16xf32>,
      tpu.vector_store %arg13[%swap3A_365, %swap3A_366], %gather3A_362 {strides = array<i32>} : memref<128x64xf32, #tpu.memory_space<vmem>>, vector<16xf32>,
      %iota3A_368 = tpu.iota {dimensions = array<i32: 0>} : vector<16xi32>
      %add3A_369 = arith.constant 16 : i32
      %add3A_370 = vector.broadcast %add3A_369 : i32 to vector<16xi32>
      %add3A_371 = arith.addi %iota3A_368, %add3A_370 : vector<16xi32>
      %gather3A_372 = tpu.vector_load_idx %arg20[%add3A_371, %broadcast_in_dim3A_357] : memref<64x128xf32, #tpu.memory_space<vmem>>[vector<16xi32>, vector<16xi32>], vector<16xf32>,
      %add3A_373 = arith.constant 5 : i32
      %add3A_374 = arith.addi %mul3A_25, %add3A_373 : i32
      %swap3A_375 = arith.index_cast %add3A_374 : i32 to index
      %swap3A_376 = arith.constant 16 : index
      %swap3A_377 = tpu.vector_load %arg13[%swap3A_375, %swap3A_376] {strides = array<i32>} : memref<128x64xf32, #tpu.memory_space<vmem>>, vector<16xf32>,
      tpu.vector_store %arg13[%swap3A_375, %swap3A_376], %gather3A_372 {strides = array<i32>} : memref<128x64xf32, #tpu.memory_space<vmem>>, vector<16xf32>,
      %iota3A_378 = tpu.iota {dimensions = array<i32: 0>} : vector<16xi32>
      %add3A_379 = arith.constant 32 : i32
      %add3A_380 = vector.broadcast %add3A_379 : i32 to vector<16xi32>
      %add3A_381 = arith.addi %iota3A_378, %add3A_380 : vector<16xi32>
      %gather3A_382 = tpu.vector_load_idx %arg20[%add3A_381, %broadcast_in_dim3A_357] : memref<64x128xf32, #tpu.memory_space<vmem>>[vector<16xi32>, vector<16xi32>], vector<16xf32>,
      %add3A_383 = arith.constant 5 : i32
      %add3A_384 = arith.addi %mul3A_25, %add3A_383 : i32
      %swap3A_385 = arith.index_cast %add3A_384 : i32 to index
      %swap3A_386 = arith.constant 32 : index
      %swap3A_387 = tpu.vector_load %arg13[%swap3A_385, %swap3A_386] {strides = array<i32>} : memref<128x64xf32, #tpu.memory_space<vmem>>, vector<16xf32>,
      tpu.vector_store %arg13[%swap3A_385, %swap3A_386], %gather3A_382 {strides = array<i32>} : memref<128x64xf32, #tpu.memory_space<vmem>>, vector<16xf32>,
      %iota3A_388 = tpu.iota {dimensions = array<i32: 0>} : vector<16xi32>
      %add3A_389 = arith.constant 48 : i32
      %add3A_390 = vector.broadcast %add3A_389 : i32 to vector<16xi32>
      %add3A_391 = arith.addi %iota3A_388, %add3A_390 : vector<16xi32>
      %gather3A_392 = tpu.vector_load_idx %arg20[%add3A_391, %broadcast_in_dim3A_357] : memref<64x128xf32, #tpu.memory_space<vmem>>[vector<16xi32>, vector<16xi32>], vector<16xf32>,
      %add3A_393 = arith.constant 5 : i32
      %add3A_394 = arith.addi %mul3A_25, %add3A_393 : i32
      %swap3A_395 = arith.index_cast %add3A_394 : i32 to index
      %swap3A_396 = arith.constant 48 : index
      %swap3A_397 = tpu.vector_load %arg13[%swap3A_395, %swap3A_396] {strides = array<i32>} : memref<128x64xf32, #tpu.memory_space<vmem>>, vector<16xf32>,
      tpu.vector_store %arg13[%swap3A_395, %swap3A_396], %gather3A_392 {strides = array<i32>} : memref<128x64xf32, #tpu.memory_space<vmem>>, vector<16xf32>,
      %dma_wait3A_398 = arith.constant 0 : i32
      %dma_wait3A_399 = tpu.memref_slice %arg3[%dma_wait3A_398, %multiple_of3A_94] : memref<64x1000001xf32, #tpu.memory_space<hbm>> -> memref<64x128xf32, #tpu.memory_space<hbm>>
      %dma_wait3A_400 = arith.constant 0 : i32
      %dma_wait3A_401 = tpu.memref_slice %arg3[%dma_wait3A_400, %multiple_of3A_94] : memref<64x1000001xf32, #tpu.memory_space<hbm>> -> memref<64x128xf32, #tpu.memory_space<hbm>>
      tpu.wait_dma2 semaphore(%arg31 : memref<!tpu.dma_semaphore, #tpu.memory_space<semaphore_mem>>) src(%dma_wait3A_401 : memref<64x128xf32, #tpu.memory_space<hbm>>) dst(%arg21 : memref<64x128xf32, #tpu.memory_space<vmem>>)
      %slice3A_402 = vector.extract_strided_slice %get3A_26 {offsets = [6], sizes = [1], strides = [1]} : vector<16xi32> to vector<1xi32>
      %squeeze3A_403 = vector.extract %slice3A_402[0] : i32 from vector<1xi32>
      %and3A_404 = arith.constant 127 : i32
      %and3A_405 = arith.andi %squeeze3A_403, %and3A_404 : i32
      %broadcast_in_dim3A_406 = vector.broadcast %and3A_405 : i32 to vector<16xi32>
      %iota3A_407 = tpu.iota {dimensions = array<i32: 0>} : vector<16xi32>
      %add3A_408 = arith.constant 0 : i32
      %add3A_409 = vector.broadcast %add3A_408 : i32 to vector<16xi32>
      %add3A_410 = arith.addi %iota3A_407, %add3A_409 : vector<16xi32>
      %gather3A_411 = tpu.vector_load_idx %arg21[%add3A_410, %broadcast_in_dim3A_406] : memref<64x128xf32, #tpu.memory_space<vmem>>[vector<16xi32>, vector<16xi32>], vector<16xf32>,
      %add3A_412 = arith.constant 6 : i32
      %add3A_413 = arith.addi %mul3A_25, %add3A_412 : i32
      %swap3A_414 = arith.index_cast %add3A_413 : i32 to index
      %swap3A_415 = arith.constant 0 : index
      %swap3A_416 = tpu.vector_load %arg13[%swap3A_414, %swap3A_415] {strides = array<i32>} : memref<128x64xf32, #tpu.memory_space<vmem>>, vector<16xf32>,
      tpu.vector_store %arg13[%swap3A_414, %swap3A_415], %gather3A_411 {strides = array<i32>} : memref<128x64xf32, #tpu.memory_space<vmem>>, vector<16xf32>,
      %iota3A_417 = tpu.iota {dimensions = array<i32: 0>} : vector<16xi32>
      %add3A_418 = arith.constant 16 : i32
      %add3A_419 = vector.broadcast %add3A_418 : i32 to vector<16xi32>
      %add3A_420 = arith.addi %iota3A_417, %add3A_419 : vector<16xi32>
      %gather3A_421 = tpu.vector_load_idx %arg21[%add3A_420, %broadcast_in_dim3A_406] : memref<64x128xf32, #tpu.memory_space<vmem>>[vector<16xi32>, vector<16xi32>], vector<16xf32>,
      %add3A_422 = arith.constant 6 : i32
      %add3A_423 = arith.addi %mul3A_25, %add3A_422 : i32
      %swap3A_424 = arith.index_cast %add3A_423 : i32 to index
      %swap3A_425 = arith.constant 16 : index
      %swap3A_426 = tpu.vector_load %arg13[%swap3A_424, %swap3A_425] {strides = array<i32>} : memref<128x64xf32, #tpu.memory_space<vmem>>, vector<16xf32>,
      tpu.vector_store %arg13[%swap3A_424, %swap3A_425], %gather3A_421 {strides = array<i32>} : memref<128x64xf32, #tpu.memory_space<vmem>>, vector<16xf32>,
      %iota3A_427 = tpu.iota {dimensions = array<i32: 0>} : vector<16xi32>
      %add3A_428 = arith.constant 32 : i32
      %add3A_429 = vector.broadcast %add3A_428 : i32 to vector<16xi32>
      %add3A_430 = arith.addi %iota3A_427, %add3A_429 : vector<16xi32>
      %gather3A_431 = tpu.vector_load_idx %arg21[%add3A_430, %broadcast_in_dim3A_406] : memref<64x128xf32, #tpu.memory_space<vmem>>[vector<16xi32>, vector<16xi32>], vector<16xf32>,
      %add3A_432 = arith.constant 6 : i32
      %add3A_433 = arith.addi %mul3A_25, %add3A_432 : i32
      %swap3A_434 = arith.index_cast %add3A_433 : i32 to index
      %swap3A_435 = arith.constant 32 : index
      %swap3A_436 = tpu.vector_load %arg13[%swap3A_434, %swap3A_435] {strides = array<i32>} : memref<128x64xf32, #tpu.memory_space<vmem>>, vector<16xf32>,
      tpu.vector_store %arg13[%swap3A_434, %swap3A_435], %gather3A_431 {strides = array<i32>} : memref<128x64xf32, #tpu.memory_space<vmem>>, vector<16xf32>,
      %iota3A_437 = tpu.iota {dimensions = array<i32: 0>} : vector<16xi32>
      %add3A_438 = arith.constant 48 : i32
      %add3A_439 = vector.broadcast %add3A_438 : i32 to vector<16xi32>
      %add3A_440 = arith.addi %iota3A_437, %add3A_439 : vector<16xi32>
      %gather3A_441 = tpu.vector_load_idx %arg21[%add3A_440, %broadcast_in_dim3A_406] : memref<64x128xf32, #tpu.memory_space<vmem>>[vector<16xi32>, vector<16xi32>], vector<16xf32>,
      %add3A_442 = arith.constant 6 : i32
      %add3A_443 = arith.addi %mul3A_25, %add3A_442 : i32
      %swap3A_444 = arith.index_cast %add3A_443 : i32 to index
      %swap3A_445 = arith.constant 48 : index
      %swap3A_446 = tpu.vector_load %arg13[%swap3A_444, %swap3A_445] {strides = array<i32>} : memref<128x64xf32, #tpu.memory_space<vmem>>, vector<16xf32>,
      tpu.vector_store %arg13[%swap3A_444, %swap3A_445], %gather3A_441 {strides = array<i32>} : memref<128x64xf32, #tpu.memory_space<vmem>>, vector<16xf32>,
      %dma_wait3A_447 = arith.constant 0 : i32
      %dma_wait3A_448 = tpu.memref_slice %arg3[%dma_wait3A_447, %multiple_of3A_105] : memref<64x1000001xf32, #tpu.memory_space<hbm>> -> memref<64x128xf32, #tpu.memory_space<hbm>>
      %dma_wait3A_449 = arith.constant 0 : i32
      %dma_wait3A_450 = tpu.memref_slice %arg3[%dma_wait3A_449, %multiple_of3A_105] : memref<64x1000001xf32, #tpu.memory_space<hbm>> -> memref<64x128xf32, #tpu.memory_space<hbm>>
      tpu.wait_dma2 semaphore(%arg31 : memref<!tpu.dma_semaphore, #tpu.memory_space<semaphore_mem>>) src(%dma_wait3A_450 : memref<64x128xf32, #tpu.memory_space<hbm>>) dst(%arg22 : memref<64x128xf32, #tpu.memory_space<vmem>>)
      %slice3A_451 = vector.extract_strided_slice %get3A_26 {offsets = [7], sizes = [1], strides = [1]} : vector<16xi32> to vector<1xi32>
      %squeeze3A_452 = vector.extract %slice3A_451[0] : i32 from vector<1xi32>
      %and3A_453 = arith.constant 127 : i32
      %and3A_454 = arith.andi %squeeze3A_452, %and3A_453 : i32
      %broadcast_in_dim3A_455 = vector.broadcast %and3A_454 : i32 to vector<16xi32>
      %iota3A_456 = tpu.iota {dimensions = array<i32: 0>} : vector<16xi32>
      %add3A_457 = arith.constant 0 : i32
      %add3A_458 = vector.broadcast %add3A_457 : i32 to vector<16xi32>
      %add3A_459 = arith.addi %iota3A_456, %add3A_458 : vector<16xi32>
      %gather3A_460 = tpu.vector_load_idx %arg22[%add3A_459, %broadcast_in_dim3A_455] : memref<64x128xf32, #tpu.memory_space<vmem>>[vector<16xi32>, vector<16xi32>], vector<16xf32>,
      %add3A_461 = arith.constant 7 : i32
      %add3A_462 = arith.addi %mul3A_25, %add3A_461 : i32
      %swap3A_463 = arith.index_cast %add3A_462 : i32 to index
      %swap3A_464 = arith.constant 0 : index
      %swap3A_465 = tpu.vector_load %arg13[%swap3A_463, %swap3A_464] {strides = array<i32>} : memref<128x64xf32, #tpu.memory_space<vmem>>, vector<16xf32>,
      tpu.vector_store %arg13[%swap3A_463, %swap3A_464], %gather3A_460 {strides = array<i32>} : memref<128x64xf32, #tpu.memory_space<vmem>>, vector<16xf32>,
      %iota3A_466 = tpu.iota {dimensions = array<i32: 0>} : vector<16xi32>
      %add3A_467 = arith.constant 16 : i32
      %add3A_468 = vector.broadcast %add3A_467 : i32 to vector<16xi32>
      %add3A_469 = arith.addi %iota3A_466, %add3A_468 : vector<16xi32>
      %gather3A_470 = tpu.vector_load_idx %arg22[%add3A_469, %broadcast_in_dim3A_455] : memref<64x128xf32, #tpu.memory_space<vmem>>[vector<16xi32>, vector<16xi32>], vector<16xf32>,
      %add3A_471 = arith.constant 7 : i32
      %add3A_472 = arith.addi %mul3A_25, %add3A_471 : i32
      %swap3A_473 = arith.index_cast %add3A_472 : i32 to index
      %swap3A_474 = arith.constant 16 : index
      %swap3A_475 = tpu.vector_load %arg13[%swap3A_473, %swap3A_474] {strides = array<i32>} : memref<128x64xf32, #tpu.memory_space<vmem>>, vector<16xf32>,
      tpu.vector_store %arg13[%swap3A_473, %swap3A_474], %gather3A_470 {strides = array<i32>} : memref<128x64xf32, #tpu.memory_space<vmem>>, vector<16xf32>,
      %iota3A_476 = tpu.iota {dimensions = array<i32: 0>} : vector<16xi32>
      %add3A_477 = arith.constant 32 : i32
      %add3A_478 = vector.broadcast %add3A_477 : i32 to vector<16xi32>
      %add3A_479 = arith.addi %iota3A_476, %add3A_478 : vector<16xi32>
      %gather3A_480 = tpu.vector_load_idx %arg22[%add3A_479, %broadcast_in_dim3A_455] : memref<64x128xf32, #tpu.memory_space<vmem>>[vector<16xi32>, vector<16xi32>], vector<16xf32>,
      %add3A_481 = arith.constant 7 : i32
      %add3A_482 = arith.addi %mul3A_25, %add3A_481 : i32
      %swap3A_483 = arith.index_cast %add3A_482 : i32 to index
      %swap3A_484 = arith.constant 32 : index
      %swap3A_485 = tpu.vector_load %arg13[%swap3A_483, %swap3A_484] {strides = array<i32>} : memref<128x64xf32, #tpu.memory_space<vmem>>, vector<16xf32>,
      tpu.vector_store %arg13[%swap3A_483, %swap3A_484], %gather3A_480 {strides = array<i32>} : memref<128x64xf32, #tpu.memory_space<vmem>>, vector<16xf32>,
      %iota3A_486 = tpu.iota {dimensions = array<i32: 0>} : vector<16xi32>
      %add3A_487 = arith.constant 48 : i32
      %add3A_488 = vector.broadcast %add3A_487 : i32 to vector<16xi32>
      %add3A_489 = arith.addi %iota3A_486, %add3A_488 : vector<16xi32>
      %gather3A_490 = tpu.vector_load_idx %arg22[%add3A_489, %broadcast_in_dim3A_455] : memref<64x128xf32, #tpu.memory_space<vmem>>[vector<16xi32>, vector<16xi32>], vector<16xf32>,
      %add3A_491 = arith.constant 7 : i32
      %add3A_492 = arith.addi %mul3A_25, %add3A_491 : i32
      %swap3A_493 = arith.index_cast %add3A_492 : i32 to index
      %swap3A_494 = arith.constant 48 : index
      %swap3A_495 = tpu.vector_load %arg13[%swap3A_493, %swap3A_494] {strides = array<i32>} : memref<128x64xf32, #tpu.memory_space<vmem>>, vector<16xf32>,
      tpu.vector_store %arg13[%swap3A_493, %swap3A_494], %gather3A_490 {strides = array<i32>} : memref<128x64xf32, #tpu.memory_space<vmem>>, vector<16xf32>,
      %scan3A_496 = arith.constant 0 : i32
      %scan3A_497 = arith.constant 1 : i32
      "tpu.region"() ({
        %run_scoped3A = tpu.sem_alloc : memref<!tpu.dma_semaphore, #tpu.memory_space<semaphore_mem>>
        %dma_start3A_498 = arith.constant 0 : i32
        %dma_start3A_499 = arith.constant 0 : i32
        %dma_start3A_500 = tpu.memref_slice %arg13[%dma_start3A_498, %dma_start3A_499] : memref<128x64xf32, #tpu.memory_space<vmem>> -> memref<8x64xf32, #tpu.memory_space<vmem>>
        %dma_start3A_501 = arith.constant 0 : i32
        %dma_start3A_502 = tpu.memref_slice %arg11[%mul3A_21, %dma_start3A_501] : memref<64x64xf32, #tpu.memory_space<hbm>> -> memref<8x64xf32, #tpu.memory_space<hbm>>
        %dma_start3A_503 = arith.constant 0 : i32
        %dma_start3A_504 = tpu.memref_slice %arg11[%mul3A_21, %dma_start3A_503] : memref<64x64xf32, #tpu.memory_space<hbm>> -> memref<8x64xf32, #tpu.memory_space<hbm>>
        %dma_start3A_505 = arith.constant 0 : i32
        %dma_start3A_506 = arith.constant 0 : i32
        %dma_start3A_507 = tpu.memref_slice %arg13[%dma_start3A_505, %dma_start3A_506] : memref<128x64xf32, #tpu.memory_space<vmem>> -> memref<8x64xf32, #tpu.memory_space<vmem>>
        tpu.enqueue_dma source(%dma_start3A_507 : memref<8x64xf32, #tpu.memory_space<vmem>>) target(%dma_start3A_504 : memref<8x64xf32, #tpu.memory_space<hbm>>) target_semaphore(%run_scoped3A : memref<!tpu.dma_semaphore, #tpu.memory_space<semaphore_mem>>)
        %dma_wait3A_508 = arith.constant 0 : i32
        %dma_wait3A_509 = arith.constant 0 : i32
        %dma_wait3A_510 = tpu.memref_slice %arg13[%dma_wait3A_508, %dma_wait3A_509] : memref<128x64xf32, #tpu.memory_space<vmem>> -> memref<8x64xf32, #tpu.memory_space<vmem>>
        %dma_wait3A_511 = arith.constant 0 : i32
        %dma_wait3A_512 = tpu.memref_slice %arg11[%mul3A_21, %dma_wait3A_511] : memref<64x64xf32, #tpu.memory_space<hbm>> -> memref<8x64xf32, #tpu.memory_space<hbm>>
        %dma_wait3A_513 = arith.constant 0 : i32
        %dma_wait3A_514 = tpu.memref_slice %arg11[%mul3A_21, %dma_wait3A_513] : memref<64x64xf32, #tpu.memory_space<hbm>> -> memref<8x64xf32, #tpu.memory_space<hbm>>
        %dma_wait3A_515 = arith.constant 0 : i32
        %dma_wait3A_516 = arith.constant 0 : i32
        %dma_wait3A_517 = tpu.memref_slice %arg13[%dma_wait3A_515, %dma_wait3A_516] : memref<128x64xf32, #tpu.memory_space<vmem>> -> memref<8x64xf32, #tpu.memory_space<vmem>>
        tpu.wait_dma2 semaphore(%run_scoped3A : memref<!tpu.dma_semaphore, #tpu.memory_space<semaphore_mem>>) src(%dma_wait3A_517 : memref<8x64xf32, #tpu.memory_space<vmem>>) dst(%dma_wait3A_514 : memref<8x64xf32, #tpu.memory_space<hbm>>)
        tpu.yield
      }) : () -> ()
    } else {
    }
    return
  }
}

module attributes {stable_mosaic.version = 14 : i64} {
  func.func @_tc_body(%arg0: memref<4096x64xf32, #tpu.memory_space<vmem>>, %arg1: memref<4096x64xf32, #tpu.memory_space<vmem>>, %arg2: memref<4096x16xf32, #tpu.memory_space<vmem>>, %arg3: memref<64x64xf32, #tpu.memory_space<vmem>>, %arg4: memref<1x64xf32, #tpu.memory_space<vmem>>, %arg5: memref<1x1xf32, #tpu.memory_space<smem>>) attributes {dimension_semantics = [], scalar_prefetch = 0 : i64, scratch_operands = 0 : i64, tpu.core_type = #tpu.core_type<tc>} {
    %get3A = arith.constant 0 : index
    %get3A_0 = arith.constant 0 : index
    %get3A_1 = vector.load %arg2[%get3A, %get3A_0] : memref<4096x16xf32, #tpu.memory_space<vmem>>, vector<4096x1xf32>
    %get3A_2 = arith.constant 0 : index
    %get3A_3 = arith.constant 0 : index
    %get3A_4 = vector.load %arg0[%get3A_2, %get3A_3] : memref<4096x64xf32, #tpu.memory_space<vmem>>, vector<4096x64xf32>
    %get3A_5 = arith.constant 0 : index
    %get3A_6 = arith.constant 0 : index
    %get3A_7 = vector.load %arg4[%get3A_5, %get3A_6] : memref<1x64xf32, #tpu.memory_space<vmem>>, vector<1x64xf32>
    %add3A = vector.broadcast %get3A_7 : vector<1x64xf32> to vector<4096x64xf32>
    %add3A_8 = arith.addf %get3A_4, %add3A : vector<4096x64xf32>
    %get3A_9 = arith.constant 0 : index
    %get3A_10 = arith.constant 0 : index
    %get3A_11 = vector.load %arg1[%get3A_9, %get3A_10] : memref<4096x64xf32, #tpu.memory_space<vmem>>, vector<4096x64xf32>
    %mul3A = arith.mulf %get3A_11, %add3A_8 : vector<4096x64xf32>
    %reduce_sum3A = arith.constant dense<0.000000e+00> : vector<4096xf32>
    %reduce_sum3A_12 = vector.multi_reduction <add>, %mul3A, %reduce_sum3A [1] : vector<4096x64xf32> to vector<4096xf32>
    %broadcast_in_dim3A = vector.shape_cast %reduce_sum3A_12 : vector<4096xf32> to vector<4096x1xf32>
    %add3A_13 = arith.addf %broadcast_in_dim3A, %get3A_1 : vector<4096x1xf32>
    %neg3A = arith.constant 0.000000e+00 : f32
    %neg3A_14 = vector.broadcast %neg3A : f32 to vector<4096x1xf32>
    %neg3A_15 = arith.subf %neg3A_14, %add3A_13 : vector<4096x1xf32>
    %exp3A = math.exp %neg3A_15 : vector<4096x1xf32>
    %add3A_16 = arith.constant 1.000000e+00 : f32
    %add3A_17 = vector.broadcast %add3A_16 : f32 to vector<4096x1xf32>
    %add3A_18 = arith.addf %add3A_17, %exp3A : vector<4096x1xf32>
    %mul3A_19 = arith.constant 5.000000e-01 : f32
    %mul3A_20 = vector.broadcast %mul3A_19 : f32 to vector<4096x1xf32>
    %mul3A_21 = arith.mulf %mul3A_20, %add3A_18 : vector<4096x1xf32>
    %log3A = math.log %mul3A_21 : vector<4096x1xf32>
    %get3A_22 = arith.constant 0 : index
    %get3A_23 = arith.constant 0 : index
    %get3A_24 = vector.load %arg3[%get3A_22, %get3A_23] : memref<64x64xf32, #tpu.memory_space<vmem>>, vector<64x64xf32>
    %dot_general3A = arith.constant dense<0.000000e+00> : vector<4096x64xf32>
    %dot_general3A_25 = tpu.matmul %add3A_8, %get3A_24, %dot_general3A {dimension_numbers = #tpu.dot_dimension_numbers<[1], [1], [0], [0], [0, 0, 1, 0], [], []>, transpose_lhs_hint = false} : vector<4096x64xf32>, vector<64x64xf32>, vector<4096x64xf32> -> vector<4096x64xf32>
    %add3A_26 = vector.broadcast %get3A_1 : vector<4096x1xf32> to vector<4096x64xf32>
    %add3A_27 = arith.addf %dot_general3A_25, %add3A_26 : vector<4096x64xf32>
    %exp3A_28 = math.exp %add3A_27 : vector<4096x64xf32>
    %add3A_29 = arith.constant 1.000000e+00 : f32
    %add3A_30 = vector.broadcast %add3A_29 : f32 to vector<4096x64xf32>
    %add3A_31 = arith.addf %add3A_30, %exp3A_28 : vector<4096x64xf32>
    %mul3A_32 = arith.constant 5.000000e-01 : f32
    %mul3A_33 = vector.broadcast %mul3A_32 : f32 to vector<4096x64xf32>
    %mul3A_34 = arith.mulf %mul3A_33, %add3A_31 : vector<4096x64xf32>
    %log3A_35 = math.log %mul3A_34 : vector<4096x64xf32>
    %reduce_sum3A_36 = arith.constant dense<0.000000e+00> : vector<4096xf32>
    %reduce_sum3A_37 = vector.multi_reduction <add>, %log3A_35, %reduce_sum3A_36 [1] : vector<4096x64xf32> to vector<4096xf32>
    %broadcast_in_dim3A_38 = vector.shape_cast %reduce_sum3A_37 : vector<4096xf32> to vector<4096x1xf32>
    %add3A_39 = arith.addf %log3A, %broadcast_in_dim3A_38 : vector<4096x1xf32>
    %reduce_sum3A_40 = vector.shape_cast %add3A_39 : vector<4096x1xf32> to vector<1x4096x1xf32>
    %reduce_sum3A_41 = arith.constant dense<0.000000e+00> : vector<1xf32>
    %reduce_sum3A_42 = vector.multi_reduction <add>, %reduce_sum3A_40, %reduce_sum3A_41 [1, 2] : vector<1x4096x1xf32> to vector<1xf32>
    %reduce_sum3A_43 = vector.shape_cast %reduce_sum3A_42 : vector<1xf32> to vector<1x1x1xf32>
    %reduce_sum3A_44 = vector.extract %reduce_sum3A_43[0, 0, 0] : f32 from vector<1x1x1xf32>
    %mul3A_45 = arith.constant 2.44140625E-4 : f32
    %mul3A_46 = arith.mulf %reduce_sum3A_44, %mul3A_45 : f32
    %add3A_47 = arith.constant 45.0545654 : f32
    %add3A_48 = arith.addf %mul3A_46, %add3A_47 : f32
    %swap3A = arith.constant 0 : index
    %swap3A_49 = arith.constant 0 : index
    %swap3A_50 = memref.load %arg5[%swap3A, %swap3A_49] : memref<1x1xf32, #tpu.memory_space<smem>>
    memref.store %add3A_48, %arg5[%swap3A, %swap3A_49] : memref<1x1xf32, #tpu.memory_space<smem>>
    return
  }
}

</mosaic_0001>

<sc_bundles>
// kernel: kernel.4.cloned.1.call-start
scs
__scs_entry_jumppad:
0x0: {  	(pc) =	sbr.rel $0x88, $3  }
0x1: {  	(tag) =	ssettag $0x0;
	lr =	simm.s32 $0x1  }
0x2: {  	[smem:$0x3F9B] =	sst lr;
	_ =	strace $0xD0000000  }
0x3: {  	_ = 	snop  }
0x4: {  	_ = 	snop  }
0x5: {  	_ = 	snop  }
0x6: {  	_ = 	snop  }
0x7: {  	_ = 	snop  }
__scs_overlays_trampoline_lowered:
0x8: {  	[smem:$0x3FAA] =	sst s0  }
0x9: {  	[smem:$0x3FAB] =	sst s1  }
0xa: {  	[smem:$0x3FAC] =	sst s2  }
0xb: {  	[smem:$0x3FAD] =	sst s3  }
0xc: {  	[smem:$0x3FAE] =	sst s4  }
0xd: {  	[smem:$0x3FAF] =	sst s5  }
0xe: {  	[smem:$0x3FB0] =	sst s6  }
0xf: {  	[smem:$0x3FB1] =	sst s7  }
0x10: {  	[smem:$0x3FB2] =	sst s8  }
0x11: {  	[smem:$0x3FB3] =	sst s9;
	s0 =	simm.s32 @!p0 $0x0  }
0x12: {  	s1 =	sld [smem:$0x3F99];
	s0 =	simm.s32 @p0 $0x1  }
0x13: {  	[smem:$0x3FB4] =	sst s0;
	s0 =	simm.s32 @!p1 $0x0  }
0x14: {  	s2 =	sld [smem:$0x3F98];
	s0 =	simm.s32 @p1 $0x1  }
0x15: {  	[smem:$0x3FB5] =	sst s0;
	s0 =	simm.s32 @!p2 $0x0  }
0x16: {  	s3 =	sld [smem:$0x3FDB];
	s0 =	simm.s32 @p2 $0x1  }
0x17: {  	s4 =	simm.s32 $0x1BF5;
	[smem:$0x3FB7] =	sst s0  }
0x18: {  	s0 =	sld [smem:$0x3F9A];
	_ =	swait.ge [sflag:s4], $0x0  }
0x19: {  	s7 =	sld [smem:$0x3F9B]  }
0x1a: {  	s8 =	sadd.s32 $0xFFFFE003, lr  }
0x1b: {  	s9 =	sadd.s32 $0xFFFFFEF7, lr;
	s5 =	simm.s32 $0xFFFFFFFF;
	p2 =	slt.u32 s8, $0xFFFFF086  }
0x1c: {  	p1 =	slt.u32 s9, $0xF7A;
	s5 =	simm.s32 @!p2 $0x0  }
0x1d: {  	s5 =	simm.s32 @p1 $0x1;
	p0 =	seq.s32 s7, s2  }
0x1e: {  	s7 =	smul.u32 @!p0 $0xF7A, s2;
	p2 =	seq.s32 @!p0 s5, $0x0  }
0x1f: {  	s9 =	smul.u32 $0xF7A, s1;
	s8 =	simm.s32 @!p0 $0x1BF5;
	p2 =	por !p2, p0  }
0x20: {  	[sflag:s8] =	ssyncset.s32 @!p0 $0xFFFFF086;
	s6 =	sadd.s32 @!p0 s3, s7;
	s7 =	simm.s32 @!p0 $0x108  }
0x21: {  	s3 =	sadd.s32 s3, s9;
	s6 =	sadd.s32 @!p0 $0x88, s6;
	s7 =	simm.s32 @p2 $0x1082  }
0x22: {  	[simem:s7], [sflag:s8] =	dma.local @!p0 [hbm:s6], $0xF7A  }
0x23: {  	s9 =	sor.u32 $0xD0000000, s2;
	s6 =	simm.s32 $0x108;
	_ =	swait.ge @!p0 [sflag:s8], $0x0  }
0x24: {  	s3 =	sadd.s32 $0x88, s3;
	s6 =	simm.s32 @!p1 $0x1082;
	[sflag:s4] =	ssyncset.s32 $0xFFFFF086  }
0x25: {  	[simem:s6], [sflag:s4] =	dma.local [hbm:s3], $0xF7A  }
0x26: {  	[smem:$0x3F9B] =	sst s1;
	(tag) =	ssettag s2;
	_ =	strace s9  }
0x27: {  	s1 =	sld [smem:$0x3FAB]  }
0x28: {  	s2 =	sld [smem:$0x3FAC]  }
0x29: {  	s4 =	sld [smem:$0x3FAE]  }
0x2a: {  	p0 =	seq.s32 s5, $0x0;
	s5 =	sld [smem:$0x3FAF]  }
0x2b: {  	s6 =	sld [smem:$0x3FB0]  }
0x2c: {  	s7 =	sld [smem:$0x3FB1]  }
0x2d: {  	s3 =	simm.s32 $0x108;
	s8 =	sld [smem:$0x3FB2]  }
0x2e: {  	s3 =	simm.s32 @!p0 $0x1082;
	s9 =	sld [smem:$0x3FB3]  }
0x2f: {  	lr =	sadd.s32 s0, s3;
	s0 =	sld [smem:$0x3FAA]  }
0x30: {  	s3 =	sld [smem:$0x3FAD]  }
0x31: {  	[smem:$0x3FB6] =	sst s10  }
0x32: {  	s10 =	sld [smem:$0x3FB4];
	_ =	sdelay $0x3  }
0x33: {  	p0 =	seq.s32 s10, $0x1;
	s10 =	sld [smem:$0x3FB6];
	_ =	sdelay $0x3  }
0x34: {  	[smem:$0x3FB6] =	sst s10  }
0x35: {  	s10 =	sld [smem:$0x3FB5];
	_ =	sdelay $0x3  }
0x36: {  	p1 =	seq.s32 s10, $0x1;
	s10 =	sld [smem:$0x3FB6];
	_ =	sdelay $0x3  }
0x37: {  	[smem:$0x3FB6] =	sst s10  }
0x38: {  	s10 =	sld [smem:$0x3FB7]  }
0x39: {  	_ = 	snop;
	(pc) =	sbr.ind lr, $3  }
0x3a: {  	_ = 	snop  }
0x3b: {  	_ = 	snop  }
0x3c: {  	p2 =	seq.s32 s10, $0x1;
	s10 =	sld [smem:$0x3FB6]  }
0x3d: {  	_ =	shalt  }
0x3e: {  	_ =	shalt  }
0x3f: {  	_ =	shalt  }
0x40: {  	_ =	shalt  }
0x41: {  	_ =	shalt  }
0x42: {  	_ =	shalt  }
0x43: {  	_ =	shalt  }
0x44: {  	_ =	shalt  }
0x45: {  	_ =	shalt  }
0x46: {  	_ =	shalt  }
0x47: {  	_ =	shalt  }
0x48: {  	_ =	shalt  }
0x49: {  	_ =	shalt  }
0x4a: {  	_ =	shalt  }
0x4b: {  	_ =	shalt  }
0x4c: {  	_ =	shalt  }
0x4d: {  	_ =	shalt  }
0x4e: {  	_ =	shalt  }
0x4f: {  	_ =	shalt  }
0x50: {  	_ =	shalt  }
0x51: {  	_ =	shalt  }
0x52: {  	_ =	shalt  }
0x53: {  	_ =	shalt  }
0x54: {  	_ =	shalt  }
0x55: {  	_ =	shalt  }
0x56: {  	_ =	shalt  }
0x57: {  	_ =	shalt  }
0x58: {  	_ =	shalt  }
0x59: {  	_ =	shalt  }
0x5a: {  	_ =	shalt  }
0x5b: {  	_ =	shalt  }
0x5c: {  	_ =	shalt  }
0x5d: {  	_ =	shalt  }
0x5e: {  	_ =	shalt  }
0x5f: {  	_ =	shalt  }
0x60: {  	_ =	shalt  }
0x61: {  	_ =	shalt  }
0x62: {  	_ =	shalt  }
0x63: {  	_ =	shalt  }
0x64: {  	_ =	shalt  }
0x65: {  	_ =	shalt  }
0x66: {  	_ =	shalt  }
0x67: {  	_ =	shalt  }
0x68: {  	_ =	shalt  }
0x69: {  	_ =	shalt  }
0x6a: {  	_ =	shalt  }
0x6b: {  	_ =	shalt  }
0x6c: {  	_ =	shalt  }
0x6d: {  	_ =	shalt  }
0x6e: {  	_ =	shalt  }
0x6f: {  	_ =	shalt  }
0x70: {  	_ =	shalt  }
0x71: {  	_ =	shalt  }
0x72: {  	_ =	shalt  }
0x73: {  	_ =	shalt  }
0x74: {  	_ =	shalt  }
0x75: {  	_ =	shalt  }
0x76: {  	_ =	shalt  }
0x77: {  	_ =	shalt  }
0x78: {  	_ =	shalt  }
0x79: {  	_ =	shalt  }
0x7a: {  	_ =	shalt  }
0x7b: {  	_ =	shalt  }
0x7c: {  	_ =	shalt  }
0x7d: {  	_ =	shalt  }
0x7e: {  	_ =	shalt  }
0x7f: {  	_ =	shalt  }
0x80: {  	_ =	shalt  }
0x81: {  	_ =	shalt  }
0x82: {  	_ =	shalt  }
0x83: {  	_ =	shalt  }
0x84: {  	_ =	shalt  }
0x85: {  	_ =	shalt  }
0x86: {  	_ =	shalt  }
0x87: {  	_ =	shalt  }
.Lfunc_end0:
.L_simem_size_0:
called_computation_lowered:
.L_overlay_start_0:
0x88: {  	s2 =	sld [smem:$0x3FD9]  }
0x89: {  	s3 =	sld [smem:$0x3FFE];
	_ =	sdelay $0x1  }
0x8a: {  	s1 =	srdreg.scid  }
0x8b: {  	s0 =	sand.u32 $0x1, s1  }
0x8c: {  	s17 =	sshll.u32 s0, $0xA;
	s2 =	sadd.s32 s3, s2  }
0x8d: {  	s2 =	sadd.s32 s2, s17  }
0x8e: {  	[smem:$0x3FC2] =	sst s2  }
0x8f: {  	_ = 	snop  }
0x90: {  	s2 =	sld [smem:$0x3FC9]  }
0x91: {  	s18 =	sld [smem:$0x3FC8]  }
0x92: {  	s4 =	sld [smem:$0x3FC6]  }
0x93: {  	s5 =	sld [smem:$0x3FC4];
	(tm) =	ssettm $0x1  }
0x94: {  	s6 =	sld [smem:$0x3FFB];
	_ =	sdelay $0x3  }
0x95: {  	_ =	strace s6  }
0x96: {  	s6 =	sld [smem:$0x3FFC];
	_ =	sdelay $0x3  }
0x97: {  	_ =	strace s6  }
0x98: {  	s6 =	sld [smem:$0x3FFD];
	_ =	sdelay $0x3  }
0x99: {  	_ =	strace s6  }
0x9a: {  	_ =	strace $0x8FFFFFFF  }
0x9b: {  	s19 =	sld [smem:$0x3FDB];
	_ =	sdelay $0x1  }
0x9c: {  	s7 =	simm.s32 $_scs_section_size  }
0x9d: {  	s8 =	simm.s32 $_size__tile_overlayer_lowered;
	s9 =	simm.s32 $_tile_overlayer_lowered  }
0x9e: {  	s22 =	simm.s32 $0x1BFF;
	s21 =	sshll.u32 s9, $0x1;
	s6 =	sadd.s32 s7, s19  }
0x9f: {  	s10 =	simm.s32 $0x0;
	s20 =	sshll.u32 s8, $0x1;
	s8 =	sadd.s32 s21, s6  }
0xa0: {  	[timem:s10], [sflag:s22] =	dma.local [hbm:s8], s20  }
0xa1: {  	_ =	swait.ge [sflag:s22], s20  }
0xa2: {  	s7 =	ssub.s32 $0x0, s20;
	[sflag:s22] =	ssyncset.done $0x0  }
0xa3: {  	[sflag:s22] =	ssyncadd.s32 s7;
	_ =	sdelay $0x1  }
0xa4: {  	s23 =	simm.s32 $0x1B8B  }
0xa5: {  	_ =	swait.ge [sflag:s23], $0x1  }
0xa6: {  	[sflag:s23] =	ssyncset.done $0x0  }
0xa7: {  	s25 =	simm.s32 $0x1B8E;
	s24 =	sld [smem:$0x3FFE];
	[sflag:s23] =	ssyncadd.s32 $0xFFFFFFFF  }
0xa8: {  	s26 =	simm.s32 $execute0_lowered;
	[smem:$0x3FD2] =	sst s25  }
0xa9: {  	s8 =	sshll.u32 s26, $0x1;
	_ =	strace $0x80000046;
	[dreg:$0x1] =	wrdreg $0xFFFFFFFF  }
0xaa: {  	s28 =	simm.s32 $_size_execute0_lowered;
	s6 =	sadd.s32 s6, s8;
	[dreg:$0x0] =	wrdreg $0x0  }
0xab: {  	s8 =	sshll.u32 s28, $0x1;
	[dreg:$0x2] =	wrdreg s6  }
0xac: {  	[dreg:$0x3] =	wrdreg s8  }
0xad: {  	[dreg:$0x4] =	wrdreg $0xC0  }
0xae: {  	_ =	task [dreg:s10], $0x5FFFF  }
0xaf: {  	[dreg:$0x1] =	wrdreg $0xFFFFFFFF  }
0xb0: {  	[dreg:$0x0] =	wrdreg $0x60  }
0xb1: {  	[dreg:$0x2] =	wrdreg s2  }
0xb2: {  	[dreg:$0x3] =	wrdreg s18  }
0xb3: {  	[dreg:$0x4] =	wrdreg s4  }
0xb4: {  	[dreg:$0x5] =	wrdreg s24  }
0xb5: {  	[dreg:$0x6] =	wrdreg s5  }
0xb6: {  	[dreg:$0x7] =	wrdreg $0x9  }
0xb7: {  	_ =	task.clear_ibuf [dreg:s10], $0x8FFFF;
	_ =	strace $0x90000046  }
0xb8: {  	s29 =	simm.s32 $0x9;
	_ =	strace $0x80000048  }
0xb9: {  	_ =	swait.ge [sflag:s29], $0x1  }
0xba: {  	[sflag:s29] =	ssyncadd.s32 $0xFFFFFFFF  }
0xbb: {  	_ =	strace $0x90000048  }
0xbc: {  	_ =	sfence  }
0xbd: {  	s30 =	sld [smem:$0x0];
	_ =	sdelay $0x2  }
0xbe: {  	s31 =	sshll.u32 s1, $0xD;
	s1 =	sshrl.u32 s1, $0x2  }
0xbf: {  	s3 =	sand.u32 $0x4000, s31;
	s1 =	sadd.s32 s1, s30  }
0xc0: {  	s0 =	sor.u32 s3, s0;
	s1 =	sshll.u32 s1, $0x11  }
0xc1: {  	s0 =	sor.u32 s1, s0  }
0xc2: {  	s0 =	sadd.s32 $0x8F2B, s0  }
0xc3: {  	[sflag:s0] =	ssyncadd.remote.s32 $0x1  }
0xc4: {  	_ =	sfence.sel $0xFFFF  }
0xc5: {  	[dreg:$0x0] =	wrdreg $0xFFFFFFFF;
	(pc) =	sbr.abs _section_cstart, $3  }
0xc6: {  	[dreg:$0x1] =	wrdreg $0xFFFFFFFF  }
0xc7: {  	_ =	task.clear_ibuf [dreg:s10], $0x2FFFF;
	_ =	strace $0x9FFFFFFF  }
0xc8: {  	(tm) =	ssettm $0x7FFFFFFF  }
0xc9: {  	_ =	shalt  }
tec
execute0_lowered:
.L_overlay_start_1:
0x0: {  	(tag) =	ssettag $0x1  }
0x1: {  	s0 =	rddreg [dreg:$0x0]  }
0x2: {  	s1 =	rddreg [dreg:$0x3]  }
0x3: {  	s4 =	srdreg.scid;
	s12 =	stileid.u32  }
0x4: {  	s6 =	rddreg [dreg:$0x4];
	s2 =	simm.s32 $0x0;
	s14 =	simm.s32 $0x3  }
0x5: {  	s15 =	simm.s32 $0x400;
	s16 =	simm.s32 $0x7A1400;
	s17 =	simm.s32 $0x8100  }
0x6: {  	s18 =	simm.s32 $0xA100;
	s19 =	simm.s32 $0xC100;
	s20 =	simm.s32 $0xE100  }
0x7: {  	s21 =	simm.s32 $0x10100;
	s22 =	simm.s32 $0x12100;
	s23 =	simm.s32 $0x14100  }
0x8: {  	s24 =	simm.s32 $0x16100;
	s4 =	sand.u32 $0x1, s4;
	s7 =	sshll.u32 s12, $0x1  }
0x9: {  	s25 =	simm.s32 $0x1;
	[smem:$0x7FF] =	sst s2;
	s7 =	sor.u32 s4, s7  }
0xa: {  	_ =	strace $0x80000047;
	s4 =	ssub.s32 $0x2, s4;
	s8 =	sshll.u32 s7, $0x4  }
0xb: {  	s9 =	sshll.u32 s7, $0xB;
	s6 =	sadd.s32 s6, s7;
	s8 =	sadd.s32 s8, s1  }
0xc: {  	s9 =	sadd.s32 s9, s1;
	[dreg:$0xb] =	wrdreg s6;
	s26 =	sadd.s32 $0x1600, s8  }
0xd: {  	s10 =	sshll.u32 s7, $0x7;
	s28 =	sadd.s32 $0x1800, s9;
	[dreg:$0x6] =	wrdreg s26  }
0xe: {  	s11 =	sshrl.u32 s4, $0x1;
	s8 =	sadd.s32 $0x1400, s8;
	[dreg:$0x7] =	wrdreg s28  }
.Ltmp0:
0xf: {  	s29 =	sadd.s32 $0x11800, s9;
	[dreg:$0x8] =	wrdreg s8;
	(pc) =	sbr.rel .LBB2_1-.Ltmp0, $4  }
0x10: {  	v0 =	vlaneseq.u32;
	s1 =	sadd.s32 s10, s1;
	s30 =	sadd.s32 $0x21800, s9;
	[dreg:$0x9] =	wrdreg s29  }
0x11: {  	v0 =	vmul.u32 $0x80, v0;
	s4 =	ssub.s32 s4, s11;
	s1 =	sadd.s32 $0x31800, s1;
	[dreg:$0xa] =	wrdreg s30  }
0x12: {  	s3 =	simm.s32 $0x0;
	s31 =	smax.u32 s4, $0x1;
	[dreg:$0xc] =	wrdreg s1  }
0x13: {  	p0 =	sgt.u32 s12, $0x3;
	v1 =	vor.u32 $0x800, v0;
	v2 =	vor.u32 $0x1000, v0;
	v3 =	vor.u32 $0x1800, v0;
	s6 =	simm.s32 $0x0;
	[dreg:$0xd] =	wrdreg s31  }
.LBB2_7:
0x14: {  	s3 =	sadd.s32 $0x1, s3;
	s1 =	rddreg [dreg:$0xd]  }
0x15: {  	p1 =	sne.s32 s3, s1  }
.Ltmp1:
0x16: {  	_ = 	snop;
	(pc) =	sbr.rel @!p1 .LBB2_8-.Ltmp1, $1  }
0x17: {  	_ =	sdelay $0x3  }
.LBB2_1:
0x18: {  	[dreg:$0xe] =	wrdreg s3  }
0x19: {  	s1 =	rddreg [dreg:$0x6]  }
0x1a: {  	[tilespmem:s2], [sflag:$0x3] =	stream.linear.gather [hbm4b:s1+s2], $0x80, $0x38;
	[tilespmem:$0x18500] =	vst v63  }
0x1b: {  	_ =	swait.ge [sflag:s14], $0x80  }
0x1c: {  	[sflag:s14] =	ssyncset.done $0x0  }
0x1d: {  	s7 =	simm.s32 $0x0;
	[sflag:s14] =	ssyncadd.s32 $0xFFFFFF80  }
0x1e: {  	v4 =	vld [tilespmem:s7+$0x0];
	_ =	sdelay $0x4  }
0x1f: {  	(v2sf) =	vpush v4, $0x0  }
0x20: {  	(v2sf) =	vpush v4, $0x1  }
0x21: {  	(v2sf) =	vpush v4, $0x2;
	_ =	sdelay $0x1  }
0x22: {  	(v2sf) =	vpush v4, $0x3;
	_ =	sdelay $0x1  }
0x23: {  	(v2sf) =	vpush v4, $0x4;
	_ =	sdelay $0x1  }
0x24: {  	(v2sf) =	vpush v4, $0x5;
	_ =	sdelay $0x1  }
0x25: {  	(v2sf) =	vpush v4, $0x6;
	_ =	sdelay $0x1  }
0x26: {  	(v2sf) =	vpush v4, $0x7;
	_ =	sdelay $0x2  }
0x27: {  	s8 =	spop (v2sf)  }
0x28: {  	s11 =	sand.u32 $0xFFFFF80, s8;
	s26 =	spop (v2sf)  }
0x29: {  	s7 =	sadd.s32 s0, s11;
	s9 =	sand.u32 $0xFFFFF80, s26;
	s28 =	spop (v2sf)  }
0x2a: {  	[tilespmem:s17], [sflag:$0x1] =	stream.strided.gather [hbm4b:s7+s15], $0x2000, s16, s15, $0x38;
	[tilespmem:$0x18500] =	vst v63  }
0x2b: {  	s12 =	sadd.s32 s0, s9;
	s13 =	sand.u32 $0xFFFFF80, s28;
	s14 =	spop (v2sf)  }
0x2c: {  	[tilespmem:s18], [sflag:$0x1] =	stream.strided.gather [hbm4b:s12+s15], $0x2000, s16, s15, $0x38;
	[tilespmem:$0x18500] =	vst v63  }
0x2d: {  	s29 =	sadd.s32 s0, s13;
	s30 =	sand.u32 $0xFFFFF80, s14;
	s13 =	spop (v2sf)  }
0x2e: {  	[tilespmem:s19], [sflag:$0x1] =	stream.strided.gather [hbm4b:s29+s15], $0x2000, s16, s15, $0x38;
	[tilespmem:$0x18500] =	vst v63  }
0x2f: {  	s31 =	sadd.s32 s0, s30;
	s1 =	sand.u32 $0xFFFFF80, s13;
	s10 =	spop (v2sf)  }
0x30: {  	[tilespmem:s20], [sflag:$0x1] =	stream.strided.gather [hbm4b:s31+s15], $0x2000, s16, s15, $0x38;
	[tilespmem:$0x18500] =	vst v63  }
0x31: {  	s2 =	sadd.s32 s0, s1;
	s3 =	spop (v2sf);
	s29 =	sand.u32 $0xFFFFF80, s10  }
0x32: {  	[tilespmem:s21], [sflag:$0x1] =	stream.strided.gather [hbm4b:s2+s15], $0x2000, s16, s15, $0x38;
	[tilespmem:$0x18500] =	vst v63  }
0x33: {  	s5 =	sand.u32 $0xFFFFF80, s3;
	s11 =	spop (v2sf);
	s4 =	sadd.s32 s0, s29  }
0x34: {  	[tilespmem:s22], [sflag:$0x1] =	stream.strided.gather [hbm4b:s4+s15], $0x2000, s16, s15, $0x38;
	[tilespmem:$0x18500] =	vst v63  }
0x35: {  	s12 =	sand.u32 $0x7F, s8;
	s29 =	sadd.s32 s0, s5;
	s30 =	sand.u32 $0xFFFFF80, s11  }
0x36: {  	[tilespmem:s23], [sflag:$0x1] =	stream.strided.gather [hbm4b:s29+s15], $0x2000, s16, s15, $0x38;
	[tilespmem:$0x18500] =	vst v63  }
0x37: {  	v4 =	vor.u32 s12, v0;
	s8 =	sadd.s32 s0, s30  }
0x38: {  	[tilespmem:s24], [sflag:$0x1] =	stream.strided.gather [hbm4b:s8+s15], $0x2000, s16, s15, $0x38;
	[tilespmem:$0x18500] =	vst v63  }
0x39: {  	_ =	swait.ge [sflag:s25], $0x2000  }
0x3a: {  	[sflag:s25] =	ssyncset.done $0x0  }
0x3b: {  	[sflag:s25] =	ssyncadd.s32 $0xFFFFE000  }
0x3c: {  	v4 =	vld.idx.msk [tilespmem:v4+s17+$0x0], $0xffff  }
0x3d: {  	v5 =	vor.u32 s12, v1;
	_ =	sdelay $0x2  }
0x3e: {  	s8 =	simm.s32 $0x300  }
0x3f: {  	[tilespmem:s8+$0xFFFFFE00] =	vst v4  }
0x40: {  	v4 =	vld.idx.msk [tilespmem:v5+s17+$0x0], $0xffff  }
0x41: {  	v5 =	vor.u32 s12, v2;
	_ =	sdelay $0x3  }
0x42: {  	[tilespmem:s8+$0xFFFFFE10] =	vst v4  }
0x43: {  	v4 =	vld.idx.msk [tilespmem:v5+s17+$0x0], $0xffff  }
0x44: {  	v5 =	vor.u32 s12, v3;
	_ =	sdelay $0x3  }
0x45: {  	[tilespmem:s8+$0xFFFFFE20] =	vst v4  }
0x46: {  	v4 =	vld.idx.msk [tilespmem:v5+s17+$0x0], $0xffff;
	_ =	sdelay $0x2  }
0x47: {  	s26 =	sand.u32 $0x7F, s26  }
0x48: {  	v5 =	vor.u32 s26, v0  }
0x49: {  	[tilespmem:s8+$0xFFFFFE30] =	vst v4  }
0x4a: {  	_ =	swait.ge [sflag:s25], $0x2000  }
0x4b: {  	[sflag:s25] =	ssyncset.done $0x0  }
0x4c: {  	[sflag:s25] =	ssyncadd.s32 $0xFFFFE000  }
0x4d: {  	v4 =	vld.idx.msk [tilespmem:v5+s18+$0x0], $0xffff  }
0x4e: {  	v5 =	vor.u32 s26, v1;
	_ =	sdelay $0x3  }
0x4f: {  	[tilespmem:s8+$0xFFFFFE80] =	vst v4  }
0x50: {  	v4 =	vld.idx.msk [tilespmem:v5+s18+$0x0], $0xffff  }
0x51: {  	v5 =	vor.u32 s26, v2;
	_ =	sdelay $0x3  }
0x52: {  	[tilespmem:s8+$0xFFFFFE90] =	vst v4  }
0x53: {  	v4 =	vld.idx.msk [tilespmem:v5+s18+$0x0], $0xffff  }
0x54: {  	v5 =	vor.u32 s26, v3;
	_ =	sdelay $0x3  }
0x55: {  	[tilespmem:s8+$0xFFFFFEA0] =	vst v4  }
0x56: {  	v4 =	vld.idx.msk [tilespmem:v5+s18+$0x0], $0xffff;
	_ =	sdelay $0x2  }
0x57: {  	s31 =	sand.u32 $0x7F, s28  }
0x58: {  	v5 =	vor.u32 s31, v0  }
0x59: {  	[tilespmem:s8+$0xFFFFFEB0] =	vst v4  }
0x5a: {  	_ =	swait.ge [sflag:s25], $0x2000  }
0x5b: {  	[sflag:s25] =	ssyncset.done $0x0  }
0x5c: {  	[sflag:s25] =	ssyncadd.s32 $0xFFFFE000  }
0x5d: {  	v4 =	vld.idx.msk [tilespmem:v5+s19+$0x0], $0xffff  }
0x5e: {  	v5 =	vor.u32 s31, v1;
	_ =	sdelay $0x3  }
0x5f: {  	[tilespmem:s8+$0xFFFFFF00] =	vst v4  }
0x60: {  	v4 =	vld.idx.msk [tilespmem:v5+s19+$0x0], $0xffff  }
0x61: {  	v5 =	vor.u32 s31, v2;
	_ =	sdelay $0x3  }
0x62: {  	[tilespmem:s8+$0xFFFFFF10] =	vst v4  }
0x63: {  	v4 =	vld.idx.msk [tilespmem:v5+s19+$0x0], $0xffff  }
0x64: {  	v5 =	vor.u32 s31, v3;
	_ =	sdelay $0x3  }
0x65: {  	[tilespmem:s8+$0xFFFFFF20] =	vst v4  }
0x66: {  	v4 =	vld.idx.msk [tilespmem:v5+s19+$0x0], $0xffff;
	_ =	sdelay $0x2  }
0x67: {  	s14 =	sand.u32 $0x7F, s14  }
0x68: {  	v5 =	vor.u32 s14, v0  }
0x69: {  	[tilespmem:s8+$0xFFFFFF30] =	vst v4  }
0x6a: {  	_ =	swait.ge [sflag:s25], $0x2000  }
0x6b: {  	[sflag:s25] =	ssyncset.done $0x0  }
0x6c: {  	[sflag:s25] =	ssyncadd.s32 $0xFFFFE000  }
0x6d: {  	v4 =	vld.idx.msk [tilespmem:v5+s20+$0x0], $0xffff  }
0x6e: {  	v5 =	vor.u32 s14, v1;
	_ =	sdelay $0x3  }
0x6f: {  	[tilespmem:s8+$0xFFFFFF80] =	vst v4  }
0x70: {  	v4 =	vld.idx.msk [tilespmem:v5+s20+$0x0], $0xffff  }
0x71: {  	v5 =	vor.u32 s14, v2;
	_ =	sdelay $0x3  }
0x72: {  	[tilespmem:s8+$0xFFFFFF90] =	vst v4  }
0x73: {  	v4 =	vld.idx.msk [tilespmem:v5+s20+$0x0], $0xffff  }
0x74: {  	v5 =	vor.u32 s14, v3;
	_ =	sdelay $0x3  }
0x75: {  	[tilespmem:s8+$0xFFFFFFA0] =	vst v4  }
0x76: {  	v4 =	vld.idx.msk [tilespmem:v5+s20+$0x0], $0xffff;
	_ =	sdelay $0x2  }
0x77: {  	s13 =	sand.u32 $0x7F, s13  }
0x78: {  	v5 =	vor.u32 s13, v0  }
0x79: {  	[tilespmem:s8+$0xFFFFFFB0] =	vst v4  }
0x7a: {  	_ =	swait.ge [sflag:s25], $0x2000  }
0x7b: {  	[sflag:s25] =	ssyncset.done $0x0  }
0x7c: {  	[sflag:s25] =	ssyncadd.s32 $0xFFFFE000  }
0x7d: {  	v4 =	vld.idx.msk [tilespmem:v5+s21+$0x0], $0xffff  }
0x7e: {  	v5 =	vor.u32 s13, v1;
	_ =	sdelay $0x3  }
0x7f: {  	[tilespmem:s8+$0x0] =	vst v4  }
0x80: {  	v4 =	vld.idx.msk [tilespmem:v5+s21+$0x0], $0xffff  }
0x81: {  	v5 =	vor.u32 s13, v2;
	_ =	sdelay $0x3  }
0x82: {  	[tilespmem:s8+$0x10] =	vst v4  }
0x83: {  	v4 =	vld.idx.msk [tilespmem:v5+s21+$0x0], $0xffff  }
0x84: {  	v5 =	vor.u32 s13, v3;
	_ =	sdelay $0x3  }
0x85: {  	[tilespmem:s8+$0x20] =	vst v4  }
0x86: {  	v4 =	vld.idx.msk [tilespmem:v5+s21+$0x0], $0xffff;
	_ =	sdelay $0x2  }
0x87: {  	s10 =	sand.u32 $0x7F, s10  }
0x88: {  	v5 =	vor.u32 s10, v0  }
0x89: {  	[tilespmem:s8+$0x30] =	vst v4  }
0x8a: {  	_ =	swait.ge [sflag:s25], $0x2000  }
0x8b: {  	[sflag:s25] =	ssyncset.done $0x0  }
0x8c: {  	[sflag:s25] =	ssyncadd.s32 $0xFFFFE000  }
0x8d: {  	v4 =	vld.idx.msk [tilespmem:v5+s22+$0x0], $0xffff  }
0x8e: {  	v5 =	vor.u32 s10, v1;
	_ =	sdelay $0x3  }
0x8f: {  	[tilespmem:s8+$0x80] =	vst v4  }
0x90: {  	v4 =	vld.idx.msk [tilespmem:v5+s22+$0x0], $0xffff  }
0x91: {  	v5 =	vor.u32 s10, v2;
	_ =	sdelay $0x3  }
0x92: {  	[tilespmem:s8+$0x90] =	vst v4  }
0x93: {  	v4 =	vld.idx.msk [tilespmem:v5+s22+$0x0], $0xffff  }
0x94: {  	v5 =	vor.u32 s10, v3;
	_ =	sdelay $0x3  }
0x95: {  	[tilespmem:s8+$0xA0] =	vst v4  }
0x96: {  	v4 =	vld.idx.msk [tilespmem:v5+s22+$0x0], $0xffff;
	_ =	sdelay $0x2  }
0x97: {  	s9 =	sand.u32 $0x7F, s3  }
0x98: {  	v5 =	vor.u32 s9, v0  }
0x99: {  	[tilespmem:s8+$0xB0] =	vst v4  }
0x9a: {  	_ =	swait.ge [sflag:s25], $0x2000  }
0x9b: {  	[sflag:s25] =	ssyncset.done $0x0  }
0x9c: {  	[sflag:s25] =	ssyncadd.s32 $0xFFFFE000  }
0x9d: {  	v4 =	vld.idx.msk [tilespmem:v5+s23+$0x0], $0xffff  }
0x9e: {  	v5 =	vor.u32 s9, v1;
	_ =	sdelay $0x3  }
0x9f: {  	[tilespmem:s8+$0x100] =	vst v4  }
0xa0: {  	v4 =	vld.idx.msk [tilespmem:v5+s23+$0x0], $0xffff  }
0xa1: {  	v5 =	vor.u32 s9, v2;
	_ =	sdelay $0x3  }
0xa2: {  	[tilespmem:s8+$0x110] =	vst v4  }
0xa3: {  	v4 =	vld.idx.msk [tilespmem:v5+s23+$0x0], $0xffff  }
0xa4: {  	v5 =	vor.u32 s9, v3;
	_ =	sdelay $0x3  }
0xa5: {  	[tilespmem:s8+$0x120] =	vst v4  }
0xa6: {  	v4 =	vld.idx.msk [tilespmem:v5+s23+$0x0], $0xffff;
	_ =	sdelay $0x2  }
0xa7: {  	s7 =	sand.u32 $0x7F, s11  }
0xa8: {  	v5 =	vor.u32 s7, v0  }
0xa9: {  	[tilespmem:s8+$0x130] =	vst v4  }
0xaa: {  	_ =	swait.ge [sflag:s25], $0x2000  }
0xab: {  	[sflag:s25] =	ssyncset.done $0x0  }
0xac: {  	[sflag:s25] =	ssyncadd.s32 $0xFFFFE000  }
0xad: {  	v4 =	vld.idx.msk [tilespmem:v5+s24+$0x0], $0xffff  }
0xae: {  	v5 =	vor.u32 s7, v1;
	_ =	sdelay $0x3  }
0xaf: {  	[tilespmem:s8+$0x180] =	vst v4  }
0xb0: {  	v4 =	vld.idx.msk [tilespmem:v5+s24+$0x0], $0xffff  }
0xb1: {  	v5 =	vor.u32 s7, v2;
	_ =	sdelay $0x3  }
0xb2: {  	[tilespmem:s8+$0x190] =	vst v4  }
0xb3: {  	v4 =	vld.idx.msk [tilespmem:v5+s24+$0x0], $0xffff  }
0xb4: {  	v5 =	vor.u32 s7, v3;
	_ =	sdelay $0x3  }
0xb5: {  	[tilespmem:s8+$0x1A0] =	vst v4  }
0xb6: {  	s9 =	simm.s32 $0x20;
	s7 =	simm.s32 $0x40;
	v4 =	vld.idx.msk [tilespmem:v5+s24+$0x0], $0xffff  }
.LBB2_2:
0xb7: {  	_ =	sdelay $0x2  }
0xb8: {  	s13 =	sshra.s32 s9, $0x2  }
0xb9: {  	s9 =	smov.u32 s7;
	s10 =	sadd.s32 $0x20, s7;
	[tilespmem:s8+$0x1B0] =	vst v4;
	s8 =	sadd.s32 $0x400, s8  }
0xba: {  	p1 =	sne.s32 s7, $0x1E0;
	v4 =	vld [tilespmem:s13+$0x0];
	_ =	sdelay $0x4  }
0xbb: {  	(v2sf) =	vpush v4, $0x0  }
0xbc: {  	(v2sf) =	vpush v4, $0x1  }
0xbd: {  	(v2sf) =	vpush v4, $0x2;
	_ =	sdelay $0x1  }
0xbe: {  	(v2sf) =	vpush v4, $0x3;
	_ =	sdelay $0x1  }
0xbf: {  	(v2sf) =	vpush v4, $0x4;
	_ =	sdelay $0x1  }
0xc0: {  	(v2sf) =	vpush v4, $0x5;
	_ =	sdelay $0x1  }
0xc1: {  	(v2sf) =	vpush v4, $0x6;
	_ =	sdelay $0x1  }
0xc2: {  	(v2sf) =	vpush v4, $0x7;
	_ =	sdelay $0x2  }
0xc3: {  	s7 =	spop (v2sf)  }
0xc4: {  	s13 =	sand.u32 $0xFFFFF80, s7;
	s31 =	sand.u32 $0x7F, s7;
	s7 =	spop (v2sf)  }
0xc5: {  	s13 =	sadd.s32 s0, s13;
	s14 =	sand.u32 $0xFFFFF80, s7;
	s26 =	spop (v2sf)  }
0xc6: {  	[tilespmem:s17], [sflag:$0x1] =	stream.strided.gather [hbm4b:s13+s15], $0x2000, s16, s15, $0x38;
	[tilespmem:$0x18500] =	vst v63  }
0xc7: {  	s13 =	sadd.s32 s0, s14;
	s14 =	sand.u32 $0xFFFFF80, s26;
	s28 =	spop (v2sf)  }
0xc8: {  	[tilespmem:s18], [sflag:$0x1] =	stream.strided.gather [hbm4b:s13+s15], $0x2000, s16, s15, $0x38;
	[tilespmem:$0x18500] =	vst v63  }
0xc9: {  	s13 =	sadd.s32 s0, s14;
	s14 =	sand.u32 $0xFFFFF80, s28;
	s4 =	spop (v2sf)  }
0xca: {  	[tilespmem:s19], [sflag:$0x1] =	stream.strided.gather [hbm4b:s13+s15], $0x2000, s16, s15, $0x38;
	[tilespmem:$0x18500] =	vst v63  }
0xcb: {  	s13 =	sadd.s32 s0, s14;
	s14 =	sand.u32 $0xFFFFF80, s4;
	s1 =	spop (v2sf)  }
0xcc: {  	[tilespmem:s20], [sflag:$0x1] =	stream.strided.gather [hbm4b:s13+s15], $0x2000, s16, s15, $0x38;
	[tilespmem:$0x18500] =	vst v63  }
0xcd: {  	s13 =	sadd.s32 s0, s14;
	s14 =	sand.u32 $0xFFFFF80, s1;
	s11 =	spop (v2sf)  }
0xce: {  	[tilespmem:s21], [sflag:$0x1] =	stream.strided.gather [hbm4b:s13+s15], $0x2000, s16, s15, $0x38;
	[tilespmem:$0x18500] =	vst v63  }
0xcf: {  	s13 =	sadd.s32 s0, s14;
	s14 =	sand.u32 $0xFFFFF80, s11;
	s12 =	spop (v2sf)  }
0xd0: {  	[tilespmem:s22], [sflag:$0x1] =	stream.strided.gather [hbm4b:s13+s15], $0x2000, s16, s15, $0x38;
	[tilespmem:$0x18500] =	vst v63  }
0xd1: {  	s30 =	sand.u32 $0x7F, s7;
	s13 =	sadd.s32 s0, s14;
	s14 =	sand.u32 $0xFFFFF80, s12  }
0xd2: {  	[tilespmem:s23], [sflag:$0x1] =	stream.strided.gather [hbm4b:s13+s15], $0x2000, s16, s15, $0x38;
	[tilespmem:$0x18500] =	vst v63  }
0xd3: {  	v4 =	vor.u32 s31, v0;
	s29 =	sand.u32 $0x7F, s26;
	s28 =	sand.u32 $0x7F, s28;
	s7 =	sadd.s32 s0, s14  }
0xd4: {  	[tilespmem:s24], [sflag:$0x1] =	stream.strided.gather [hbm4b:s7+s15], $0x2000, s16, s15, $0x38;
	[tilespmem:$0x18500] =	vst v63  }
0xd5: {  	s14 =	sand.u32 $0x7F, s4;
	s7 =	sand.u32 $0x7F, s1;
	_ =	swait.ge [sflag:s25], $0x2000  }
0xd6: {  	s26 =	sand.u32 $0x7F, s11;
	s13 =	sand.u32 $0x7F, s12;
	[sflag:s25] =	ssyncset.done $0x0  }
0xd7: {  	[sflag:s25] =	ssyncadd.s32 $0xFFFFE000  }
0xd8: {  	v4 =	vld.idx.msk [tilespmem:v4+s17+$0x0], $0xffff;
	_ =	sdelay $0x1  }
0xd9: {  	v5 =	vor.u32 s31, v1;
	_ =	sdelay $0x3  }
0xda: {  	[tilespmem:s8+$0xFFFFFE00] =	vst v4  }
0xdb: {  	v4 =	vld.idx.msk [tilespmem:v5+s17+$0x0], $0xffff;
	_ =	sdelay $0x1  }
0xdc: {  	v5 =	vor.u32 s31, v2;
	_ =	sdelay $0x3  }
0xdd: {  	[tilespmem:s8+$0xFFFFFE10] =	vst v4  }
0xde: {  	v4 =	vld.idx.msk [tilespmem:v5+s17+$0x0], $0xffff;
	_ =	sdelay $0x1  }
0xdf: {  	v5 =	vor.u32 s31, v3;
	_ =	sdelay $0x3  }
0xe0: {  	[tilespmem:s8+$0xFFFFFE20] =	vst v4  }
0xe1: {  	v4 =	vld.idx.msk [tilespmem:v5+s17+$0x0], $0xffff;
	_ =	sdelay $0x4  }
0xe2: {  	v5 =	vor.u32 s30, v0  }
0xe3: {  	[tilespmem:s8+$0xFFFFFE30] =	vst v4  }
0xe4: {  	_ =	swait.ge [sflag:s25], $0x2000  }
0xe5: {  	[sflag:s25] =	ssyncset.done $0x0  }
0xe6: {  	[sflag:s25] =	ssyncadd.s32 $0xFFFFE000  }
0xe7: {  	v4 =	vld.idx.msk [tilespmem:v5+s18+$0x0], $0xffff;
	_ =	sdelay $0x1  }
0xe8: {  	v5 =	vor.u32 s30, v1;
	_ =	sdelay $0x3  }
0xe9: {  	[tilespmem:s8+$0xFFFFFE80] =	vst v4  }
0xea: {  	v4 =	vld.idx.msk [tilespmem:v5+s18+$0x0], $0xffff;
	_ =	sdelay $0x1  }
0xeb: {  	v5 =	vor.u32 s30, v2;
	_ =	sdelay $0x3  }
0xec: {  	[tilespmem:s8+$0xFFFFFE90] =	vst v4  }
0xed: {  	v4 =	vld.idx.msk [tilespmem:v5+s18+$0x0], $0xffff;
	_ =	sdelay $0x1  }
0xee: {  	v5 =	vor.u32 s30, v3;
	_ =	sdelay $0x3  }
0xef: {  	[tilespmem:s8+$0xFFFFFEA0] =	vst v4  }
0xf0: {  	v4 =	vld.idx.msk [tilespmem:v5+s18+$0x0], $0xffff;
	_ =	sdelay $0x4  }
0xf1: {  	v5 =	vor.u32 s29, v0  }
0xf2: {  	[tilespmem:s8+$0xFFFFFEB0] =	vst v4  }
0xf3: {  	_ =	swait.ge [sflag:s25], $0x2000  }
0xf4: {  	[sflag:s25] =	ssyncset.done $0x0  }
0xf5: {  	[sflag:s25] =	ssyncadd.s32 $0xFFFFE000  }
0xf6: {  	v4 =	vld.idx.msk [tilespmem:v5+s19+$0x0], $0xffff;
	_ =	sdelay $0x1  }
0xf7: {  	v5 =	vor.u32 s29, v1;
	_ =	sdelay $0x3  }
0xf8: {  	[tilespmem:s8+$0xFFFFFF00] =	vst v4  }
0xf9: {  	v4 =	vld.idx.msk [tilespmem:v5+s19+$0x0], $0xffff;
	_ =	sdelay $0x1  }
0xfa: {  	v5 =	vor.u32 s29, v2;
	_ =	sdelay $0x3  }
0xfb: {  	[tilespmem:s8+$0xFFFFFF10] =	vst v4  }
0xfc: {  	v4 =	vld.idx.msk [tilespmem:v5+s19+$0x0], $0xffff;
	_ =	sdelay $0x1  }
0xfd: {  	v5 =	vor.u32 s29, v3;
	_ =	sdelay $0x3  }
0xfe: {  	[tilespmem:s8+$0xFFFFFF20] =	vst v4  }
0xff: {  	v4 =	vld.idx.msk [tilespmem:v5+s19+$0x0], $0xffff;
	_ =	sdelay $0x4  }
0x100: {  	v5 =	vor.u32 s28, v0  }
0x101: {  	[tilespmem:s8+$0xFFFFFF30] =	vst v4  }
0x102: {  	_ =	swait.ge [sflag:s25], $0x2000  }
0x103: {  	[sflag:s25] =	ssyncset.done $0x0  }
0x104: {  	[sflag:s25] =	ssyncadd.s32 $0xFFFFE000  }
0x105: {  	v4 =	vld.idx.msk [tilespmem:v5+s20+$0x0], $0xffff;
	_ =	sdelay $0x1  }
0x106: {  	v5 =	vor.u32 s28, v1;
	_ =	sdelay $0x3  }
0x107: {  	[tilespmem:s8+$0xFFFFFF80] =	vst v4  }
0x108: {  	v4 =	vld.idx.msk [tilespmem:v5+s20+$0x0], $0xffff;
	_ =	sdelay $0x1  }
0x109: {  	v5 =	vor.u32 s28, v2;
	_ =	sdelay $0x3  }
0x10a: {  	[tilespmem:s8+$0xFFFFFF90] =	vst v4  }
0x10b: {  	v4 =	vld.idx.msk [tilespmem:v5+s20+$0x0], $0xffff;
	_ =	sdelay $0x1  }
0x10c: {  	v5 =	vor.u32 s28, v3;
	_ =	sdelay $0x3  }
0x10d: {  	[tilespmem:s8+$0xFFFFFFA0] =	vst v4  }
0x10e: {  	v4 =	vld.idx.msk [tilespmem:v5+s20+$0x0], $0xffff;
	_ =	sdelay $0x4  }
0x10f: {  	v5 =	vor.u32 s14, v0  }
0x110: {  	[tilespmem:s8+$0xFFFFFFB0] =	vst v4  }
0x111: {  	_ =	swait.ge [sflag:s25], $0x2000  }
0x112: {  	[sflag:s25] =	ssyncset.done $0x0  }
0x113: {  	[sflag:s25] =	ssyncadd.s32 $0xFFFFE000  }
0x114: {  	v4 =	vld.idx.msk [tilespmem:v5+s21+$0x0], $0xffff;
	_ =	sdelay $0x1  }
0x115: {  	v5 =	vor.u32 s14, v1;
	_ =	sdelay $0x3  }
0x116: {  	[tilespmem:s8+$0x0] =	vst v4  }
0x117: {  	v4 =	vld.idx.msk [tilespmem:v5+s21+$0x0], $0xffff;
	_ =	sdelay $0x1  }
0x118: {  	v5 =	vor.u32 s14, v2;
	_ =	sdelay $0x3  }
0x119: {  	[tilespmem:s8+$0x10] =	vst v4  }
0x11a: {  	v4 =	vld.idx.msk [tilespmem:v5+s21+$0x0], $0xffff;
	_ =	sdelay $0x1  }
0x11b: {  	v5 =	vor.u32 s14, v3;
	_ =	sdelay $0x3  }
0x11c: {  	[tilespmem:s8+$0x20] =	vst v4  }
0x11d: {  	v4 =	vld.idx.msk [tilespmem:v5+s21+$0x0], $0xffff;
	_ =	sdelay $0x4  }
0x11e: {  	v5 =	vor.u32 s7, v0  }
0x11f: {  	[tilespmem:s8+$0x30] =	vst v4  }
0x120: {  	_ =	swait.ge [sflag:s25], $0x2000  }
0x121: {  	[sflag:s25] =	ssyncset.done $0x0  }
0x122: {  	[sflag:s25] =	ssyncadd.s32 $0xFFFFE000  }
0x123: {  	v4 =	vld.idx.msk [tilespmem:v5+s22+$0x0], $0xffff;
	_ =	sdelay $0x1  }
0x124: {  	v5 =	vor.u32 s7, v1;
	_ =	sdelay $0x3  }
0x125: {  	[tilespmem:s8+$0x80] =	vst v4  }
0x126: {  	v4 =	vld.idx.msk [tilespmem:v5+s22+$0x0], $0xffff;
	_ =	sdelay $0x1  }
0x127: {  	v5 =	vor.u32 s7, v2;
	_ =	sdelay $0x3  }
0x128: {  	[tilespmem:s8+$0x90] =	vst v4  }
0x129: {  	v4 =	vld.idx.msk [tilespmem:v5+s22+$0x0], $0xffff;
	_ =	sdelay $0x1  }
0x12a: {  	v5 =	vor.u32 s7, v3;
	_ =	sdelay $0x3  }
0x12b: {  	[tilespmem:s8+$0xA0] =	vst v4  }
0x12c: {  	v4 =	vld.idx.msk [tilespmem:v5+s22+$0x0], $0xffff;
	_ =	sdelay $0x4  }
0x12d: {  	v5 =	vor.u32 s26, v0  }
0x12e: {  	[tilespmem:s8+$0xB0] =	vst v4  }
0x12f: {  	_ =	swait.ge [sflag:s25], $0x2000  }
0x130: {  	[sflag:s25] =	ssyncset.done $0x0  }
0x131: {  	[sflag:s25] =	ssyncadd.s32 $0xFFFFE000  }
0x132: {  	v4 =	vld.idx.msk [tilespmem:v5+s23+$0x0], $0xffff;
	_ =	sdelay $0x1  }
0x133: {  	v5 =	vor.u32 s26, v1;
	_ =	sdelay $0x3  }
0x134: {  	[tilespmem:s8+$0x100] =	vst v4  }
0x135: {  	v4 =	vld.idx.msk [tilespmem:v5+s23+$0x0], $0xffff;
	_ =	sdelay $0x1  }
0x136: {  	v5 =	vor.u32 s26, v2;
	_ =	sdelay $0x3  }
0x137: {  	[tilespmem:s8+$0x110] =	vst v4  }
0x138: {  	v4 =	vld.idx.msk [tilespmem:v5+s23+$0x0], $0xffff;
	_ =	sdelay $0x1  }
0x139: {  	v5 =	vor.u32 s26, v3;
	_ =	sdelay $0x3  }
0x13a: {  	[tilespmem:s8+$0x120] =	vst v4  }
0x13b: {  	v4 =	vld.idx.msk [tilespmem:v5+s23+$0x0], $0xffff;
	_ =	sdelay $0x4  }
0x13c: {  	v5 =	vor.u32 s13, v0  }
0x13d: {  	[tilespmem:s8+$0x130] =	vst v4  }
0x13e: {  	_ =	swait.ge [sflag:s25], $0x2000  }
0x13f: {  	[sflag:s25] =	ssyncset.done $0x0  }
0x140: {  	[sflag:s25] =	ssyncadd.s32 $0xFFFFE000  }
0x141: {  	v4 =	vld.idx.msk [tilespmem:v5+s24+$0x0], $0xffff;
	_ =	sdelay $0x1  }
0x142: {  	v5 =	vor.u32 s13, v1;
	_ =	sdelay $0x3  }
0x143: {  	[tilespmem:s8+$0x180] =	vst v4  }
0x144: {  	v4 =	vld.idx.msk [tilespmem:v5+s24+$0x0], $0xffff;
	_ =	sdelay $0x1  }
0x145: {  	v5 =	vor.u32 s13, v2;
	_ =	sdelay $0x3  }
0x146: {  	[tilespmem:s8+$0x190] =	vst v4  }
0x147: {  	v4 =	vld.idx.msk [tilespmem:v5+s24+$0x0], $0xffff;
	_ =	sdelay $0x1  }
0x148: {  	v5 =	vor.u32 s13, v3  }
.Ltmp2:
0x149: {  	(pc) =	sbr.rel @p1 .LBB2_2-.Ltmp2, $3  }
0x14a: {  	_ =	sdelay $0x1  }
0x14b: {  	[tilespmem:s8+$0x1A0] =	vst v4  }
0x14c: {  	s7 =	smov.u32 s10;
	v4 =	vld.idx.msk [tilespmem:v5+s24+$0x0], $0xffff  }
0x14d: {  	_ =	sdelay $0x3  }
0x14e: {  	s1 =	sshra.s32 s9, $0x2;
	[tilespmem:s8+$0x1B0] =	vst v4  }
0x14f: {  	v4 =	vld [tilespmem:s1+$0x0];
	_ =	sdelay $0x4  }
0x150: {  	(v2sf) =	vpush v4, $0x0  }
0x151: {  	(v2sf) =	vpush v4, $0x1  }
0x152: {  	(v2sf) =	vpush v4, $0x2;
	_ =	sdelay $0x1  }
0x153: {  	(v2sf) =	vpush v4, $0x3;
	_ =	sdelay $0x1  }
0x154: {  	(v2sf) =	vpush v4, $0x4;
	_ =	sdelay $0x1  }
0x155: {  	(v2sf) =	vpush v4, $0x5;
	_ =	sdelay $0x1  }
0x156: {  	(v2sf) =	vpush v4, $0x6;
	_ =	sdelay $0x1  }
0x157: {  	(v2sf) =	vpush v4, $0x7;
	_ =	sdelay $0x2  }
0x158: {  	s1 =	spop (v2sf)  }
0x159: {  	s4 =	sand.u32 $0xFFFFF80, s1;
	s11 =	spop (v2sf)  }
0x15a: {  	s4 =	sadd.s32 s0, s4;
	s7 =	sand.u32 $0xFFFFF80, s11;
	s12 =	spop (v2sf)  }
0x15b: {  	[tilespmem:s17], [sflag:$0x1] =	stream.strided.gather [hbm4b:s4+s15], $0x2000, s16, s15, $0x38;
	[tilespmem:$0x18500] =	vst v63  }
0x15c: {  	s29 =	sadd.s32 s0, s7;
	s30 =	sand.u32 $0xFFFFF80, s12;
	s26 =	spop (v2sf)  }
0x15d: {  	[tilespmem:s18], [sflag:$0x1] =	stream.strided.gather [hbm4b:s29+s15], $0x2000, s16, s15, $0x38;
	[tilespmem:$0x18500] =	vst v63  }
0x15e: {  	s31 =	sadd.s32 s0, s30;
	s2 =	sand.u32 $0xFFFFF80, s26;
	s14 =	spop (v2sf)  }
0x15f: {  	[tilespmem:s19], [sflag:$0x1] =	stream.strided.gather [hbm4b:s31+s15], $0x2000, s16, s15, $0x38;
	[tilespmem:$0x18500] =	vst v63  }
0x160: {  	s3 =	sadd.s32 s0, s2;
	s5 =	sand.u32 $0xFFFFF80, s14;
	s13 =	spop (v2sf)  }
0x161: {  	[tilespmem:s20], [sflag:$0x1] =	stream.strided.gather [hbm4b:s3+s15], $0x2000, s16, s15, $0x38;
	[tilespmem:$0x18500] =	vst v63  }
0x162: {  	s9 =	sadd.s32 s0, s5;
	s28 =	sand.u32 $0xFFFFF80, s13;
	s10 =	spop (v2sf)  }
0x163: {  	[tilespmem:s21], [sflag:$0x1] =	stream.strided.gather [hbm4b:s9+s15], $0x2000, s16, s15, $0x38;
	[tilespmem:$0x18500] =	vst v63  }
0x164: {  	s29 =	sadd.s32 s0, s28;
	s30 =	sand.u32 $0xFFFFF80, s10;
	s31 =	spop (v2sf)  }
0x165: {  	[tilespmem:s22], [sflag:$0x1] =	stream.strided.gather [hbm4b:s29+s15], $0x2000, s16, s15, $0x38;
	[tilespmem:$0x18500] =	vst v63  }
0x166: {  	s1 =	sand.u32 $0x7F, s1;
	s2 =	sadd.s32 s0, s30;
	s3 =	sand.u32 $0xFFFFF80, s31  }
0x167: {  	[tilespmem:s23], [sflag:$0x1] =	stream.strided.gather [hbm4b:s2+s15], $0x2000, s16, s15, $0x38;
	[tilespmem:$0x18500] =	vst v63  }
0x168: {  	v4 =	vor.u32 s1, v0;
	s4 =	sadd.s32 s0, s3  }
0x169: {  	[tilespmem:s24], [sflag:$0x1] =	stream.strided.gather [hbm4b:s4+s15], $0x2000, s16, s15, $0x38;
	[tilespmem:$0x18500] =	vst v63  }
0x16a: {  	_ =	swait.ge [sflag:s25], $0x2000  }
0x16b: {  	[sflag:s25] =	ssyncset.done $0x0  }
0x16c: {  	[sflag:s25] =	ssyncadd.s32 $0xFFFFE000  }
0x16d: {  	v4 =	vld.idx.msk [tilespmem:v4+s17+$0x0], $0xffff  }
0x16e: {  	v5 =	vor.u32 s1, v1;
	_ =	sdelay $0x2  }
0x16f: {  	s4 =	sadd.s32 $0x400, s8  }
0x170: {  	[tilespmem:s4+$0xFFFFFE00] =	vst v4  }
0x171: {  	v4 =	vld.idx.msk [tilespmem:v5+s17+$0x0], $0xffff  }
0x172: {  	v5 =	vor.u32 s1, v2;
	_ =	sdelay $0x3  }
0x173: {  	[tilespmem:s4+$0xFFFFFE10] =	vst v4  }
0x174: {  	v4 =	vld.idx.msk [tilespmem:v5+s17+$0x0], $0xffff  }
0x175: {  	v5 =	vor.u32 s1, v3;
	_ =	sdelay $0x3  }
0x176: {  	[tilespmem:s4+$0xFFFFFE20] =	vst v4  }
0x177: {  	v4 =	vld.idx.msk [tilespmem:v5+s17+$0x0], $0xffff;
	_ =	sdelay $0x2  }
0x178: {  	s5 =	sand.u32 $0x7F, s11  }
0x179: {  	v5 =	vor.u32 s5, v0  }
0x17a: {  	[tilespmem:s4+$0xFFFFFE30] =	vst v4  }
0x17b: {  	_ =	swait.ge [sflag:s25], $0x2000  }
0x17c: {  	[sflag:s25] =	ssyncset.done $0x0  }
0x17d: {  	[sflag:s25] =	ssyncadd.s32 $0xFFFFE000  }
0x17e: {  	v4 =	vld.idx.msk [tilespmem:v5+s18+$0x0], $0xffff  }
0x17f: {  	v5 =	vor.u32 s5, v1;
	_ =	sdelay $0x3  }
0x180: {  	[tilespmem:s4+$0xFFFFFE80] =	vst v4  }
0x181: {  	v4 =	vld.idx.msk [tilespmem:v5+s18+$0x0], $0xffff  }
0x182: {  	v5 =	vor.u32 s5, v2;
	_ =	sdelay $0x3  }
0x183: {  	[tilespmem:s4+$0xFFFFFE90] =	vst v4  }
0x184: {  	v4 =	vld.idx.msk [tilespmem:v5+s18+$0x0], $0xffff  }
0x185: {  	v5 =	vor.u32 s5, v3;
	_ =	sdelay $0x3  }
0x186: {  	[tilespmem:s4+$0xFFFFFEA0] =	vst v4  }
0x187: {  	v4 =	vld.idx.msk [tilespmem:v5+s18+$0x0], $0xffff;
	_ =	sdelay $0x2  }
0x188: {  	s8 =	sand.u32 $0x7F, s12  }
0x189: {  	v5 =	vor.u32 s8, v0  }
0x18a: {  	[tilespmem:s4+$0xFFFFFEB0] =	vst v4  }
0x18b: {  	_ =	swait.ge [sflag:s25], $0x2000  }
0x18c: {  	[sflag:s25] =	ssyncset.done $0x0  }
0x18d: {  	[sflag:s25] =	ssyncadd.s32 $0xFFFFE000  }
0x18e: {  	v4 =	vld.idx.msk [tilespmem:v5+s19+$0x0], $0xffff  }
0x18f: {  	v5 =	vor.u32 s8, v1;
	_ =	sdelay $0x3  }
0x190: {  	[tilespmem:s4+$0xFFFFFF00] =	vst v4  }
0x191: {  	v4 =	vld.idx.msk [tilespmem:v5+s19+$0x0], $0xffff  }
0x192: {  	v5 =	vor.u32 s8, v2;
	_ =	sdelay $0x3  }
0x193: {  	[tilespmem:s4+$0xFFFFFF10] =	vst v4  }
0x194: {  	v4 =	vld.idx.msk [tilespmem:v5+s19+$0x0], $0xffff  }
0x195: {  	v5 =	vor.u32 s8, v3;
	_ =	sdelay $0x3  }
0x196: {  	[tilespmem:s4+$0xFFFFFF20] =	vst v4  }
0x197: {  	v4 =	vld.idx.msk [tilespmem:v5+s19+$0x0], $0xffff;
	_ =	sdelay $0x2  }
0x198: {  	s11 =	sand.u32 $0x7F, s26  }
0x199: {  	v5 =	vor.u32 s11, v0  }
0x19a: {  	[tilespmem:s4+$0xFFFFFF30] =	vst v4  }
0x19b: {  	_ =	swait.ge [sflag:s25], $0x2000  }
0x19c: {  	[sflag:s25] =	ssyncset.done $0x0  }
0x19d: {  	[sflag:s25] =	ssyncadd.s32 $0xFFFFE000  }
0x19e: {  	v4 =	vld.idx.msk [tilespmem:v5+s20+$0x0], $0xffff  }
0x19f: {  	v5 =	vor.u32 s11, v1;
	_ =	sdelay $0x3  }
0x1a0: {  	[tilespmem:s4+$0xFFFFFF80] =	vst v4  }
0x1a1: {  	v4 =	vld.idx.msk [tilespmem:v5+s20+$0x0], $0xffff  }
0x1a2: {  	v5 =	vor.u32 s11, v2;
	_ =	sdelay $0x3  }
0x1a3: {  	[tilespmem:s4+$0xFFFFFF90] =	vst v4  }
0x1a4: {  	v4 =	vld.idx.msk [tilespmem:v5+s20+$0x0], $0xffff  }
0x1a5: {  	v5 =	vor.u32 s11, v3;
	_ =	sdelay $0x3  }
0x1a6: {  	[tilespmem:s4+$0xFFFFFFA0] =	vst v4  }
0x1a7: {  	v4 =	vld.idx.msk [tilespmem:v5+s20+$0x0], $0xffff;
	_ =	sdelay $0x2  }
0x1a8: {  	s12 =	sand.u32 $0x7F, s14  }
0x1a9: {  	v5 =	vor.u32 s12, v0  }
0x1aa: {  	[tilespmem:s4+$0xFFFFFFB0] =	vst v4  }
0x1ab: {  	_ =	swait.ge [sflag:s25], $0x2000  }
0x1ac: {  	[sflag:s25] =	ssyncset.done $0x0  }
0x1ad: {  	[sflag:s25] =	ssyncadd.s32 $0xFFFFE000  }
0x1ae: {  	v4 =	vld.idx.msk [tilespmem:v5+s21+$0x0], $0xffff  }
0x1af: {  	v5 =	vor.u32 s12, v1;
	_ =	sdelay $0x3  }
0x1b0: {  	[tilespmem:s4+$0x0] =	vst v4  }
0x1b1: {  	v4 =	vld.idx.msk [tilespmem:v5+s21+$0x0], $0xffff  }
0x1b2: {  	v5 =	vor.u32 s12, v2;
	_ =	sdelay $0x3  }
0x1b3: {  	[tilespmem:s4+$0x10] =	vst v4  }
0x1b4: {  	v4 =	vld.idx.msk [tilespmem:v5+s21+$0x0], $0xffff  }
0x1b5: {  	v5 =	vor.u32 s12, v3;
	_ =	sdelay $0x3  }
0x1b6: {  	[tilespmem:s4+$0x20] =	vst v4  }
0x1b7: {  	v4 =	vld.idx.msk [tilespmem:v5+s21+$0x0], $0xffff;
	_ =	sdelay $0x2  }
0x1b8: {  	s14 =	sand.u32 $0x7F, s13  }
0x1b9: {  	v5 =	vor.u32 s14, v0  }
0x1ba: {  	[tilespmem:s4+$0x30] =	vst v4  }
0x1bb: {  	_ =	swait.ge [sflag:s25], $0x2000  }
0x1bc: {  	[sflag:s25] =	ssyncset.done $0x0  }
0x1bd: {  	[sflag:s25] =	ssyncadd.s32 $0xFFFFE000  }
0x1be: {  	v4 =	vld.idx.msk [tilespmem:v5+s22+$0x0], $0xffff  }
0x1bf: {  	v5 =	vor.u32 s14, v1;
	_ =	sdelay $0x3  }
0x1c0: {  	[tilespmem:s4+$0x80] =	vst v4  }
0x1c1: {  	v4 =	vld.idx.msk [tilespmem:v5+s22+$0x0], $0xffff  }
0x1c2: {  	v5 =	vor.u32 s14, v2;
	_ =	sdelay $0x3  }
0x1c3: {  	[tilespmem:s4+$0x90] =	vst v4  }
0x1c4: {  	v4 =	vld.idx.msk [tilespmem:v5+s22+$0x0], $0xffff  }
0x1c5: {  	v5 =	vor.u32 s14, v3;
	_ =	sdelay $0x3  }
0x1c6: {  	[tilespmem:s4+$0xA0] =	vst v4  }
0x1c7: {  	v4 =	vld.idx.msk [tilespmem:v5+s22+$0x0], $0xffff;
	_ =	sdelay $0x2  }
0x1c8: {  	s26 =	sand.u32 $0x7F, s10  }
0x1c9: {  	v5 =	vor.u32 s26, v0  }
0x1ca: {  	[tilespmem:s4+$0xB0] =	vst v4  }
0x1cb: {  	_ =	swait.ge [sflag:s25], $0x2000  }
0x1cc: {  	[sflag:s25] =	ssyncset.done $0x0  }
0x1cd: {  	[sflag:s25] =	ssyncadd.s32 $0xFFFFE000  }
0x1ce: {  	v4 =	vld.idx.msk [tilespmem:v5+s23+$0x0], $0xffff  }
0x1cf: {  	v5 =	vor.u32 s26, v1;
	_ =	sdelay $0x3  }
0x1d0: {  	[tilespmem:s4+$0x100] =	vst v4  }
0x1d1: {  	v4 =	vld.idx.msk [tilespmem:v5+s23+$0x0], $0xffff  }
0x1d2: {  	v5 =	vor.u32 s26, v2;
	_ =	sdelay $0x3  }
0x1d3: {  	[tilespmem:s4+$0x110] =	vst v4  }
0x1d4: {  	v4 =	vld.idx.msk [tilespmem:v5+s23+$0x0], $0xffff  }
0x1d5: {  	v5 =	vor.u32 s26, v3;
	_ =	sdelay $0x3  }
0x1d6: {  	[tilespmem:s4+$0x120] =	vst v4  }
0x1d7: {  	v4 =	vld.idx.msk [tilespmem:v5+s23+$0x0], $0xffff;
	_ =	sdelay $0x2  }
0x1d8: {  	s28 =	sand.u32 $0x7F, s31  }
0x1d9: {  	v5 =	vor.u32 s28, v0  }
0x1da: {  	[tilespmem:s4+$0x130] =	vst v4  }
0x1db: {  	_ =	swait.ge [sflag:s25], $0x2000  }
0x1dc: {  	[sflag:s25] =	ssyncset.done $0x0  }
0x1dd: {  	[sflag:s25] =	ssyncadd.s32 $0xFFFFE000  }
0x1de: {  	v4 =	vld.idx.msk [tilespmem:v5+s24+$0x0], $0xffff  }
0x1df: {  	v5 =	vor.u32 s28, v1;
	_ =	sdelay $0x3  }
0x1e0: {  	[tilespmem:s4+$0x180] =	vst v4  }
0x1e1: {  	v4 =	vld.idx.msk [tilespmem:v5+s24+$0x0], $0xffff  }
0x1e2: {  	v5 =	vor.u32 s28, v2;
	_ =	sdelay $0x3  }
0x1e3: {  	[tilespmem:s4+$0x190] =	vst v4  }
0x1e4: {  	v4 =	vld.idx.msk [tilespmem:v5+s24+$0x0], $0xffff  }
0x1e5: {  	v5 =	vor.u32 s28, v3;
	_ =	sdelay $0x3  }
0x1e6: {  	[tilespmem:s4+$0x1A0] =	vst v4  }
0x1e7: {  	v4 =	vld.idx.msk [tilespmem:v5+s24+$0x0], $0xffff;
	_ =	sdelay $0x3  }
0x1e8: {  	s30 =	simm.s32 $0x100  }
0x1e9: {  	s2 =	simm.s32 $0x3;
	s8 =	simm.s32 $0x0;
	s29 =	rddreg [dreg:$0x7];
	[tilespmem:s4+$0x1B0] =	vst v4  }
0x1ea: {  	[hbm4b:s29+s8] =	stream.linear.scatter [tilespmem:s30], [sflag:$0x3], $0x4000, $0x38;
	[tilespmem:$0x18500] =	vst v63  }
0x1eb: {  	_ =	swait.ge [sflag:s2], $0x4000  }
0x1ec: {  	[sflag:s2] =	ssyncset.done $0x0  }
0x1ed: {  	s31 =	rddreg [dreg:$0x8];
	[sflag:s2] =	ssyncadd.s32 $0xFFFFC000  }
0x1ee: {  	[tilespmem:s8], [sflag:$0x3] =	stream.linear.gather [hbm4b:s31+s8], $0x80, $0x38;
	[tilespmem:$0x18500] =	vst v63  }
0x1ef: {  	_ =	swait.ge [sflag:s2], $0x80  }
0x1f0: {  	[sflag:s2] =	ssyncset.done $0x0  }
0x1f1: {  	[sflag:s2] =	ssyncadd.s32 $0xFFFFFF80  }
0x1f2: {  	s2 =	rddreg [dreg:$0x2]  }
0x1f3: {  	s7 =	simm.s32 $0x0;
	s4 =	simm.s32 $0x18200;
	s5 =	rddreg [dreg:$0x1]  }
.LBB2_4:
0x1f4: {  	v4 =	vld [tilespmem:s8+$0x0];
	_ =	sdelay $0x4  }
0x1f5: {  	(v2sf) =	vpush v4, $0x0;
	_ =	sdelay $0x6  }
0x1f6: {  	(v2sf) =	vpush v4, $0x1;
	_ =	sdelay $0x4  }
0x1f7: {  	(v2sf) =	vpush v4, $0x2;
	_ =	sdelay $0x2  }
0x1f8: {  	s9 =	spop (v2sf);
	(v2sf) =	vpush v4, $0x3;
	_ =	sdelay $0x5  }
0x1f9: {  	s1 =	sand.u32 $0x1FFFFF80, s9  }
0x1fa: {  	s28 =	sshrl.u32 s9, $0x3;
	s30 =	spop (v2sf);
	(v2sf) =	vpush v4, $0x4;
	s1 =	sadd.s32 s5, s1  }
0x1fb: {  	[tilespmem:s17], [sflag:$0x1] =	stream.strided.gather [hbm4b:s1+s15], $0x2000, s16, s15, $0x38;
	[tilespmem:$0x18500] =	vst v63  }
0x1fc: {  	s1 =	sand.u32 $0x1FFFFFF0, s28  }
0x1fd: {  	s12 =	simm.s32 $0x18100;
	s29 =	sand.u32 $0x1FFFFF80, s30;
	s1 =	sadd.s32 s2, s1  }
0x1fe: {  	[tilespmem:s12], [sflag:$0x2] =	stream.linear.gather [hbm4b:s1+s6], $0x80, $0x38;
	[tilespmem:$0x18500] =	vst v63  }
0x1ff: {  	s31 =	sshrl.u32 s30, $0x3;
	s1 =	sadd.s32 s5, s29;
	s29 =	spop (v2sf)  }
0x200: {  	[tilespmem:s18], [sflag:$0x1] =	stream.strided.gather [hbm4b:s1+s15], $0x2000, s16, s15, $0x38;
	[tilespmem:$0x18500] =	vst v63  }
0x201: {  	s3 =	sand.u32 $0x1FFFFF80, s29;
	s1 =	sand.u32 $0x1FFFFFF0, s31  }
0x202: {  	s31 =	simm.s32 $0x18180;
	s1 =	sadd.s32 s2, s1;
	s28 =	spop (v2sf);
	(v2sf) =	vpush v4, $0x5  }
0x203: {  	[tilespmem:s31], [sflag:$0x2] =	stream.linear.gather [hbm4b:s1+s6], $0x80, $0x38;
	[tilespmem:$0x18500] =	vst v63  }
0x204: {  	s10 =	sshrl.u32 s29, $0x3;
	s1 =	sadd.s32 s5, s3  }
0x205: {  	[tilespmem:s19], [sflag:$0x1] =	stream.strided.gather [hbm4b:s1+s15], $0x2000, s16, s15, $0x38;
	[tilespmem:$0x18500] =	vst v63  }
0x206: {  	s1 =	sand.u32 $0x1FFFFFF0, s10  }
0x207: {  	s1 =	sadd.s32 s2, s1  }
0x208: {  	[tilespmem:s4], [sflag:$0x2] =	stream.linear.gather [hbm4b:s1+s6], $0x80, $0x38;
	[tilespmem:$0x18500] =	vst v63  }
0x209: {  	s11 =	sand.u32 $0x1FFFFF80, s28;
	s26 =	spop (v2sf);
	(v2sf) =	vpush v4, $0x6  }
0x20a: {  	s13 =	sshrl.u32 s28, $0x3;
	s1 =	sadd.s32 s5, s11  }
0x20b: {  	[tilespmem:s20], [sflag:$0x1] =	stream.strided.gather [hbm4b:s1+s15], $0x2000, s16, s15, $0x38;
	[tilespmem:$0x18500] =	vst v63  }
0x20c: {  	s1 =	sand.u32 $0x1FFFFFF0, s13  }
0x20d: {  	s3 =	simm.s32 $0x18280;
	s14 =	sand.u32 $0x1FFFFF80, s26;
	s1 =	sadd.s32 s2, s1  }
0x20e: {  	[tilespmem:s3], [sflag:$0x2] =	stream.linear.gather [hbm4b:s1+s6], $0x80, $0x38;
	[tilespmem:$0x18500] =	vst v63  }
0x20f: {  	s4 =	sshrl.u32 s26, $0x3;
	s1 =	sadd.s32 s5, s14  }
0x210: {  	[tilespmem:s21], [sflag:$0x1] =	stream.strided.gather [hbm4b:s1+s15], $0x2000, s16, s15, $0x38;
	[tilespmem:$0x18500] =	vst v63  }
0x211: {  	s1 =	sand.u32 $0x1FFFFFF0, s4;
	s14 =	spop (v2sf);
	(v2sf) =	vpush v4, $0x7  }
0x212: {  	s10 =	simm.s32 $0x18300;
	s1 =	sadd.s32 s2, s1  }
0x213: {  	[tilespmem:s10], [sflag:$0x2] =	stream.linear.gather [hbm4b:s1+s6], $0x80, $0x38;
	[tilespmem:$0x18500] =	vst v63  }
0x214: {  	s13 =	sand.u32 $0x1FFFFF80, s14  }
0x215: {  	s4 =	sshrl.u32 s14, $0x3;
	s1 =	sadd.s32 s5, s13  }
0x216: {  	[tilespmem:s22], [sflag:$0x1] =	stream.strided.gather [hbm4b:s1+s15], $0x2000, s16, s15, $0x38;
	[tilespmem:$0x18500] =	vst v63  }
0x217: {  	s1 =	sand.u32 $0x1FFFFFF0, s4  }
0x218: {  	s10 =	simm.s32 $0x18380;
	s13 =	spop (v2sf);
	s1 =	sadd.s32 s2, s1  }
0x219: {  	[tilespmem:s10], [sflag:$0x2] =	stream.linear.gather [hbm4b:s1+s6], $0x80, $0x38;
	[tilespmem:$0x18500] =	vst v63  }
0x21a: {  	s10 =	sand.u32 $0x1FFFFF80, s13  }
0x21b: {  	s4 =	sshrl.u32 s13, $0x3;
	s1 =	sadd.s32 s5, s10  }
0x21c: {  	[tilespmem:s23], [sflag:$0x1] =	stream.strided.gather [hbm4b:s1+s15], $0x2000, s16, s15, $0x38;
	[tilespmem:$0x18500] =	vst v63  }
0x21d: {  	s1 =	sand.u32 $0x1FFFFFF0, s4  }
0x21e: {  	s10 =	simm.s32 $0x18400;
	s1 =	sadd.s32 s2, s1  }
0x21f: {  	[tilespmem:s10], [sflag:$0x2] =	stream.linear.gather [hbm4b:s1+s6], $0x80, $0x38;
	[tilespmem:$0x18500] =	vst v63  }
0x220: {  	s10 =	spop (v2sf)  }
0x221: {  	s4 =	sand.u32 $0x1FFFFF80, s10  }
0x222: {  	s1 =	sadd.s32 s5, s4;
	s4 =	sshrl.u32 s10, $0x3  }
0x223: {  	[tilespmem:s24], [sflag:$0x1] =	stream.strided.gather [hbm4b:s1+s15], $0x2000, s16, s15, $0x38;
	[tilespmem:$0x18500] =	vst v63  }
0x224: {  	s1 =	sand.u32 $0x1FFFFFF0, s4;
	s4 =	sand.u32 $0x7F, s9  }
0x225: {  	s9 =	simm.s32 $0x18480;
	s1 =	sadd.s32 s2, s1;
	v4 =	vor.u32 s4, v0  }
0x226: {  	[tilespmem:s9], [sflag:$0x2] =	stream.linear.gather [hbm4b:s1+s6], $0x80, $0x38;
	[tilespmem:$0x18500] =	vst v63  }
0x227: {  	_ =	swait.ge [sflag:s25], $0x2000  }
0x228: {  	[sflag:s25] =	ssyncset.done $0x0  }
0x229: {  	[sflag:s25] =	ssyncadd.s32 $0xFFFFE000  }
0x22a: {  	v4 =	vld.idx.msk [tilespmem:v4+s17+$0x0], $0xffff  }
0x22b: {  	v5 =	vor.u32 s4, v1;
	_ =	sdelay $0x2  }
0x22c: {  	s9 =	sshra.s32 s7, $0x2  }
0x22d: {  	[tilespmem:s9+$0x100] =	vst v4  }
0x22e: {  	v4 =	vld.idx.msk [tilespmem:v5+s17+$0x0], $0xffff  }
0x22f: {  	v5 =	vor.u32 s4, v2;
	_ =	sdelay $0x3  }
0x230: {  	[tilespmem:s9+$0x110] =	vst v4  }
0x231: {  	v4 =	vld.idx.msk [tilespmem:v5+s17+$0x0], $0xffff  }
0x232: {  	v5 =	vor.u32 s4, v3;
	_ =	sdelay $0x3  }
0x233: {  	[tilespmem:s9+$0x120] =	vst v4  }
0x234: {  	v4 =	vld.idx.msk [tilespmem:v5+s17+$0x0], $0xffff;
	_ =	sdelay $0x3  }
0x235: {  	v5 =	vmov s4  }
0x236: {  	s11 =	simm.s32 $0x2;
	[tilespmem:s9+$0x130] =	vst v4  }
0x237: {  	_ =	swait.ge [sflag:s11], $0x80  }
0x238: {  	[sflag:s11] =	ssyncset.done $0x0  }
0x239: {  	[sflag:s11] =	ssyncadd.s32 $0xFFFFFF80  }
0x23a: {  	v4 =	vld.idx.msk [tilespmem:v5+s12+$0x0], $0xffff;
	_ =	sdelay $0x2  }
0x23b: {  	s12 =	sand.u32 $0x7F, s30  }
0x23c: {  	v5 =	vor.u32 s12, v0  }
0x23d: {  	[tilespmem:s9+$0x4100] =	vst v4  }
0x23e: {  	_ =	swait.ge [sflag:s25], $0x2000  }
0x23f: {  	[sflag:s25] =	ssyncset.done $0x0  }
0x240: {  	[sflag:s25] =	ssyncadd.s32 $0xFFFFE000  }
0x241: {  	v4 =	vld.idx.msk [tilespmem:v5+s18+$0x0], $0xffff  }
0x242: {  	v5 =	vor.u32 s12, v1;
	_ =	sdelay $0x3  }
0x243: {  	[tilespmem:s9+$0x180] =	vst v4  }
0x244: {  	v4 =	vld.idx.msk [tilespmem:v5+s18+$0x0], $0xffff  }
0x245: {  	v5 =	vor.u32 s12, v2;
	_ =	sdelay $0x3  }
0x246: {  	[tilespmem:s9+$0x190] =	vst v4  }
0x247: {  	v4 =	vld.idx.msk [tilespmem:v5+s18+$0x0], $0xffff  }
0x248: {  	v5 =	vor.u32 s12, v3;
	_ =	sdelay $0x3  }
0x249: {  	[tilespmem:s9+$0x1A0] =	vst v4  }
0x24a: {  	v4 =	vld.idx.msk [tilespmem:v5+s18+$0x0], $0xffff;
	_ =	sdelay $0x3  }
0x24b: {  	v5 =	vmov s12  }
0x24c: {  	[tilespmem:s9+$0x1B0] =	vst v4  }
0x24d: {  	_ =	swait.ge [sflag:s11], $0x80  }
0x24e: {  	[sflag:s11] =	ssyncset.done $0x0  }
0x24f: {  	[sflag:s11] =	ssyncadd.s32 $0xFFFFFF80  }
0x250: {  	v4 =	vld.idx.msk [tilespmem:v5+s31+$0x0], $0xffff;
	_ =	sdelay $0x2  }
0x251: {  	s30 =	sand.u32 $0x7F, s29  }
0x252: {  	v5 =	vor.u32 s30, v0  }
0x253: {  	[tilespmem:s9+$0x4180] =	vst v4  }
0x254: {  	_ =	swait.ge [sflag:s25], $0x2000  }
0x255: {  	[sflag:s25] =	ssyncset.done $0x0  }
0x256: {  	[sflag:s25] =	ssyncadd.s32 $0xFFFFE000  }
0x257: {  	v4 =	vld.idx.msk [tilespmem:v5+s19+$0x0], $0xffff  }
0x258: {  	v5 =	vor.u32 s30, v1;
	_ =	sdelay $0x3  }
0x259: {  	[tilespmem:s9+$0x200] =	vst v4  }
0x25a: {  	v4 =	vld.idx.msk [tilespmem:v5+s19+$0x0], $0xffff  }
0x25b: {  	v5 =	vor.u32 s30, v2;
	_ =	sdelay $0x3  }
0x25c: {  	[tilespmem:s9+$0x210] =	vst v4  }
0x25d: {  	v4 =	vld.idx.msk [tilespmem:v5+s19+$0x0], $0xffff  }
0x25e: {  	v5 =	vor.u32 s30, v3;
	_ =	sdelay $0x3  }
0x25f: {  	[tilespmem:s9+$0x220] =	vst v4  }
0x260: {  	v4 =	vld.idx.msk [tilespmem:v5+s19+$0x0], $0xffff;
	_ =	sdelay $0x3  }
0x261: {  	v5 =	vmov s30  }
0x262: {  	[tilespmem:s9+$0x230] =	vst v4  }
0x263: {  	_ =	swait.ge [sflag:s11], $0x80  }
0x264: {  	[sflag:s11] =	ssyncset.done $0x0  }
0x265: {  	s4 =	simm.s32 $0x18200;
	[sflag:s11] =	ssyncadd.s32 $0xFFFFFF80  }
0x266: {  	v4 =	vld.idx.msk [tilespmem:v5+s4+$0x0], $0xffff;
	_ =	sdelay $0x2  }
0x267: {  	s31 =	sand.u32 $0x7F, s28  }
0x268: {  	v5 =	vor.u32 s31, v0  }
0x269: {  	[tilespmem:s9+$0x4200] =	vst v4  }
0x26a: {  	_ =	swait.ge [sflag:s25], $0x2000  }
0x26b: {  	[sflag:s25] =	ssyncset.done $0x0  }
0x26c: {  	[sflag:s25] =	ssyncadd.s32 $0xFFFFE000  }
0x26d: {  	v4 =	vld.idx.msk [tilespmem:v5+s20+$0x0], $0xffff  }
0x26e: {  	v5 =	vor.u32 s31, v1;
	_ =	sdelay $0x3  }
0x26f: {  	[tilespmem:s9+$0x280] =	vst v4  }
0x270: {  	v4 =	vld.idx.msk [tilespmem:v5+s20+$0x0], $0xffff  }
0x271: {  	v5 =	vor.u32 s31, v2;
	_ =	sdelay $0x3  }
0x272: {  	[tilespmem:s9+$0x290] =	vst v4  }
0x273: {  	v4 =	vld.idx.msk [tilespmem:v5+s20+$0x0], $0xffff  }
0x274: {  	v5 =	vor.u32 s31, v3;
	_ =	sdelay $0x3  }
0x275: {  	[tilespmem:s9+$0x2A0] =	vst v4  }
0x276: {  	v4 =	vld.idx.msk [tilespmem:v5+s20+$0x0], $0xffff;
	_ =	sdelay $0x3  }
0x277: {  	v5 =	vmov s31  }
0x278: {  	[tilespmem:s9+$0x2B0] =	vst v4  }
0x279: {  	_ =	swait.ge [sflag:s11], $0x80  }
0x27a: {  	[sflag:s11] =	ssyncset.done $0x0  }
0x27b: {  	[sflag:s11] =	ssyncadd.s32 $0xFFFFFF80  }
0x27c: {  	v4 =	vld.idx.msk [tilespmem:v5+s3+$0x0], $0xffff;
	_ =	sdelay $0x2  }
0x27d: {  	s3 =	sand.u32 $0x7F, s26  }
0x27e: {  	v5 =	vor.u32 s3, v0  }
0x27f: {  	[tilespmem:s9+$0x4280] =	vst v4  }
0x280: {  	_ =	swait.ge [sflag:s25], $0x2000  }
0x281: {  	[sflag:s25] =	ssyncset.done $0x0  }
0x282: {  	[sflag:s25] =	ssyncadd.s32 $0xFFFFE000  }
0x283: {  	v4 =	vld.idx.msk [tilespmem:v5+s21+$0x0], $0xffff  }
0x284: {  	v5 =	vor.u32 s3, v1;
	_ =	sdelay $0x3  }
0x285: {  	[tilespmem:s9+$0x300] =	vst v4  }
0x286: {  	v4 =	vld.idx.msk [tilespmem:v5+s21+$0x0], $0xffff  }
0x287: {  	v5 =	vor.u32 s3, v2;
	_ =	sdelay $0x3  }
0x288: {  	[tilespmem:s9+$0x310] =	vst v4  }
0x289: {  	v4 =	vld.idx.msk [tilespmem:v5+s21+$0x0], $0xffff  }
0x28a: {  	v5 =	vor.u32 s3, v3;
	_ =	sdelay $0x3  }
0x28b: {  	[tilespmem:s9+$0x320] =	vst v4  }
0x28c: {  	v4 =	vld.idx.msk [tilespmem:v5+s21+$0x0], $0xffff;
	_ =	sdelay $0x3  }
0x28d: {  	v5 =	vmov s3  }
0x28e: {  	[tilespmem:s9+$0x330] =	vst v4  }
0x28f: {  	_ =	swait.ge [sflag:s11], $0x80  }
0x290: {  	[sflag:s11] =	ssyncset.done $0x0  }
0x291: {  	[sflag:s11] =	ssyncadd.s32 $0xFFFFFF80;
	s11 =	simm.s32 $0x18300  }
0x292: {  	v4 =	vld.idx.msk [tilespmem:v5+s11+$0x0], $0xffff;
	_ =	sdelay $0x2  }
0x293: {  	s14 =	sand.u32 $0x7F, s14  }
0x294: {  	v5 =	vor.u32 s14, v0  }
0x295: {  	[tilespmem:s9+$0x4300] =	vst v4  }
0x296: {  	_ =	swait.ge [sflag:s25], $0x2000  }
0x297: {  	[sflag:s25] =	ssyncset.done $0x0  }
0x298: {  	[sflag:s25] =	ssyncadd.s32 $0xFFFFE000  }
0x299: {  	v4 =	vld.idx.msk [tilespmem:v5+s22+$0x0], $0xffff  }
0x29a: {  	v5 =	vor.u32 s14, v1;
	_ =	sdelay $0x3  }
0x29b: {  	[tilespmem:s9+$0x380] =	vst v4  }
0x29c: {  	v4 =	vld.idx.msk [tilespmem:v5+s22+$0x0], $0xffff  }
0x29d: {  	v5 =	vor.u32 s14, v2;
	_ =	sdelay $0x3  }
0x29e: {  	[tilespmem:s9+$0x390] =	vst v4  }
0x29f: {  	v4 =	vld.idx.msk [tilespmem:v5+s22+$0x0], $0xffff  }
0x2a0: {  	v5 =	vor.u32 s14, v3;
	_ =	sdelay $0x3  }
0x2a1: {  	[tilespmem:s9+$0x3A0] =	vst v4  }
0x2a2: {  	v4 =	vld.idx.msk [tilespmem:v5+s22+$0x0], $0xffff;
	_ =	sdelay $0x3  }
0x2a3: {  	v5 =	vmov s14  }
0x2a4: {  	s12 =	simm.s32 $0x2;
	[tilespmem:s9+$0x3B0] =	vst v4  }
0x2a5: {  	_ =	swait.ge [sflag:s12], $0x80  }
0x2a6: {  	[sflag:s12] =	ssyncset.done $0x0  }
0x2a7: {  	s26 =	simm.s32 $0x18380;
	[sflag:s12] =	ssyncadd.s32 $0xFFFFFF80  }
0x2a8: {  	v4 =	vld.idx.msk [tilespmem:v5+s26+$0x0], $0xffff;
	_ =	sdelay $0x2  }
0x2a9: {  	s28 =	sand.u32 $0x7F, s13  }
0x2aa: {  	v5 =	vor.u32 s28, v0  }
0x2ab: {  	[tilespmem:s9+$0x4380] =	vst v4  }
0x2ac: {  	_ =	swait.ge [sflag:s25], $0x2000  }
0x2ad: {  	[sflag:s25] =	ssyncset.done $0x0  }
0x2ae: {  	[sflag:s25] =	ssyncadd.s32 $0xFFFFE000  }
0x2af: {  	v4 =	vld.idx.msk [tilespmem:v5+s23+$0x0], $0xffff  }
0x2b0: {  	v5 =	vor.u32 s28, v1;
	_ =	sdelay $0x3  }
0x2b1: {  	[tilespmem:s9+$0x400] =	vst v4  }
0x2b2: {  	v4 =	vld.idx.msk [tilespmem:v5+s23+$0x0], $0xffff  }
0x2b3: {  	v5 =	vor.u32 s28, v2;
	_ =	sdelay $0x3  }
0x2b4: {  	[tilespmem:s9+$0x410] =	vst v4  }
0x2b5: {  	v4 =	vld.idx.msk [tilespmem:v5+s23+$0x0], $0xffff  }
0x2b6: {  	v5 =	vor.u32 s28, v3;
	_ =	sdelay $0x3  }
0x2b7: {  	[tilespmem:s9+$0x420] =	vst v4  }
0x2b8: {  	v4 =	vld.idx.msk [tilespmem:v5+s23+$0x0], $0xffff;
	_ =	sdelay $0x3  }
0x2b9: {  	v5 =	vmov s28  }
0x2ba: {  	[tilespmem:s9+$0x430] =	vst v4  }
0x2bb: {  	_ =	swait.ge [sflag:s12], $0x80  }
0x2bc: {  	[sflag:s12] =	ssyncset.done $0x0  }
0x2bd: {  	s29 =	simm.s32 $0x18400;
	[sflag:s12] =	ssyncadd.s32 $0xFFFFFF80  }
0x2be: {  	v4 =	vld.idx.msk [tilespmem:v5+s29+$0x0], $0xffff;
	_ =	sdelay $0x2  }
0x2bf: {  	s30 =	sand.u32 $0x7F, s10  }
0x2c0: {  	v5 =	vor.u32 s30, v0  }
0x2c1: {  	[tilespmem:s9+$0x4400] =	vst v4  }
0x2c2: {  	_ =	swait.ge [sflag:s25], $0x2000  }
0x2c3: {  	[sflag:s25] =	ssyncset.done $0x0  }
0x2c4: {  	[sflag:s25] =	ssyncadd.s32 $0xFFFFE000  }
0x2c5: {  	v4 =	vld.idx.msk [tilespmem:v5+s24+$0x0], $0xffff  }
0x2c6: {  	v5 =	vor.u32 s30, v1;
	_ =	sdelay $0x3  }
0x2c7: {  	[tilespmem:s9+$0x480] =	vst v4  }
0x2c8: {  	v4 =	vld.idx.msk [tilespmem:v5+s24+$0x0], $0xffff  }
0x2c9: {  	v5 =	vor.u32 s30, v2;
	_ =	sdelay $0x3  }
0x2ca: {  	[tilespmem:s9+$0x490] =	vst v4  }
0x2cb: {  	v4 =	vld.idx.msk [tilespmem:v5+s24+$0x0], $0xffff  }
0x2cc: {  	v5 =	vor.u32 s30, v3;
	_ =	sdelay $0x3  }
0x2cd: {  	[tilespmem:s9+$0x4A0] =	vst v4  }
0x2ce: {  	v4 =	vld.idx.msk [tilespmem:v5+s24+$0x0], $0xffff;
	_ =	sdelay $0x3  }
0x2cf: {  	v5 =	vmov s30  }
0x2d0: {  	[tilespmem:s9+$0x4B0] =	vst v4  }
0x2d1: {  	_ =	swait.ge [sflag:s12], $0x80  }
0x2d2: {  	[sflag:s12] =	ssyncset.done $0x0  }
0x2d3: {  	s31 =	simm.s32 $0x18480;
	[sflag:s12] =	ssyncadd.s32 $0xFFFFFF80  }
0x2d4: {  	p1 =	sne.s32 s7, $0xF000;
	v4 =	vld.idx.msk [tilespmem:v5+s31+$0x0], $0xffff  }
.Ltmp3:
0x2d5: {  	_ = 	snop;
	(pc) =	sbr.rel @p1 .LBB2_4-.Ltmp3, $2  }
0x2d6: {  	_ =	sdelay $0x2  }
0x2d7: {  	s8 =	sadd.s32 $0x8, s8;
	s7 =	sadd.s32 $0x1000, s7;
	[tilespmem:s9+$0x4480] =	vst v4  }
0x2d8: {  	s1 =	rddreg [dreg:$0x9];
	s4 =	simm.s32 $0x100;
	s14 =	simm.s32 $0x3  }
0x2d9: {  	[hbm4b:s1+s6] =	stream.linear.scatter [tilespmem:s4], [sflag:$0x3], $0x4000, $0x38;
	[tilespmem:$0x18500] =	vst v63  }
0x2da: {  	_ =	swait.ge [sflag:s14], $0x4000  }
0x2db: {  	s2 =	simm.s32 $0x4100;
	[sflag:s14] =	ssyncset.done $0x0  }
.Ltmp4:
0x2dc: {  	s31 =	rddreg [dreg:$0xa];
	[sflag:s14] =	ssyncadd.s32 $0xFFFFC000;
	(pc) =	sbr.rel @p0 .LBB2_7-.Ltmp4, $4  }
0x2dd: {  	[hbm4b:s31+s6] =	stream.linear.scatter [tilespmem:s2], [sflag:$0x3], $0x4000, $0x38;
	[tilespmem:$0x18500] =	vst v63  }
0x2de: {  	_ =	swait.ge [sflag:s14], $0x4000  }
0x2df: {  	[sflag:s14] =	ssyncset.done $0x0  }
0x2e0: {  	s2 =	simm.s32 $0x0;
	s3 =	rddreg [dreg:$0xe];
	[sflag:s14] =	ssyncadd.s32 $0xFFFFC000  }
0x2e1: {  	s1 =	rddreg [dreg:$0xb]  }
0x2e2: {  	[tilespmem:s2], [sflag:$0x3] =	stream.linear.gather [hbm4b:s1+s2], $0x8, $0x38;
	[tilespmem:$0x18500] =	vst v63  }
0x2e3: {  	_ =	swait.ge [sflag:s14], $0x8  }
0x2e4: {  	[sflag:s14] =	ssyncset.done $0x0  }
0x2e5: {  	[sflag:s14] =	ssyncadd.s32 $0xFFFFFFF8  }
0x2e6: {  	v4 =	vld [tilespmem:$0x0];
	_ =	sdelay $0x4  }
0x2e7: {  	(v2sf) =	vpush v4, $0x0;
	_ =	sdelay $0x3  }
0x2e8: {  	(v2sf) =	vpush v4, $0x1;
	_ =	sdelay $0x1  }
0x2e9: {  	(v2sf) =	vpush v4, $0x2;
	_ =	sdelay $0x2  }
0x2ea: {  	(v2sf) =	vpush v4, $0x3;
	_ =	sdelay $0x1  }
0x2eb: {  	(v2sf) =	vpush v4, $0x4;
	_ =	sdelay $0x3  }
0x2ec: {  	s1 =	spop (v2sf)  }
0x2ed: {  	s4 =	sand.u32 $0xFFFFF80, s1  }
0x2ee: {  	(v2sf) =	vpush v4, $0x5;
	s4 =	sadd.s32 s5, s4  }
0x2ef: {  	[tilespmem:s17], [sflag:$0x1] =	stream.strided.gather [hbm4b:s4+s15], $0x2000, s16, s15, $0x38;
	[tilespmem:$0x18500] =	vst v63  }
0x2f0: {  	s4 =	spop (v2sf);
	(v2sf) =	vpush v4, $0x6;
	_ =	sdelay $0x1  }
0x2f1: {  	s11 =	spop (v2sf);
	(v2sf) =	vpush v4, $0x7;
	_ =	sdelay $0x1  }
0x2f2: {  	s7 =	sand.u32 $0xFFFFF80, s4  }
0x2f3: {  	s7 =	sadd.s32 s5, s7;
	s12 =	sand.u32 $0xFFFFF80, s11;
	s13 =	spop (v2sf)  }
0x2f4: {  	[tilespmem:s18], [sflag:$0x1] =	stream.strided.gather [hbm4b:s7+s15], $0x2000, s16, s15, $0x38;
	[tilespmem:$0x18500] =	vst v63  }
0x2f5: {  	s7 =	sadd.s32 s5, s12;
	s26 =	sand.u32 $0xFFFFF80, s13;
	s10 =	spop (v2sf)  }
0x2f6: {  	[tilespmem:s19], [sflag:$0x1] =	stream.strided.gather [hbm4b:s7+s15], $0x2000, s16, s15, $0x38;
	[tilespmem:$0x18500] =	vst v63  }
0x2f7: {  	s28 =	sand.u32 $0xFFFFF80, s10;
	s7 =	sadd.s32 s5, s26  }
0x2f8: {  	[tilespmem:s20], [sflag:$0x1] =	stream.strided.gather [hbm4b:s7+s15], $0x2000, s16, s15, $0x38;
	[tilespmem:$0x18500] =	vst v63  }
0x2f9: {  	s7 =	sadd.s32 s5, s28  }
0x2fa: {  	[tilespmem:s21], [sflag:$0x1] =	stream.strided.gather [hbm4b:s7+s15], $0x2000, s16, s15, $0x38;
	[tilespmem:$0x18500] =	vst v63  }
0x2fb: {  	s9 =	spop (v2sf)  }
0x2fc: {  	s29 =	sand.u32 $0xFFFFF80, s9  }
0x2fd: {  	s7 =	sadd.s32 s5, s29;
	s8 =	spop (v2sf)  }
0x2fe: {  	[tilespmem:s22], [sflag:$0x1] =	stream.strided.gather [hbm4b:s7+s15], $0x2000, s16, s15, $0x38;
	[tilespmem:$0x18500] =	vst v63  }
0x2ff: {  	s30 =	sand.u32 $0xFFFFF80, s8;
	s31 =	spop (v2sf)  }
0x300: {  	s1 =	sand.u32 $0x7F, s1;
	s7 =	sadd.s32 s5, s30;
	s12 =	sand.u32 $0xFFFFF80, s31  }
0x301: {  	[tilespmem:s23], [sflag:$0x1] =	stream.strided.gather [hbm4b:s7+s15], $0x2000, s16, s15, $0x38;
	[tilespmem:$0x18500] =	vst v63  }
0x302: {  	v4 =	vor.u32 s1, v0;
	s12 =	sadd.s32 s5, s12  }
0x303: {  	[tilespmem:s24], [sflag:$0x1] =	stream.strided.gather [hbm4b:s12+s15], $0x2000, s16, s15, $0x38;
	[tilespmem:$0x18500] =	vst v63  }
0x304: {  	_ =	swait.ge [sflag:s25], $0x2000  }
0x305: {  	[sflag:s25] =	ssyncset.done $0x0  }
0x306: {  	[sflag:s25] =	ssyncadd.s32 $0xFFFFE000  }
0x307: {  	v4 =	vld.idx.msk [tilespmem:v4+s17+$0x0], $0xffff  }
0x308: {  	v5 =	vor.u32 s1, v1;
	_ =	sdelay $0x3  }
0x309: {  	[tilespmem:$0x100] =	vst v4  }
0x30a: {  	v4 =	vld.idx.msk [tilespmem:v5+s17+$0x0], $0xffff  }
0x30b: {  	v5 =	vor.u32 s1, v2;
	_ =	sdelay $0x3  }
0x30c: {  	[tilespmem:$0x110] =	vst v4  }
0x30d: {  	v4 =	vld.idx.msk [tilespmem:v5+s17+$0x0], $0xffff  }
0x30e: {  	v5 =	vor.u32 s1, v3;
	_ =	sdelay $0x3  }
0x30f: {  	[tilespmem:$0x120] =	vst v4  }
0x310: {  	v4 =	vld.idx.msk [tilespmem:v5+s17+$0x0], $0xffff;
	_ =	sdelay $0x2  }
0x311: {  	s5 =	sand.u32 $0x7F, s4  }
0x312: {  	v5 =	vor.u32 s5, v0  }
0x313: {  	[tilespmem:$0x130] =	vst v4  }
0x314: {  	_ =	swait.ge [sflag:s25], $0x2000  }
0x315: {  	[sflag:s25] =	ssyncset.done $0x0  }
0x316: {  	[sflag:s25] =	ssyncadd.s32 $0xFFFFE000  }
0x317: {  	v4 =	vld.idx.msk [tilespmem:v5+s18+$0x0], $0xffff  }
0x318: {  	v5 =	vor.u32 s5, v1;
	_ =	sdelay $0x3  }
0x319: {  	[tilespmem:$0x180] =	vst v4  }
0x31a: {  	v4 =	vld.idx.msk [tilespmem:v5+s18+$0x0], $0xffff  }
0x31b: {  	v5 =	vor.u32 s5, v2;
	_ =	sdelay $0x3  }
0x31c: {  	[tilespmem:$0x190] =	vst v4  }
0x31d: {  	v4 =	vld.idx.msk [tilespmem:v5+s18+$0x0], $0xffff  }
0x31e: {  	v5 =	vor.u32 s5, v3;
	_ =	sdelay $0x3  }
0x31f: {  	[tilespmem:$0x1A0] =	vst v4  }
0x320: {  	v4 =	vld.idx.msk [tilespmem:v5+s18+$0x0], $0xffff;
	_ =	sdelay $0x2  }
0x321: {  	s11 =	sand.u32 $0x7F, s11  }
0x322: {  	v5 =	vor.u32 s11, v0  }
0x323: {  	[tilespmem:$0x1B0] =	vst v4  }
0x324: {  	_ =	swait.ge [sflag:s25], $0x2000  }
0x325: {  	[sflag:s25] =	ssyncset.done $0x0  }
0x326: {  	[sflag:s25] =	ssyncadd.s32 $0xFFFFE000  }
0x327: {  	v4 =	vld.idx.msk [tilespmem:v5+s19+$0x0], $0xffff  }
0x328: {  	v5 =	vor.u32 s11, v1;
	_ =	sdelay $0x3  }
0x329: {  	[tilespmem:$0x200] =	vst v4  }
0x32a: {  	v4 =	vld.idx.msk [tilespmem:v5+s19+$0x0], $0xffff  }
0x32b: {  	v5 =	vor.u32 s11, v2;
	_ =	sdelay $0x3  }
0x32c: {  	[tilespmem:$0x210] =	vst v4  }
0x32d: {  	v4 =	vld.idx.msk [tilespmem:v5+s19+$0x0], $0xffff  }
0x32e: {  	v5 =	vor.u32 s11, v3;
	_ =	sdelay $0x3  }
0x32f: {  	[tilespmem:$0x220] =	vst v4  }
0x330: {  	v4 =	vld.idx.msk [tilespmem:v5+s19+$0x0], $0xffff;
	_ =	sdelay $0x2  }
0x331: {  	s12 =	sand.u32 $0x7F, s13  }
0x332: {  	v5 =	vor.u32 s12, v0  }
0x333: {  	[tilespmem:$0x230] =	vst v4  }
0x334: {  	_ =	swait.ge [sflag:s25], $0x2000  }
0x335: {  	[sflag:s25] =	ssyncset.done $0x0  }
0x336: {  	[sflag:s25] =	ssyncadd.s32 $0xFFFFE000  }
0x337: {  	v4 =	vld.idx.msk [tilespmem:v5+s20+$0x0], $0xffff  }
0x338: {  	v5 =	vor.u32 s12, v1;
	_ =	sdelay $0x3  }
0x339: {  	[tilespmem:$0x280] =	vst v4  }
0x33a: {  	v4 =	vld.idx.msk [tilespmem:v5+s20+$0x0], $0xffff  }
0x33b: {  	v5 =	vor.u32 s12, v2;
	_ =	sdelay $0x3  }
0x33c: {  	[tilespmem:$0x290] =	vst v4  }
0x33d: {  	v4 =	vld.idx.msk [tilespmem:v5+s20+$0x0], $0xffff  }
0x33e: {  	v5 =	vor.u32 s12, v3;
	_ =	sdelay $0x3  }
0x33f: {  	[tilespmem:$0x2A0] =	vst v4  }
0x340: {  	v4 =	vld.idx.msk [tilespmem:v5+s20+$0x0], $0xffff;
	_ =	sdelay $0x2  }
0x341: {  	s13 =	sand.u32 $0x7F, s10  }
0x342: {  	v5 =	vor.u32 s13, v0  }
0x343: {  	[tilespmem:$0x2B0] =	vst v4  }
0x344: {  	_ =	swait.ge [sflag:s25], $0x2000  }
0x345: {  	[sflag:s25] =	ssyncset.done $0x0  }
0x346: {  	[sflag:s25] =	ssyncadd.s32 $0xFFFFE000  }
0x347: {  	v4 =	vld.idx.msk [tilespmem:v5+s21+$0x0], $0xffff  }
0x348: {  	v5 =	vor.u32 s13, v1;
	_ =	sdelay $0x3  }
0x349: {  	[tilespmem:$0x300] =	vst v4  }
0x34a: {  	v4 =	vld.idx.msk [tilespmem:v5+s21+$0x0], $0xffff  }
0x34b: {  	v5 =	vor.u32 s13, v2;
	_ =	sdelay $0x3  }
0x34c: {  	[tilespmem:$0x310] =	vst v4  }
0x34d: {  	v4 =	vld.idx.msk [tilespmem:v5+s21+$0x0], $0xffff  }
0x34e: {  	v5 =	vor.u32 s13, v3;
	_ =	sdelay $0x3  }
0x34f: {  	[tilespmem:$0x320] =	vst v4  }
0x350: {  	v4 =	vld.idx.msk [tilespmem:v5+s21+$0x0], $0xffff;
	_ =	sdelay $0x2  }
0x351: {  	s26 =	sand.u32 $0x7F, s9  }
0x352: {  	v5 =	vor.u32 s26, v0  }
0x353: {  	[tilespmem:$0x330] =	vst v4  }
0x354: {  	_ =	swait.ge [sflag:s25], $0x2000  }
0x355: {  	[sflag:s25] =	ssyncset.done $0x0  }
0x356: {  	[sflag:s25] =	ssyncadd.s32 $0xFFFFE000  }
0x357: {  	v4 =	vld.idx.msk [tilespmem:v5+s22+$0x0], $0xffff  }
0x358: {  	v5 =	vor.u32 s26, v1;
	_ =	sdelay $0x3  }
0x359: {  	[tilespmem:$0x380] =	vst v4  }
0x35a: {  	v4 =	vld.idx.msk [tilespmem:v5+s22+$0x0], $0xffff  }
0x35b: {  	v5 =	vor.u32 s26, v2;
	_ =	sdelay $0x3  }
0x35c: {  	[tilespmem:$0x390] =	vst v4  }
0x35d: {  	v4 =	vld.idx.msk [tilespmem:v5+s22+$0x0], $0xffff  }
0x35e: {  	v5 =	vor.u32 s26, v3;
	_ =	sdelay $0x3  }
0x35f: {  	[tilespmem:$0x3A0] =	vst v4  }
0x360: {  	v4 =	vld.idx.msk [tilespmem:v5+s22+$0x0], $0xffff;
	_ =	sdelay $0x2  }
0x361: {  	s28 =	sand.u32 $0x7F, s8  }
0x362: {  	v5 =	vor.u32 s28, v0  }
0x363: {  	[tilespmem:$0x3B0] =	vst v4  }
0x364: {  	_ =	swait.ge [sflag:s25], $0x2000  }
0x365: {  	[sflag:s25] =	ssyncset.done $0x0  }
0x366: {  	[sflag:s25] =	ssyncadd.s32 $0xFFFFE000  }
0x367: {  	v4 =	vld.idx.msk [tilespmem:v5+s23+$0x0], $0xffff  }
0x368: {  	v5 =	vor.u32 s28, v1;
	_ =	sdelay $0x3  }
0x369: {  	[tilespmem:$0x400] =	vst v4  }
0x36a: {  	v4 =	vld.idx.msk [tilespmem:v5+s23+$0x0], $0xffff  }
0x36b: {  	v5 =	vor.u32 s28, v2;
	_ =	sdelay $0x3  }
0x36c: {  	[tilespmem:$0x410] =	vst v4  }
0x36d: {  	v4 =	vld.idx.msk [tilespmem:v5+s23+$0x0], $0xffff  }
0x36e: {  	v5 =	vor.u32 s28, v3;
	_ =	sdelay $0x3  }
0x36f: {  	[tilespmem:$0x420] =	vst v4  }
0x370: {  	v4 =	vld.idx.msk [tilespmem:v5+s23+$0x0], $0xffff;
	_ =	sdelay $0x2  }
0x371: {  	s29 =	sand.u32 $0x7F, s31  }
0x372: {  	v5 =	vor.u32 s29, v0  }
0x373: {  	[tilespmem:$0x430] =	vst v4  }
0x374: {  	_ =	swait.ge [sflag:s25], $0x2000  }
0x375: {  	[sflag:s25] =	ssyncset.done $0x0  }
0x376: {  	[sflag:s25] =	ssyncadd.s32 $0xFFFFE000  }
0x377: {  	v4 =	vld.idx.msk [tilespmem:v5+s24+$0x0], $0xffff  }
0x378: {  	v5 =	vor.u32 s29, v1;
	_ =	sdelay $0x3  }
0x379: {  	[tilespmem:$0x480] =	vst v4  }
0x37a: {  	v4 =	vld.idx.msk [tilespmem:v5+s24+$0x0], $0xffff  }
0x37b: {  	v5 =	vor.u32 s29, v2;
	_ =	sdelay $0x3  }
0x37c: {  	[tilespmem:$0x490] =	vst v4  }
0x37d: {  	v4 =	vld.idx.msk [tilespmem:v5+s24+$0x0], $0xffff  }
0x37e: {  	v5 =	vor.u32 s29, v3;
	_ =	sdelay $0x3  }
0x37f: {  	[tilespmem:$0x4A0] =	vst v4  }
0x380: {  	v4 =	vld.idx.msk [tilespmem:v5+s24+$0x0], $0xffff;
	_ =	sdelay $0x4  }
.Ltmp5:
0x381: {  	s31 =	simm.s32 $0x100;
	s30 =	rddreg [dreg:$0xc];
	[tilespmem:$0x4B0] =	vst v4;
	(pc) =	sbr.rel .LBB2_7-.Ltmp5, $4  }
0x382: {  	[hbm4b:s30+s2] =	stream.linear.scatter [tilespmem:s31], [sflag:$0x3], $0x400, $0x38;
	[tilespmem:$0x18500] =	vst v63  }
0x383: {  	_ =	swait.ge [sflag:s14], $0x400  }
0x384: {  	[sflag:s14] =	ssyncset.done $0x0  }
0x385: {  	[sflag:s14] =	ssyncadd.s32 $0xFFFFFC00  }
.LBB2_8:
0x386: {  	_ =	sfence.sel $0x180000  }
0x387: {  	[bflag:$0x0] =	sbarrier.arrive $0xFFFF  }
0x388: {  	_ =	strace $0x90000047  }
0x389: {  	s0 =	stileid.u32;
	[bflag:$0x2] =	sbarrier.arrive $0xFFFF  }
0x38a: {  	p0 =	sne.s32 s0, $0x0;
	s0 =	rddreg [dreg:$0x5]  }
0x38b: {  	s0 =	sadd.s32 @!p0 $0x100000, s0  }
0x38c: {  	[sflag:s0] =	ssyncadd.tile.s32 @!p0 $0x1;
	_ =	shalt  }
.Lfunc_end2:
_tile_overlayer_lowered:
.L_overlay_start_2:
0x38d: {  	(tag) =	ssettag $0x2  }
0x38e: {  	s0 =	rddreg [dreg:$0x0];
	s2 =	stileid.u32  }
0x38f: {  	s1 =	rddreg [dreg:$0x1];
	p0 =	sne.s32 s2, $0x0  }
0x390: {  	s3 =	rddreg [dreg:$0x2];
	[bflag:$0x3] =	sbarrier.arrive $0xFFFF;
	s2 =	simm.s32 @!p0 $0x1C03  }
0x391: {  	[timem:s3], [sflag:s2] =	dma.local @!p0 [hbm:s0], s1  }
0x392: {  	s0 =	simm.s32 @!p0 $0x3  }
0x393: {  	_ =	swait.ge @!p0 [sflag:s0], s1  }
0x394: {  	s1 =	ssub.s32 @!p0 $0x0, s1;
	[sflag:s0] =	ssyncset.done @!p0 $0x0  }
0x395: {  	[sflag:s0] =	ssyncadd.s32 @!p0 s1  }
0x396: {  	[bflag:$0x3] =	sbarrier.arrive $0xFFFF  }
0x397: {  	_ =	shalt  }

</sc_bundles>
